<compile_context>
chip_gen: v7x
topology: tpu7x:2x2x1
jax: 0.10.2.dev20260603
libtpu: 0.0.44.dev20260713+nightly
codegen_flags: <defaults>
</compile_context>

<pallas_src>
import jax
import jax.numpy as jnp
from jax import lax
from jax.experimental import pallas as pl
from jax.experimental.pallas import tpu as pltpu
from jax.experimental.pallas import tpu_sc as plsc

NUM_CORES = 2
NUM_SUBCORES = 16
LANES = 16
NW = NUM_CORES * NUM_SUBCORES

BATCH = 16384
EMBED_DIM = 32
ROW_W = 128
B_PER_W = BATCH // NW
HALF = B_PER_W // 2


def _mf_kernel(user_ids, item_ids, user_rows, item_rows, user_bias,
               item_bias, global_bias, out_hbm,
               uidx_v, iidx_v, urows_v, irows_v, ub_v, ib_v, gb_v, out_v,
               sem):
    wid = lax.axis_index("s") * NUM_CORES + lax.axis_index("c")
    base = wid * B_PER_W

    pltpu.sync_copy(user_ids.at[pl.ds(base, B_PER_W)], uidx_v)
    pltpu.sync_copy(item_ids.at[pl.ds(base, B_PER_W)], iidx_v)
    pltpu.sync_copy(global_bias, gb_v)

    cub = pltpu.async_copy(user_bias.at[uidx_v], ub_v, sem)
    cib = pltpu.async_copy(item_bias.at[iidx_v], ib_v, sem)

    cub.wait()
    cib.wait()
    gb = gb_v[...]

    for h in range(2):
        hoff = h * HALF
        cu = pltpu.async_copy(
            user_rows.at[uidx_v.at[pl.ds(hoff, HALF)]], urows_v, sem)
        ci = pltpu.async_copy(
            item_rows.at[iidx_v.at[pl.ds(hoff, HALF)]], irows_v, sem)
        cu.wait()
        ci.wait()

        def block_body(blk, carry):
            off = hoff + blk * LANES
            rows = blk * LANES + lax.iota(jnp.int32, LANES)
            acc = ub_v[pl.ds(off, LANES)] + ib_v[pl.ds(off, LANES)] + gb
            for d in range(EMBED_DIM):
                dcol = jnp.full((LANES,), d, jnp.int32)
                u = plsc.load_gather(urows_v, [rows, dcol])
                v = plsc.load_gather(irows_v, [rows, dcol])
                acc = acc + u * v
            out_v[pl.ds(off, LANES)] = acc
            return carry

        lax.fori_loop(0, HALF // LANES, block_body, 0, unroll=2)

    pltpu.sync_copy(out_v, out_hbm.at[pl.ds(base, B_PER_W)])


_TW = 8192


def _tp_kernel(src, dst):
    dst[...] = jnp.concatenate(
        [src[...].T,
         jnp.zeros((_TW, ROW_W - EMBED_DIM), jnp.float32)], axis=1)


def _pad_transpose(table_t):
    n = table_t.shape[1]
    grid = (n + _TW - 1) // _TW
    return pl.pallas_call(
        _tp_kernel,
        grid=(grid,),
        in_specs=[pl.BlockSpec((EMBED_DIM, _TW), lambda j: (0, j))],
        out_specs=pl.BlockSpec((_TW, ROW_W), lambda j: (j, 0)),
        out_shape=jax.ShapeDtypeStruct((n, ROW_W), jnp.float32),
    )(table_t)


@jax.jit
def kernel(user_ids, item_ids, user_table, item_table, user_bias, item_bias,
           global_bias):
    mesh = plsc.VectorSubcoreMesh(core_axis_name="c", subcore_axis_name="s")
    run = pl.kernel(
        _mf_kernel, mesh=mesh,
        compiler_params=pltpu.CompilerParams(
            needs_layout_passes=False, use_tc_tiling_on_sc=True),
        out_type=jax.ShapeDtypeStruct((BATCH,), jnp.float32),
        scratch_types=[
            pltpu.VMEM((B_PER_W,), jnp.int32),
            pltpu.VMEM((B_PER_W,), jnp.int32),
            pltpu.VMEM((HALF, ROW_W), jnp.float32),
            pltpu.VMEM((HALF, ROW_W), jnp.float32),
            pltpu.VMEM((B_PER_W,), jnp.float32),
            pltpu.VMEM((B_PER_W,), jnp.float32),
            pltpu.VMEM((LANES,), jnp.float32),
            pltpu.VMEM((B_PER_W,), jnp.float32),
            pltpu.SemaphoreType.DMA,
        ],
    )
    gb16 = jnp.broadcast_to(global_bias.astype(jnp.float32), (LANES,))
    return run(user_ids.astype(jnp.int32), item_ids.astype(jnp.int32),
               _pad_transpose(user_table.T), _pad_transpose(item_table.T),
               user_bias.reshape(-1), item_bias.reshape(-1), gb16)

# --- scband reference (transcript-rebuilt; emitter-appended) ---
"""Pipeline reference for scband-matrix-factorization-22239340659172 (READ-ONLY COPY).

The authoritative reference and input builder live on the scoring server;
editing this copy changes nothing except your own understanding.
"""

import jax, jax.numpy as jnp
import numpy as np

NUM_USERS = 1000000
NUM_ITEMS = 1000000
EMBED_DIM = 32
BATCH = 16384

def setup_inputs(seed: int = 0) -> dict:
    key = jax.random.key(seed)
    k1, k2, k3, k4 = jax.random.split(key, 4)
    user_ids = jax.random.randint(k1, (BATCH,), 0, NUM_USERS, dtype=jnp.int64 if jax.config.jax_enable_x64 else jnp.int32)
    item_ids = jax.random.randint(k2, (BATCH,), 0, NUM_ITEMS, dtype=jnp.int64 if jax.config.jax_enable_x64 else jnp.int32)
    user_table = jax.random.normal(k3, (NUM_USERS, EMBED_DIM), dtype=jnp.float32) * 0.01
    item_table = jax.random.normal(k4, (NUM_ITEMS, EMBED_DIM), dtype=jnp.float32) * 0.01
    user_bias = jnp.zeros((NUM_USERS, 1), dtype=jnp.float32)
    item_bias = jnp.zeros((NUM_ITEMS, 1), dtype=jnp.float32)
    global_bias = jnp.zeros((1,), dtype=jnp.float32)
    return {"user_ids": user_ids, "item_ids": item_ids, "user_table": user_table, "item_table": item_table, "user_bias": user_bias, "item_bias": item_bias, "global_bias": global_bias}

def reference(user_ids, item_ids, user_table, item_table, user_bias, item_bias, global_bias):
    user_emb = jnp.take(user_table, user_ids, axis=0)
    item_emb = jnp.take(item_table, item_ids, axis=0)
    interaction = (user_emb * item_emb).sum(axis=1)
    ub = jnp.take(user_bias, user_ids, axis=0).squeeze(-1)
    ib = jnp.take(item_bias, item_ids, axis=0).squeeze(-1)
    prediction = interaction + ub + ib + global_bias
    return prediction

if __name__ == "__main__":
    import jax
    _d = setup_inputs()
    print(jax.jit(kernel)(*tuple(_d.values())))

</pallas_src>

<mosaic_0001>
#map = affine_map<(d0, d1) -> (0)>
#map1 = affine_map<(d0, d1) -> (0, 0)>
module attributes {stable_mosaic.version = 14 : i64} {
  func.func @_mf_kernel(%arg0: i32, %arg1: i32, %arg2: memref<16384xi32, #tpu.memory_space<hbm>>, %arg3: memref<16384xi32, #tpu.memory_space<hbm>>, %arg4: memref<1000000x128xf32, #tpu.memory_space<hbm>>, %arg5: memref<1000000x128xf32, #tpu.memory_space<hbm>>, %arg6: memref<1000000xf32, #tpu.memory_space<hbm>>, %arg7: memref<1000000xf32, #tpu.memory_space<hbm>>, %arg8: memref<16xf32, #tpu.memory_space<hbm>>, %arg9: memref<16384xf32, #tpu.memory_space<hbm>>, %arg10: memref<512xi32, #tpu.memory_space<vmem>>, %arg11: memref<512xi32, #tpu.memory_space<vmem>>, %arg12: memref<256x128xf32, #tpu.memory_space<vmem>>, %arg13: memref<256x128xf32, #tpu.memory_space<vmem>>, %arg14: memref<512xf32, #tpu.memory_space<vmem>>, %arg15: memref<512xf32, #tpu.memory_space<vmem>>, %arg16: memref<16xf32, #tpu.memory_space<vmem>>, %arg17: memref<512xf32, #tpu.memory_space<vmem>>, %arg18: memref<!tpu.dma_semaphore, #tpu.memory_space<semaphore_mem>>) attributes {dimension_semantics = [#tpu.dimension_semantics<core_parallel>, #tpu.dimension_semantics<subcore_parallel>], iteration_bounds = array<i64: 2, 16>, scalar_prefetch = 0 : i64, scratch_operands = 9 : i64, tpu.core_type = #tpu.core_type<sc_vector_subcore>, window_params = [{transform_indices = #map}, {transform_indices = #map}, {transform_indices = #map1}, {transform_indices = #map1}, {transform_indices = #map}, {transform_indices = #map}, {transform_indices = #map}, {transform_indices = #map}]} {
    %mul3A = arith.constant 2 : i32
    %mul3A_0 = arith.muli %arg1, %mul3A : i32
    %add3A = arith.addi %mul3A_0, %arg0 : i32
    %mul3A_1 = arith.constant 512 : i32
    %mul3A_2 = arith.muli %add3A, %mul3A_1 : i32
    "tpu.region"() ({
      %run_scoped3A = tpu.sem_alloc : memref<!tpu.dma_semaphore, #tpu.memory_space<semaphore_mem>>
      %dma_start3A_61 = tpu.memref_slice %arg2[%mul3A_2] : memref<16384xi32, #tpu.memory_space<hbm>> -> memref<512xi32, #tpu.memory_space<hbm>>
      %dma_start3A_62 = tpu.memref_slice %arg2[%mul3A_2] : memref<16384xi32, #tpu.memory_space<hbm>> -> memref<512xi32, #tpu.memory_space<hbm>>
      tpu.enqueue_dma source(%dma_start3A_62 : memref<512xi32, #tpu.memory_space<hbm>>) target(%arg10 : memref<512xi32, #tpu.memory_space<vmem>>) target_semaphore(%run_scoped3A : memref<!tpu.dma_semaphore, #tpu.memory_space<semaphore_mem>>)
      %dma_wait3A_63 = tpu.memref_slice %arg2[%mul3A_2] : memref<16384xi32, #tpu.memory_space<hbm>> -> memref<512xi32, #tpu.memory_space<hbm>>
      %dma_wait3A_64 = tpu.memref_slice %arg2[%mul3A_2] : memref<16384xi32, #tpu.memory_space<hbm>> -> memref<512xi32, #tpu.memory_space<hbm>>
      tpu.wait_dma2 semaphore(%run_scoped3A : memref<!tpu.dma_semaphore, #tpu.memory_space<semaphore_mem>>) src(%dma_wait3A_64 : memref<512xi32, #tpu.memory_space<hbm>>) dst(%arg10 : memref<512xi32, #tpu.memory_space<vmem>>)
      tpu.yield
    }) : () -> ()
    "tpu.region"() ({
      %run_scoped3A = tpu.sem_alloc : memref<!tpu.dma_semaphore, #tpu.memory_space<semaphore_mem>>
      %dma_start3A_61 = tpu.memref_slice %arg3[%mul3A_2] : memref<16384xi32, #tpu.memory_space<hbm>> -> memref<512xi32, #tpu.memory_space<hbm>>
      %dma_start3A_62 = tpu.memref_slice %arg3[%mul3A_2] : memref<16384xi32, #tpu.memory_space<hbm>> -> memref<512xi32, #tpu.memory_space<hbm>>
      tpu.enqueue_dma source(%dma_start3A_62 : memref<512xi32, #tpu.memory_space<hbm>>) target(%arg11 : memref<512xi32, #tpu.memory_space<vmem>>) target_semaphore(%run_scoped3A : memref<!tpu.dma_semaphore, #tpu.memory_space<semaphore_mem>>)
      %dma_wait3A_63 = tpu.memref_slice %arg3[%mul3A_2] : memref<16384xi32, #tpu.memory_space<hbm>> -> memref<512xi32, #tpu.memory_space<hbm>>
      %dma_wait3A_64 = tpu.memref_slice %arg3[%mul3A_2] : memref<16384xi32, #tpu.memory_space<hbm>> -> memref<512xi32, #tpu.memory_space<hbm>>
      tpu.wait_dma2 semaphore(%run_scoped3A : memref<!tpu.dma_semaphore, #tpu.memory_space<semaphore_mem>>) src(%dma_wait3A_64 : memref<512xi32, #tpu.memory_space<hbm>>) dst(%arg11 : memref<512xi32, #tpu.memory_space<vmem>>)
      tpu.yield
    }) : () -> ()
    "tpu.region"() ({
      %run_scoped3A = tpu.sem_alloc : memref<!tpu.dma_semaphore, #tpu.memory_space<semaphore_mem>>
      tpu.enqueue_dma source(%arg8 : memref<16xf32, #tpu.memory_space<hbm>>) target(%arg16 : memref<16xf32, #tpu.memory_space<vmem>>) target_semaphore(%run_scoped3A : memref<!tpu.dma_semaphore, #tpu.memory_space<semaphore_mem>>)
      tpu.wait_dma2 semaphore(%run_scoped3A : memref<!tpu.dma_semaphore, #tpu.memory_space<semaphore_mem>>) src(%arg8 : memref<16xf32, #tpu.memory_space<hbm>>) dst(%arg16 : memref<16xf32, #tpu.memory_space<vmem>>)
      tpu.yield
    }) : () -> ()
    %dma_start3A = arith.constant 0 : i32
    %dma_start3A_3 = tpu.memref_slice %arg6[%dma_start3A] : memref<1000000xf32, #tpu.memory_space<hbm>> -> memref<1000000xf32, #tpu.memory_space<hbm>>
    tpu.enqueue_indirect_dma source(%dma_start3A_3 : memref<1000000xf32, #tpu.memory_space<hbm>>) target(%arg14 : memref<512xf32, #tpu.memory_space<vmem>>) offsets(%arg10 : memref<512xi32, #tpu.memory_space<vmem>>) semaphore(%arg18 : memref<!tpu.dma_semaphore, #tpu.memory_space<semaphore_mem>>)
    %dma_start3A_4 = arith.constant 0 : i32
    %dma_start3A_5 = tpu.memref_slice %arg7[%dma_start3A_4] : memref<1000000xf32, #tpu.memory_space<hbm>> -> memref<1000000xf32, #tpu.memory_space<hbm>>
    tpu.enqueue_indirect_dma source(%dma_start3A_5 : memref<1000000xf32, #tpu.memory_space<hbm>>) target(%arg15 : memref<512xf32, #tpu.memory_space<vmem>>) offsets(%arg11 : memref<512xi32, #tpu.memory_space<vmem>>) semaphore(%arg18 : memref<!tpu.dma_semaphore, #tpu.memory_space<semaphore_mem>>)
    %dma_wait3A = arith.constant 0 : i32
    %dma_wait3A_6 = tpu.memref_slice %arg6[%dma_wait3A] : memref<1000000xf32, #tpu.memory_space<hbm>> -> memref<1000000xf32, #tpu.memory_space<hbm>>
    tpu.wait_indirect_dma semaphore(%arg18 : memref<!tpu.dma_semaphore, #tpu.memory_space<semaphore_mem>>) src(%dma_wait3A_6 : memref<1000000xf32, #tpu.memory_space<hbm>>) dst(%arg14 : memref<512xf32, #tpu.memory_space<vmem>>)
    %dma_wait3A_7 = arith.constant 0 : i32
    %dma_wait3A_8 = tpu.memref_slice %arg7[%dma_wait3A_7] : memref<1000000xf32, #tpu.memory_space<hbm>> -> memref<1000000xf32, #tpu.memory_space<hbm>>
    tpu.wait_indirect_dma semaphore(%arg18 : memref<!tpu.dma_semaphore, #tpu.memory_space<semaphore_mem>>) src(%dma_wait3A_8 : memref<1000000xf32, #tpu.memory_space<hbm>>) dst(%arg15 : memref<512xf32, #tpu.memory_space<vmem>>)
    %get3A = arith.constant 0 : index
    %get3A_9 = tpu.vector_load %arg16[%get3A] {strides = array<i32>} : memref<16xf32, #tpu.memory_space<vmem>>, vector<16xf32>,
    %dma_start3A_10 = arith.constant 0 : i32
    %dma_start3A_11 = tpu.memref_slice %arg10[%dma_start3A_10] : memref<512xi32, #tpu.memory_space<vmem>> -> memref<256xi32, #tpu.memory_space<vmem>>
    %dma_start3A_12 = arith.constant 0 : i32
    %dma_start3A_13 = arith.constant 0 : i32
    %dma_start3A_14 = tpu.memref_slice %arg4[%dma_start3A_12, %dma_start3A_13] : memref<1000000x128xf32, #tpu.memory_space<hbm>> -> memref<1000000x128xf32, #tpu.memory_space<hbm>>
    tpu.enqueue_indirect_dma source(%dma_start3A_14 : memref<1000000x128xf32, #tpu.memory_space<hbm>>) target(%arg12 : memref<256x128xf32, #tpu.memory_space<vmem>>) offsets(%dma_start3A_11 : memref<256xi32, #tpu.memory_space<vmem>>) semaphore(%arg18 : memref<!tpu.dma_semaphore, #tpu.memory_space<semaphore_mem>>)
    %dma_start3A_15 = arith.constant 0 : i32
    %dma_start3A_16 = tpu.memref_slice %arg11[%dma_start3A_15] : memref<512xi32, #tpu.memory_space<vmem>> -> memref<256xi32, #tpu.memory_space<vmem>>
    %dma_start3A_17 = arith.constant 0 : i32
    %dma_start3A_18 = arith.constant 0 : i32
    %dma_start3A_19 = tpu.memref_slice %arg5[%dma_start3A_17, %dma_start3A_18] : memref<1000000x128xf32, #tpu.memory_space<hbm>> -> memref<1000000x128xf32, #tpu.memory_space<hbm>>
    tpu.enqueue_indirect_dma source(%dma_start3A_19 : memref<1000000x128xf32, #tpu.memory_space<hbm>>) target(%arg13 : memref<256x128xf32, #tpu.memory_space<vmem>>) offsets(%dma_start3A_16 : memref<256xi32, #tpu.memory_space<vmem>>) semaphore(%arg18 : memref<!tpu.dma_semaphore, #tpu.memory_space<semaphore_mem>>)
    %dma_wait3A_20 = arith.constant 0 : i32
    %dma_wait3A_21 = tpu.memref_slice %arg10[%dma_wait3A_20] : memref<512xi32, #tpu.memory_space<vmem>> -> memref<256xi32, #tpu.memory_space<vmem>>
    %dma_wait3A_22 = arith.constant 0 : i32
    %dma_wait3A_23 = arith.constant 0 : i32
    %dma_wait3A_24 = tpu.memref_slice %arg4[%dma_wait3A_22, %dma_wait3A_23] : memref<1000000x128xf32, #tpu.memory_space<hbm>> -> memref<1000000x128xf32, #tpu.memory_space<hbm>>
    tpu.wait_indirect_dma semaphore(%arg18 : memref<!tpu.dma_semaphore, #tpu.memory_space<semaphore_mem>>) src(%dma_wait3A_24 : memref<1000000x128xf32, #tpu.memory_space<hbm>>) dst(%arg12 : memref<256x128xf32, #tpu.memory_space<vmem>>)
    %dma_wait3A_25 = arith.constant 0 : i32
    %dma_wait3A_26 = tpu.memref_slice %arg11[%dma_wait3A_25] : memref<512xi32, #tpu.memory_space<vmem>> -> memref<256xi32, #tpu.memory_space<vmem>>
    %dma_wait3A_27 = arith.constant 0 : i32
    %dma_wait3A_28 = arith.constant 0 : i32
    %dma_wait3A_29 = tpu.memref_slice %arg5[%dma_wait3A_27, %dma_wait3A_28] : memref<1000000x128xf32, #tpu.memory_space<hbm>> -> memref<1000000x128xf32, #tpu.memory_space<hbm>>
    tpu.wait_indirect_dma semaphore(%arg18 : memref<!tpu.dma_semaphore, #tpu.memory_space<semaphore_mem>>) src(%dma_wait3A_29 : memref<1000000x128xf32, #tpu.memory_space<hbm>>) dst(%arg13 : memref<256x128xf32, #tpu.memory_space<vmem>>)
    %scan3A = arith.constant 0 : i32
    %scan3A_30 = arith.constant 0 : i32
    %scan3A_31 = arith.constant 16 : i32
    %scan3A_32 = arith.addi %scan3A_30, %scan3A_31 : i32
    %scan3A_33 = arith.constant 2 : i32
    scf.for %scan3A_61 = %scan3A_30 to %scan3A_32 step %scan3A_33  : i32 {
      %mul3A_62 = arith.constant 16 : i32
      %mul3A_63 = arith.muli %scan3A_61, %mul3A_62 : i32
      %add3A_64 = arith.constant 0 : i32
      %add3A_65 = arith.addi %add3A_64, %mul3A_63 : i32
      %mul3A_66 = arith.constant 16 : i32
      %mul3A_67 = arith.muli %scan3A_61, %mul3A_66 : i32
      %iota3A = tpu.iota {dimensions = array<i32: 0>} : vector<16xi32>
      %add3A_68 = vector.broadcast %mul3A_67 : i32 to vector<16xi32>
      %add3A_69 = arith.addi %add3A_68, %iota3A : vector<16xi32>
      %get3A_70 = arith.index_cast %add3A_65 : i32 to index
      %get3A_71 = tpu.vector_load %arg14[%get3A_70] {strides = array<i32>} : memref<512xf32, #tpu.memory_space<vmem>>, vector<16xf32>,
      %get3A_72 = arith.index_cast %add3A_65 : i32 to index
      %get3A_73 = tpu.vector_load %arg15[%get3A_72] {strides = array<i32>} : memref<512xf32, #tpu.memory_space<vmem>>, vector<16xf32>,
      %add3A_74 = arith.addf %get3A_71, %get3A_73 : vector<16xf32>
      %add3A_75 = arith.addf %add3A_74, %get3A_9 : vector<16xf32>
      %broadcast_in_dim3A = arith.constant 0 : i32
      %broadcast_in_dim3A_76 = vector.broadcast %broadcast_in_dim3A : i32 to vector<16xi32>
      %gather3A = tpu.vector_load_idx %arg12[%add3A_69, %broadcast_in_dim3A_76] : memref<256x128xf32, #tpu.memory_space<vmem>>[vector<16xi32>, vector<16xi32>], vector<16xf32>,
      %gather3A_77 = tpu.vector_load_idx %arg13[%add3A_69, %broadcast_in_dim3A_76] : memref<256x128xf32, #tpu.memory_space<vmem>>[vector<16xi32>, vector<16xi32>], vector<16xf32>,
      %mul3A_78 = arith.mulf %gather3A, %gather3A_77 : vector<16xf32>
      %add3A_79 = arith.addf %add3A_75, %mul3A_78 : vector<16xf32>
      %broadcast_in_dim3A_80 = arith.constant 1 : i32
      %broadcast_in_dim3A_81 = vector.broadcast %broadcast_in_dim3A_80 : i32 to vector<16xi32>
      %gather3A_82 = tpu.vector_load_idx %arg12[%add3A_69, %broadcast_in_dim3A_81] : memref<256x128xf32, #tpu.memory_space<vmem>>[vector<16xi32>, vector<16xi32>], vector<16xf32>,
      %gather3A_83 = tpu.vector_load_idx %arg13[%add3A_69, %broadcast_in_dim3A_81] : memref<256x128xf32, #tpu.memory_space<vmem>>[vector<16xi32>, vector<16xi32>], vector<16xf32>,
      %mul3A_84 = arith.mulf %gather3A_82, %gather3A_83 : vector<16xf32>
      %add3A_85 = arith.addf %add3A_79, %mul3A_84 : vector<16xf32>
      %broadcast_in_dim3A_86 = arith.constant 2 : i32
      %broadcast_in_dim3A_87 = vector.broadcast %broadcast_in_dim3A_86 : i32 to vector<16xi32>
      %gather3A_88 = tpu.vector_load_idx %arg12[%add3A_69, %broadcast_in_dim3A_87] : memref<256x128xf32, #tpu.memory_space<vmem>>[vector<16xi32>, vector<16xi32>], vector<16xf32>,
      %gather3A_89 = tpu.vector_load_idx %arg13[%add3A_69, %broadcast_in_dim3A_87] : memref<256x128xf32, #tpu.memory_space<vmem>>[vector<16xi32>, vector<16xi32>], vector<16xf32>,
      %mul3A_90 = arith.mulf %gather3A_88, %gather3A_89 : vector<16xf32>
      %add3A_91 = arith.addf %add3A_85, %mul3A_90 : vector<16xf32>
      %broadcast_in_dim3A_92 = arith.constant 3 : i32
      %broadcast_in_dim3A_93 = vector.broadcast %broadcast_in_dim3A_92 : i32 to vector<16xi32>
      %gather3A_94 = tpu.vector_load_idx %arg12[%add3A_69, %broadcast_in_dim3A_93] : memref<256x128xf32, #tpu.memory_space<vmem>>[vector<16xi32>, vector<16xi32>], vector<16xf32>,
      %gather3A_95 = tpu.vector_load_idx %arg13[%add3A_69, %broadcast_in_dim3A_93] : memref<256x128xf32, #tpu.memory_space<vmem>>[vector<16xi32>, vector<16xi32>], vector<16xf32>,
      %mul3A_96 = arith.mulf %gather3A_94, %gather3A_95 : vector<16xf32>
      %add3A_97 = arith.addf %add3A_91, %mul3A_96 : vector<16xf32>
      %broadcast_in_dim3A_98 = arith.constant 4 : i32
      %broadcast_in_dim3A_99 = vector.broadcast %broadcast_in_dim3A_98 : i32 to vector<16xi32>
      %gather3A_100 = tpu.vector_load_idx %arg12[%add3A_69, %broadcast_in_dim3A_99] : memref<256x128xf32, #tpu.memory_space<vmem>>[vector<16xi32>, vector<16xi32>], vector<16xf32>,
      %gather3A_101 = tpu.vector_load_idx %arg13[%add3A_69, %broadcast_in_dim3A_99] : memref<256x128xf32, #tpu.memory_space<vmem>>[vector<16xi32>, vector<16xi32>], vector<16xf32>,
      %mul3A_102 = arith.mulf %gather3A_100, %gather3A_101 : vector<16xf32>
      %add3A_103 = arith.addf %add3A_97, %mul3A_102 : vector<16xf32>
      %broadcast_in_dim3A_104 = arith.constant 5 : i32
      %broadcast_in_dim3A_105 = vector.broadcast %broadcast_in_dim3A_104 : i32 to vector<16xi32>
      %gather3A_106 = tpu.vector_load_idx %arg12[%add3A_69, %broadcast_in_dim3A_105] : memref<256x128xf32, #tpu.memory_space<vmem>>[vector<16xi32>, vector<16xi32>], vector<16xf32>,
      %gather3A_107 = tpu.vector_load_idx %arg13[%add3A_69, %broadcast_in_dim3A_105] : memref<256x128xf32, #tpu.memory_space<vmem>>[vector<16xi32>, vector<16xi32>], vector<16xf32>,
      %mul3A_108 = arith.mulf %gather3A_106, %gather3A_107 : vector<16xf32>
      %add3A_109 = arith.addf %add3A_103, %mul3A_108 : vector<16xf32>
      %broadcast_in_dim3A_110 = arith.constant 6 : i32
      %broadcast_in_dim3A_111 = vector.broadcast %broadcast_in_dim3A_110 : i32 to vector<16xi32>
      %gather3A_112 = tpu.vector_load_idx %arg12[%add3A_69, %broadcast_in_dim3A_111] : memref<256x128xf32, #tpu.memory_space<vmem>>[vector<16xi32>, vector<16xi32>], vector<16xf32>,
      %gather3A_113 = tpu.vector_load_idx %arg13[%add3A_69, %broadcast_in_dim3A_111] : memref<256x128xf32, #tpu.memory_space<vmem>>[vector<16xi32>, vector<16xi32>], vector<16xf32>,
      %mul3A_114 = arith.mulf %gather3A_112, %gather3A_113 : vector<16xf32>
      %add3A_115 = arith.addf %add3A_109, %mul3A_114 : vector<16xf32>
      %broadcast_in_dim3A_116 = arith.constant 7 : i32
      %broadcast_in_dim3A_117 = vector.broadcast %broadcast_in_dim3A_116 : i32 to vector<16xi32>
      %gather3A_118 = tpu.vector_load_idx %arg12[%add3A_69, %broadcast_in_dim3A_117] : memref<256x128xf32, #tpu.memory_space<vmem>>[vector<16xi32>, vector<16xi32>], vector<16xf32>,
      %gather3A_119 = tpu.vector_load_idx %arg13[%add3A_69, %broadcast_in_dim3A_117] : memref<256x128xf32, #tpu.memory_space<vmem>>[vector<16xi32>, vector<16xi32>], vector<16xf32>,
      %mul3A_120 = arith.mulf %gather3A_118, %gather3A_119 : vector<16xf32>
      %add3A_121 = arith.addf %add3A_115, %mul3A_120 : vector<16xf32>
      %broadcast_in_dim3A_122 = arith.constant 8 : i32
      %broadcast_in_dim3A_123 = vector.broadcast %broadcast_in_dim3A_122 : i32 to vector<16xi32>
      %gather3A_124 = tpu.vector_load_idx %arg12[%add3A_69, %broadcast_in_dim3A_123] : memref<256x128xf32, #tpu.memory_space<vmem>>[vector<16xi32>, vector<16xi32>], vector<16xf32>,
      %gather3A_125 = tpu.vector_load_idx %arg13[%add3A_69, %broadcast_in_dim3A_123] : memref<256x128xf32, #tpu.memory_space<vmem>>[vector<16xi32>, vector<16xi32>], vector<16xf32>,
      %mul3A_126 = arith.mulf %gather3A_124, %gather3A_125 : vector<16xf32>
      %add3A_127 = arith.addf %add3A_121, %mul3A_126 : vector<16xf32>
      %broadcast_in_dim3A_128 = arith.constant 9 : i32
      %broadcast_in_dim3A_129 = vector.broadcast %broadcast_in_dim3A_128 : i32 to vector<16xi32>
      %gather3A_130 = tpu.vector_load_idx %arg12[%add3A_69, %broadcast_in_dim3A_129] : memref<256x128xf32, #tpu.memory_space<vmem>>[vector<16xi32>, vector<16xi32>], vector<16xf32>,
      %gather3A_131 = tpu.vector_load_idx %arg13[%add3A_69, %broadcast_in_dim3A_129] : memref<256x128xf32, #tpu.memory_space<vmem>>[vector<16xi32>, vector<16xi32>], vector<16xf32>,
      %mul3A_132 = arith.mulf %gather3A_130, %gather3A_131 : vector<16xf32>
      %add3A_133 = arith.addf %add3A_127, %mul3A_132 : vector<16xf32>
      %broadcast_in_dim3A_134 = arith.constant 10 : i32
      %broadcast_in_dim3A_135 = vector.broadcast %broadcast_in_dim3A_134 : i32 to vector<16xi32>
      %gather3A_136 = tpu.vector_load_idx %arg12[%add3A_69, %broadcast_in_dim3A_135] : memref<256x128xf32, #tpu.memory_space<vmem>>[vector<16xi32>, vector<16xi32>], vector<16xf32>,
      %gather3A_137 = tpu.vector_load_idx %arg13[%add3A_69, %broadcast_in_dim3A_135] : memref<256x128xf32, #tpu.memory_space<vmem>>[vector<16xi32>, vector<16xi32>], vector<16xf32>,
      %mul3A_138 = arith.mulf %gather3A_136, %gather3A_137 : vector<16xf32>
      %add3A_139 = arith.addf %add3A_133, %mul3A_138 : vector<16xf32>
      %broadcast_in_dim3A_140 = arith.constant 11 : i32
      %broadcast_in_dim3A_141 = vector.broadcast %broadcast_in_dim3A_140 : i32 to vector<16xi32>
      %gather3A_142 = tpu.vector_load_idx %arg12[%add3A_69, %broadcast_in_dim3A_141] : memref<256x128xf32, #tpu.memory_space<vmem>>[vector<16xi32>, vector<16xi32>], vector<16xf32>,
      %gather3A_143 = tpu.vector_load_idx %arg13[%add3A_69, %broadcast_in_dim3A_141] : memref<256x128xf32, #tpu.memory_space<vmem>>[vector<16xi32>, vector<16xi32>], vector<16xf32>,
      %mul3A_144 = arith.mulf %gather3A_142, %gather3A_143 : vector<16xf32>
      %add3A_145 = arith.addf %add3A_139, %mul3A_144 : vector<16xf32>
      %broadcast_in_dim3A_146 = arith.constant 12 : i32
      %broadcast_in_dim3A_147 = vector.broadcast %broadcast_in_dim3A_146 : i32 to vector<16xi32>
      %gather3A_148 = tpu.vector_load_idx %arg12[%add3A_69, %broadcast_in_dim3A_147] : memref<256x128xf32, #tpu.memory_space<vmem>>[vector<16xi32>, vector<16xi32>], vector<16xf32>,
      %gather3A_149 = tpu.vector_load_idx %arg13[%add3A_69, %broadcast_in_dim3A_147] : memref<256x128xf32, #tpu.memory_space<vmem>>[vector<16xi32>, vector<16xi32>], vector<16xf32>,
      %mul3A_150 = arith.mulf %gather3A_148, %gather3A_149 : vector<16xf32>
      %add3A_151 = arith.addf %add3A_145, %mul3A_150 : vector<16xf32>
      %broadcast_in_dim3A_152 = arith.constant 13 : i32
      %broadcast_in_dim3A_153 = vector.broadcast %broadcast_in_dim3A_152 : i32 to vector<16xi32>
      %gather3A_154 = tpu.vector_load_idx %arg12[%add3A_69, %broadcast_in_dim3A_153] : memref<256x128xf32, #tpu.memory_space<vmem>>[vector<16xi32>, vector<16xi32>], vector<16xf32>,
      %gather3A_155 = tpu.vector_load_idx %arg13[%add3A_69, %broadcast_in_dim3A_153] : memref<256x128xf32, #tpu.memory_space<vmem>>[vector<16xi32>, vector<16xi32>], vector<16xf32>,
      %mul3A_156 = arith.mulf %gather3A_154, %gather3A_155 : vector<16xf32>
      %add3A_157 = arith.addf %add3A_151, %mul3A_156 : vector<16xf32>
      %broadcast_in_dim3A_158 = arith.constant 14 : i32
      %broadcast_in_dim3A_159 = vector.broadcast %broadcast_in_dim3A_158 : i32 to vector<16xi32>
      %gather3A_160 = tpu.vector_load_idx %arg12[%add3A_69, %broadcast_in_dim3A_159] : memref<256x128xf32, #tpu.memory_space<vmem>>[vector<16xi32>, vector<16xi32>], vector<16xf32>,
      %gather3A_161 = tpu.vector_load_idx %arg13[%add3A_69, %broadcast_in_dim3A_159] : memref<256x128xf32, #tpu.memory_space<vmem>>[vector<16xi32>, vector<16xi32>], vector<16xf32>,
      %mul3A_162 = arith.mulf %gather3A_160, %gather3A_161 : vector<16xf32>
      %add3A_163 = arith.addf %add3A_157, %mul3A_162 : vector<16xf32>
      %broadcast_in_dim3A_164 = arith.constant 15 : i32
      %broadcast_in_dim3A_165 = vector.broadcast %broadcast_in_dim3A_164 : i32 to vector<16xi32>
      %gather3A_166 = tpu.vector_load_idx %arg12[%add3A_69, %broadcast_in_dim3A_165] : memref<256x128xf32, #tpu.memory_space<vmem>>[vector<16xi32>, vector<16xi32>], vector<16xf32>,
      %gather3A_167 = tpu.vector_load_idx %arg13[%add3A_69, %broadcast_in_dim3A_165] : memref<256x128xf32, #tpu.memory_space<vmem>>[vector<16xi32>, vector<16xi32>], vector<16xf32>,
      %mul3A_168 = arith.mulf %gather3A_166, %gather3A_167 : vector<16xf32>
      %add3A_169 = arith.addf %add3A_163, %mul3A_168 : vector<16xf32>
      %broadcast_in_dim3A_170 = arith.constant 16 : i32
      %broadcast_in_dim3A_171 = vector.broadcast %broadcast_in_dim3A_170 : i32 to vector<16xi32>
      %gather3A_172 = tpu.vector_load_idx %arg12[%add3A_69, %broadcast_in_dim3A_171] : memref<256x128xf32, #tpu.memory_space<vmem>>[vector<16xi32>, vector<16xi32>], vector<16xf32>,
      %gather3A_173 = tpu.vector_load_idx %arg13[%add3A_69, %broadcast_in_dim3A_171] : memref<256x128xf32, #tpu.memory_space<vmem>>[vector<16xi32>, vector<16xi32>], vector<16xf32>,
      %mul3A_174 = arith.mulf %gather3A_172, %gather3A_173 : vector<16xf32>
      %add3A_175 = arith.addf %add3A_169, %mul3A_174 : vector<16xf32>
      %broadcast_in_dim3A_176 = arith.constant 17 : i32
      %broadcast_in_dim3A_177 = vector.broadcast %broadcast_in_dim3A_176 : i32 to vector<16xi32>
      %gather3A_178 = tpu.vector_load_idx %arg12[%add3A_69, %broadcast_in_dim3A_177] : memref<256x128xf32, #tpu.memory_space<vmem>>[vector<16xi32>, vector<16xi32>], vector<16xf32>,
      %gather3A_179 = tpu.vector_load_idx %arg13[%add3A_69, %broadcast_in_dim3A_177] : memref<256x128xf32, #tpu.memory_space<vmem>>[vector<16xi32>, vector<16xi32>], vector<16xf32>,
      %mul3A_180 = arith.mulf %gather3A_178, %gather3A_179 : vector<16xf32>
      %add3A_181 = arith.addf %add3A_175, %mul3A_180 : vector<16xf32>
      %broadcast_in_dim3A_182 = arith.constant 18 : i32
      %broadcast_in_dim3A_183 = vector.broadcast %broadcast_in_dim3A_182 : i32 to vector<16xi32>
      %gather3A_184 = tpu.vector_load_idx %arg12[%add3A_69, %broadcast_in_dim3A_183] : memref<256x128xf32, #tpu.memory_space<vmem>>[vector<16xi32>, vector<16xi32>], vector<16xf32>,
      %gather3A_185 = tpu.vector_load_idx %arg13[%add3A_69, %broadcast_in_dim3A_183] : memref<256x128xf32, #tpu.memory_space<vmem>>[vector<16xi32>, vector<16xi32>], vector<16xf32>,
      %mul3A_186 = arith.mulf %gather3A_184, %gather3A_185 : vector<16xf32>
      %add3A_187 = arith.addf %add3A_181, %mul3A_186 : vector<16xf32>
      %broadcast_in_dim3A_188 = arith.constant 19 : i32
      %broadcast_in_dim3A_189 = vector.broadcast %broadcast_in_dim3A_188 : i32 to vector<16xi32>
      %gather3A_190 = tpu.vector_load_idx %arg12[%add3A_69, %broadcast_in_dim3A_189] : memref<256x128xf32, #tpu.memory_space<vmem>>[vector<16xi32>, vector<16xi32>], vector<16xf32>,
      %gather3A_191 = tpu.vector_load_idx %arg13[%add3A_69, %broadcast_in_dim3A_189] : memref<256x128xf32, #tpu.memory_space<vmem>>[vector<16xi32>, vector<16xi32>], vector<16xf32>,
      %mul3A_192 = arith.mulf %gather3A_190, %gather3A_191 : vector<16xf32>
      %add3A_193 = arith.addf %add3A_187, %mul3A_192 : vector<16xf32>
      %broadcast_in_dim3A_194 = arith.constant 20 : i32
      %broadcast_in_dim3A_195 = vector.broadcast %broadcast_in_dim3A_194 : i32 to vector<16xi32>
      %gather3A_196 = tpu.vector_load_idx %arg12[%add3A_69, %broadcast_in_dim3A_195] : memref<256x128xf32, #tpu.memory_space<vmem>>[vector<16xi32>, vector<16xi32>], vector<16xf32>,
      %gather3A_197 = tpu.vector_load_idx %arg13[%add3A_69, %broadcast_in_dim3A_195] : memref<256x128xf32, #tpu.memory_space<vmem>>[vector<16xi32>, vector<16xi32>], vector<16xf32>,
      %mul3A_198 = arith.mulf %gather3A_196, %gather3A_197 : vector<16xf32>
      %add3A_199 = arith.addf %add3A_193, %mul3A_198 : vector<16xf32>
      %broadcast_in_dim3A_200 = arith.constant 21 : i32
      %broadcast_in_dim3A_201 = vector.broadcast %broadcast_in_dim3A_200 : i32 to vector<16xi32>
      %gather3A_202 = tpu.vector_load_idx %arg12[%add3A_69, %broadcast_in_dim3A_201] : memref<256x128xf32, #tpu.memory_space<vmem>>[vector<16xi32>, vector<16xi32>], vector<16xf32>,
      %gather3A_203 = tpu.vector_load_idx %arg13[%add3A_69, %broadcast_in_dim3A_201] : memref<256x128xf32, #tpu.memory_space<vmem>>[vector<16xi32>, vector<16xi32>], vector<16xf32>,
      %mul3A_204 = arith.mulf %gather3A_202, %gather3A_203 : vector<16xf32>
      %add3A_205 = arith.addf %add3A_199, %mul3A_204 : vector<16xf32>
      %broadcast_in_dim3A_206 = arith.constant 22 : i32
      %broadcast_in_dim3A_207 = vector.broadcast %broadcast_in_dim3A_206 : i32 to vector<16xi32>
      %gather3A_208 = tpu.vector_load_idx %arg12[%add3A_69, %broadcast_in_dim3A_207] : memref<256x128xf32, #tpu.memory_space<vmem>>[vector<16xi32>, vector<16xi32>], vector<16xf32>,
      %gather3A_209 = tpu.vector_load_idx %arg13[%add3A_69, %broadcast_in_dim3A_207] : memref<256x128xf32, #tpu.memory_space<vmem>>[vector<16xi32>, vector<16xi32>], vector<16xf32>,
      %mul3A_210 = arith.mulf %gather3A_208, %gather3A_209 : vector<16xf32>
      %add3A_211 = arith.addf %add3A_205, %mul3A_210 : vector<16xf32>
      %broadcast_in_dim3A_212 = arith.constant 23 : i32
      %broadcast_in_dim3A_213 = vector.broadcast %broadcast_in_dim3A_212 : i32 to vector<16xi32>
      %gather3A_214 = tpu.vector_load_idx %arg12[%add3A_69, %broadcast_in_dim3A_213] : memref<256x128xf32, #tpu.memory_space<vmem>>[vector<16xi32>, vector<16xi32>], vector<16xf32>,
      %gather3A_215 = tpu.vector_load_idx %arg13[%add3A_69, %broadcast_in_dim3A_213] : memref<256x128xf32, #tpu.memory_space<vmem>>[vector<16xi32>, vector<16xi32>], vector<16xf32>,
      %mul3A_216 = arith.mulf %gather3A_214, %gather3A_215 : vector<16xf32>
      %add3A_217 = arith.addf %add3A_211, %mul3A_216 : vector<16xf32>
      %broadcast_in_dim3A_218 = arith.constant 24 : i32
      %broadcast_in_dim3A_219 = vector.broadcast %broadcast_in_dim3A_218 : i32 to vector<16xi32>
      %gather3A_220 = tpu.vector_load_idx %arg12[%add3A_69, %broadcast_in_dim3A_219] : memref<256x128xf32, #tpu.memory_space<vmem>>[vector<16xi32>, vector<16xi32>], vector<16xf32>,
      %gather3A_221 = tpu.vector_load_idx %arg13[%add3A_69, %broadcast_in_dim3A_219] : memref<256x128xf32, #tpu.memory_space<vmem>>[vector<16xi32>, vector<16xi32>], vector<16xf32>,
      %mul3A_222 = arith.mulf %gather3A_220, %gather3A_221 : vector<16xf32>
      %add3A_223 = arith.addf %add3A_217, %mul3A_222 : vector<16xf32>
      %broadcast_in_dim3A_224 = arith.constant 25 : i32
      %broadcast_in_dim3A_225 = vector.broadcast %broadcast_in_dim3A_224 : i32 to vector<16xi32>
      %gather3A_226 = tpu.vector_load_idx %arg12[%add3A_69, %broadcast_in_dim3A_225] : memref<256x128xf32, #tpu.memory_space<vmem>>[vector<16xi32>, vector<16xi32>], vector<16xf32>,
      %gather3A_227 = tpu.vector_load_idx %arg13[%add3A_69, %broadcast_in_dim3A_225] : memref<256x128xf32, #tpu.memory_space<vmem>>[vector<16xi32>, vector<16xi32>], vector<16xf32>,
      %mul3A_228 = arith.mulf %gather3A_226, %gather3A_227 : vector<16xf32>
      %add3A_229 = arith.addf %add3A_223, %mul3A_228 : vector<16xf32>
      %broadcast_in_dim3A_230 = arith.constant 26 : i32
      %broadcast_in_dim3A_231 = vector.broadcast %broadcast_in_dim3A_230 : i32 to vector<16xi32>
      %gather3A_232 = tpu.vector_load_idx %arg12[%add3A_69, %broadcast_in_dim3A_231] : memref<256x128xf32, #tpu.memory_space<vmem>>[vector<16xi32>, vector<16xi32>], vector<16xf32>,
      %gather3A_233 = tpu.vector_load_idx %arg13[%add3A_69, %broadcast_in_dim3A_231] : memref<256x128xf32, #tpu.memory_space<vmem>>[vector<16xi32>, vector<16xi32>], vector<16xf32>,
      %mul3A_234 = arith.mulf %gather3A_232, %gather3A_233 : vector<16xf32>
      %add3A_235 = arith.addf %add3A_229, %mul3A_234 : vector<16xf32>
      %broadcast_in_dim3A_236 = arith.constant 27 : i32
      %broadcast_in_dim3A_237 = vector.broadcast %broadcast_in_dim3A_236 : i32 to vector<16xi32>
      %gather3A_238 = tpu.vector_load_idx %arg12[%add3A_69, %broadcast_in_dim3A_237] : memref<256x128xf32, #tpu.memory_space<vmem>>[vector<16xi32>, vector<16xi32>], vector<16xf32>,
      %gather3A_239 = tpu.vector_load_idx %arg13[%add3A_69, %broadcast_in_dim3A_237] : memref<256x128xf32, #tpu.memory_space<vmem>>[vector<16xi32>, vector<16xi32>], vector<16xf32>,
      %mul3A_240 = arith.mulf %gather3A_238, %gather3A_239 : vector<16xf32>
      %add3A_241 = arith.addf %add3A_235, %mul3A_240 : vector<16xf32>
      %broadcast_in_dim3A_242 = arith.constant 28 : i32
      %broadcast_in_dim3A_243 = vector.broadcast %broadcast_in_dim3A_242 : i32 to vector<16xi32>
      %gather3A_244 = tpu.vector_load_idx %arg12[%add3A_69, %broadcast_in_dim3A_243] : memref<256x128xf32, #tpu.memory_space<vmem>>[vector<16xi32>, vector<16xi32>], vector<16xf32>,
      %gather3A_245 = tpu.vector_load_idx %arg13[%add3A_69, %broadcast_in_dim3A_243] : memref<256x128xf32, #tpu.memory_space<vmem>>[vector<16xi32>, vector<16xi32>], vector<16xf32>,
      %mul3A_246 = arith.mulf %gather3A_244, %gather3A_245 : vector<16xf32>
      %add3A_247 = arith.addf %add3A_241, %mul3A_246 : vector<16xf32>
      %broadcast_in_dim3A_248 = arith.constant 29 : i32
      %broadcast_in_dim3A_249 = vector.broadcast %broadcast_in_dim3A_248 : i32 to vector<16xi32>
      %gather3A_250 = tpu.vector_load_idx %arg12[%add3A_69, %broadcast_in_dim3A_249] : memref<256x128xf32, #tpu.memory_space<vmem>>[vector<16xi32>, vector<16xi32>], vector<16xf32>,
      %gather3A_251 = tpu.vector_load_idx %arg13[%add3A_69, %broadcast_in_dim3A_249] : memref<256x128xf32, #tpu.memory_space<vmem>>[vector<16xi32>, vector<16xi32>], vector<16xf32>,
      %mul3A_252 = arith.mulf %gather3A_250, %gather3A_251 : vector<16xf32>
      %add3A_253 = arith.addf %add3A_247, %mul3A_252 : vector<16xf32>
      %broadcast_in_dim3A_254 = arith.constant 30 : i32
      %broadcast_in_dim3A_255 = vector.broadcast %broadcast_in_dim3A_254 : i32 to vector<16xi32>
      %gather3A_256 = tpu.vector_load_idx %arg12[%add3A_69, %broadcast_in_dim3A_255] : memref<256x128xf32, #tpu.memory_space<vmem>>[vector<16xi32>, vector<16xi32>], vector<16xf32>,
      %gather3A_257 = tpu.vector_load_idx %arg13[%add3A_69, %broadcast_in_dim3A_255] : memref<256x128xf32, #tpu.memory_space<vmem>>[vector<16xi32>, vector<16xi32>], vector<16xf32>,
      %mul3A_258 = arith.mulf %gather3A_256, %gather3A_257 : vector<16xf32>
      %add3A_259 = arith.addf %add3A_253, %mul3A_258 : vector<16xf32>
      %broadcast_in_dim3A_260 = arith.constant 31 : i32
      %broadcast_in_dim3A_261 = vector.broadcast %broadcast_in_dim3A_260 : i32 to vector<16xi32>
      %gather3A_262 = tpu.vector_load_idx %arg12[%add3A_69, %broadcast_in_dim3A_261] : memref<256x128xf32, #tpu.memory_space<vmem>>[vector<16xi32>, vector<16xi32>], vector<16xf32>,
      %gather3A_263 = tpu.vector_load_idx %arg13[%add3A_69, %broadcast_in_dim3A_261] : memref<256x128xf32, #tpu.memory_space<vmem>>[vector<16xi32>, vector<16xi32>], vector<16xf32>,
      %mul3A_264 = arith.mulf %gather3A_262, %gather3A_263 : vector<16xf32>
      %add3A_265 = arith.addf %add3A_259, %mul3A_264 : vector<16xf32>
      %swap3A = arith.index_cast %add3A_65 : i32 to index
      %swap3A_266 = tpu.vector_load %arg17[%swap3A] {strides = array<i32>} : memref<512xf32, #tpu.memory_space<vmem>>, vector<16xf32>,
      tpu.vector_store %arg17[%swap3A], %add3A_265 {strides = array<i32>} : memref<512xf32, #tpu.memory_space<vmem>>, vector<16xf32>,
      %scan3A_267 = arith.constant 1 : i32
      %scan3A_268 = arith.addi %scan3A_61, %scan3A_267 : i32
      %mul3A_269 = arith.constant 16 : i32
      %mul3A_270 = arith.muli %scan3A_268, %mul3A_269 : i32
      %add3A_271 = arith.constant 0 : i32
      %add3A_272 = arith.addi %add3A_271, %mul3A_270 : i32
      %mul3A_273 = arith.constant 16 : i32
      %mul3A_274 = arith.muli %scan3A_268, %mul3A_273 : i32
      %iota3A_275 = tpu.iota {dimensions = array<i32: 0>} : vector<16xi32>
      %add3A_276 = vector.broadcast %mul3A_274 : i32 to vector<16xi32>
      %add3A_277 = arith.addi %add3A_276, %iota3A_275 : vector<16xi32>
      %get3A_278 = arith.index_cast %add3A_272 : i32 to index
      %get3A_279 = tpu.vector_load %arg14[%get3A_278] {strides = array<i32>} : memref<512xf32, #tpu.memory_space<vmem>>, vector<16xf32>,
      %get3A_280 = arith.index_cast %add3A_272 : i32 to index
      %get3A_281 = tpu.vector_load %arg15[%get3A_280] {strides = array<i32>} : memref<512xf32, #tpu.memory_space<vmem>>, vector<16xf32>,
      %add3A_282 = arith.addf %get3A_279, %get3A_281 : vector<16xf32>
      %add3A_283 = arith.addf %add3A_282, %get3A_9 : vector<16xf32>
      %broadcast_in_dim3A_284 = arith.constant 0 : i32
      %broadcast_in_dim3A_285 = vector.broadcast %broadcast_in_dim3A_284 : i32 to vector<16xi32>
      %gather3A_286 = tpu.vector_load_idx %arg12[%add3A_277, %broadcast_in_dim3A_285] : memref<256x128xf32, #tpu.memory_space<vmem>>[vector<16xi32>, vector<16xi32>], vector<16xf32>,
      %gather3A_287 = tpu.vector_load_idx %arg13[%add3A_277, %broadcast_in_dim3A_285] : memref<256x128xf32, #tpu.memory_space<vmem>>[vector<16xi32>, vector<16xi32>], vector<16xf32>,
      %mul3A_288 = arith.mulf %gather3A_286, %gather3A_287 : vector<16xf32>
      %add3A_289 = arith.addf %add3A_283, %mul3A_288 : vector<16xf32>
      %broadcast_in_dim3A_290 = arith.constant 1 : i32
      %broadcast_in_dim3A_291 = vector.broadcast %broadcast_in_dim3A_290 : i32 to vector<16xi32>
      %gather3A_292 = tpu.vector_load_idx %arg12[%add3A_277, %broadcast_in_dim3A_291] : memref<256x128xf32, #tpu.memory_space<vmem>>[vector<16xi32>, vector<16xi32>], vector<16xf32>,
      %gather3A_293 = tpu.vector_load_idx %arg13[%add3A_277, %broadcast_in_dim3A_291] : memref<256x128xf32, #tpu.memory_space<vmem>>[vector<16xi32>, vector<16xi32>], vector<16xf32>,
      %mul3A_294 = arith.mulf %gather3A_292, %gather3A_293 : vector<16xf32>
      %add3A_295 = arith.addf %add3A_289, %mul3A_294 : vector<16xf32>
      %broadcast_in_dim3A_296 = arith.constant 2 : i32
      %broadcast_in_dim3A_297 = vector.broadcast %broadcast_in_dim3A_296 : i32 to vector<16xi32>
      %gather3A_298 = tpu.vector_load_idx %arg12[%add3A_277, %broadcast_in_dim3A_297] : memref<256x128xf32, #tpu.memory_space<vmem>>[vector<16xi32>, vector<16xi32>], vector<16xf32>,
      %gather3A_299 = tpu.vector_load_idx %arg13[%add3A_277, %broadcast_in_dim3A_297] : memref<256x128xf32, #tpu.memory_space<vmem>>[vector<16xi32>, vector<16xi32>], vector<16xf32>,
      %mul3A_300 = arith.mulf %gather3A_298, %gather3A_299 : vector<16xf32>
      %add3A_301 = arith.addf %add3A_295, %mul3A_300 : vector<16xf32>
      %broadcast_in_dim3A_302 = arith.constant 3 : i32
      %broadcast_in_dim3A_303 = vector.broadcast %broadcast_in_dim3A_302 : i32 to vector<16xi32>
      %gather3A_304 = tpu.vector_load_idx %arg12[%add3A_277, %broadcast_in_dim3A_303] : memref<256x128xf32, #tpu.memory_space<vmem>>[vector<16xi32>, vector<16xi32>], vector<16xf32>,
      %gather3A_305 = tpu.vector_load_idx %arg13[%add3A_277, %broadcast_in_dim3A_303] : memref<256x128xf32, #tpu.memory_space<vmem>>[vector<16xi32>, vector<16xi32>], vector<16xf32>,
      %mul3A_306 = arith.mulf %gather3A_304, %gather3A_305 : vector<16xf32>
      %add3A_307 = arith.addf %add3A_301, %mul3A_306 : vector<16xf32>
      %broadcast_in_dim3A_308 = arith.constant 4 : i32
      %broadcast_in_dim3A_309 = vector.broadcast %broadcast_in_dim3A_308 : i32 to vector<16xi32>
      %gather3A_310 = tpu.vector_load_idx %arg12[%add3A_277, %broadcast_in_dim3A_309] : memref<256x128xf32, #tpu.memory_space<vmem>>[vector<16xi32>, vector<16xi32>], vector<16xf32>,
      %gather3A_311 = tpu.vector_load_idx %arg13[%add3A_277, %broadcast_in_dim3A_309] : memref<256x128xf32, #tpu.memory_space<vmem>>[vector<16xi32>, vector<16xi32>], vector<16xf32>,
      %mul3A_312 = arith.mulf %gather3A_310, %gather3A_311 : vector<16xf32>
      %add3A_313 = arith.addf %add3A_307, %mul3A_312 : vector<16xf32>
      %broadcast_in_dim3A_314 = arith.constant 5 : i32
      %broadcast_in_dim3A_315 = vector.broadcast %broadcast_in_dim3A_314 : i32 to vector<16xi32>
      %gather3A_316 = tpu.vector_load_idx %arg12[%add3A_277, %broadcast_in_dim3A_315] : memref<256x128xf32, #tpu.memory_space<vmem>>[vector<16xi32>, vector<16xi32>], vector<16xf32>,
      %gather3A_317 = tpu.vector_load_idx %arg13[%add3A_277, %broadcast_in_dim3A_315] : memref<256x128xf32, #tpu.memory_space<vmem>>[vector<16xi32>, vector<16xi32>], vector<16xf32>,
      %mul3A_318 = arith.mulf %gather3A_316, %gather3A_317 : vector<16xf32>
      %add3A_319 = arith.addf %add3A_313, %mul3A_318 : vector<16xf32>
      %broadcast_in_dim3A_320 = arith.constant 6 : i32
      %broadcast_in_dim3A_321 = vector.broadcast %broadcast_in_dim3A_320 : i32 to vector<16xi32>
      %gather3A_322 = tpu.vector_load_idx %arg12[%add3A_277, %broadcast_in_dim3A_321] : memref<256x128xf32, #tpu.memory_space<vmem>>[vector<16xi32>, vector<16xi32>], vector<16xf32>,
      %gather3A_323 = tpu.vector_load_idx %arg13[%add3A_277, %broadcast_in_dim3A_321] : memref<256x128xf32, #tpu.memory_space<vmem>>[vector<16xi32>, vector<16xi32>], vector<16xf32>,
      %mul3A_324 = arith.mulf %gather3A_322, %gather3A_323 : vector<16xf32>
      %add3A_325 = arith.addf %add3A_319, %mul3A_324 : vector<16xf32>
      %broadcast_in_dim3A_326 = arith.constant 7 : i32
      %broadcast_in_dim3A_327 = vector.broadcast %broadcast_in_dim3A_326 : i32 to vector<16xi32>
      %gather3A_328 = tpu.vector_load_idx %arg12[%add3A_277, %broadcast_in_dim3A_327] : memref<256x128xf32, #tpu.memory_space<vmem>>[vector<16xi32>, vector<16xi32>], vector<16xf32>,
      %gather3A_329 = tpu.vector_load_idx %arg13[%add3A_277, %broadcast_in_dim3A_327] : memref<256x128xf32, #tpu.memory_space<vmem>>[vector<16xi32>, vector<16xi32>], vector<16xf32>,
      %mul3A_330 = arith.mulf %gather3A_328, %gather3A_329 : vector<16xf32>
      %add3A_331 = arith.addf %add3A_325, %mul3A_330 : vector<16xf32>
      %broadcast_in_dim3A_332 = arith.constant 8 : i32
      %broadcast_in_dim3A_333 = vector.broadcast %broadcast_in_dim3A_332 : i32 to vector<16xi32>
      %gather3A_334 = tpu.vector_load_idx %arg12[%add3A_277, %broadcast_in_dim3A_333] : memref<256x128xf32, #tpu.memory_space<vmem>>[vector<16xi32>, vector<16xi32>], vector<16xf32>,
      %gather3A_335 = tpu.vector_load_idx %arg13[%add3A_277, %broadcast_in_dim3A_333] : memref<256x128xf32, #tpu.memory_space<vmem>>[vector<16xi32>, vector<16xi32>], vector<16xf32>,
      %mul3A_336 = arith.mulf %gather3A_334, %gather3A_335 : vector<16xf32>
      %add3A_337 = arith.addf %add3A_331, %mul3A_336 : vector<16xf32>
      %broadcast_in_dim3A_338 = arith.constant 9 : i32
      %broadcast_in_dim3A_339 = vector.broadcast %broadcast_in_dim3A_338 : i32 to vector<16xi32>
      %gather3A_340 = tpu.vector_load_idx %arg12[%add3A_277, %broadcast_in_dim3A_339] : memref<256x128xf32, #tpu.memory_space<vmem>>[vector<16xi32>, vector<16xi32>], vector<16xf32>,
      %gather3A_341 = tpu.vector_load_idx %arg13[%add3A_277, %broadcast_in_dim3A_339] : memref<256x128xf32, #tpu.memory_space<vmem>>[vector<16xi32>, vector<16xi32>], vector<16xf32>,
      %mul3A_342 = arith.mulf %gather3A_340, %gather3A_341 : vector<16xf32>
      %add3A_343 = arith.addf %add3A_337, %mul3A_342 : vector<16xf32>
      %broadcast_in_dim3A_344 = arith.constant 10 : i32
      %broadcast_in_dim3A_345 = vector.broadcast %broadcast_in_dim3A_344 : i32 to vector<16xi32>
      %gather3A_346 = tpu.vector_load_idx %arg12[%add3A_277, %broadcast_in_dim3A_345] : memref<256x128xf32, #tpu.memory_space<vmem>>[vector<16xi32>, vector<16xi32>], vector<16xf32>,
      %gather3A_347 = tpu.vector_load_idx %arg13[%add3A_277, %broadcast_in_dim3A_345] : memref<256x128xf32, #tpu.memory_space<vmem>>[vector<16xi32>, vector<16xi32>], vector<16xf32>,
      %mul3A_348 = arith.mulf %gather3A_346, %gather3A_347 : vector<16xf32>
      %add3A_349 = arith.addf %add3A_343, %mul3A_348 : vector<16xf32>
      %broadcast_in_dim3A_350 = arith.constant 11 : i32
      %broadcast_in_dim3A_351 = vector.broadcast %broadcast_in_dim3A_350 : i32 to vector<16xi32>
      %gather3A_352 = tpu.vector_load_idx %arg12[%add3A_277, %broadcast_in_dim3A_351] : memref<256x128xf32, #tpu.memory_space<vmem>>[vector<16xi32>, vector<16xi32>], vector<16xf32>,
      %gather3A_353 = tpu.vector_load_idx %arg13[%add3A_277, %broadcast_in_dim3A_351] : memref<256x128xf32, #tpu.memory_space<vmem>>[vector<16xi32>, vector<16xi32>], vector<16xf32>,
      %mul3A_354 = arith.mulf %gather3A_352, %gather3A_353 : vector<16xf32>
      %add3A_355 = arith.addf %add3A_349, %mul3A_354 : vector<16xf32>
      %broadcast_in_dim3A_356 = arith.constant 12 : i32
      %broadcast_in_dim3A_357 = vector.broadcast %broadcast_in_dim3A_356 : i32 to vector<16xi32>
      %gather3A_358 = tpu.vector_load_idx %arg12[%add3A_277, %broadcast_in_dim3A_357] : memref<256x128xf32, #tpu.memory_space<vmem>>[vector<16xi32>, vector<16xi32>], vector<16xf32>,
      %gather3A_359 = tpu.vector_load_idx %arg13[%add3A_277, %broadcast_in_dim3A_357] : memref<256x128xf32, #tpu.memory_space<vmem>>[vector<16xi32>, vector<16xi32>], vector<16xf32>,
      %mul3A_360 = arith.mulf %gather3A_358, %gather3A_359 : vector<16xf32>
      %add3A_361 = arith.addf %add3A_355, %mul3A_360 : vector<16xf32>
      %broadcast_in_dim3A_362 = arith.constant 13 : i32
      %broadcast_in_dim3A_363 = vector.broadcast %broadcast_in_dim3A_362 : i32 to vector<16xi32>
      %gather3A_364 = tpu.vector_load_idx %arg12[%add3A_277, %broadcast_in_dim3A_363] : memref<256x128xf32, #tpu.memory_space<vmem>>[vector<16xi32>, vector<16xi32>], vector<16xf32>,
      %gather3A_365 = tpu.vector_load_idx %arg13[%add3A_277, %broadcast_in_dim3A_363] : memref<256x128xf32, #tpu.memory_space<vmem>>[vector<16xi32>, vector<16xi32>], vector<16xf32>,
      %mul3A_366 = arith.mulf %gather3A_364, %gather3A_365 : vector<16xf32>
      %add3A_367 = arith.addf %add3A_361, %mul3A_366 : vector<16xf32>
      %broadcast_in_dim3A_368 = arith.constant 14 : i32
      %broadcast_in_dim3A_369 = vector.broadcast %broadcast_in_dim3A_368 : i32 to vector<16xi32>
      %gather3A_370 = tpu.vector_load_idx %arg12[%add3A_277, %broadcast_in_dim3A_369] : memref<256x128xf32, #tpu.memory_space<vmem>>[vector<16xi32>, vector<16xi32>], vector<16xf32>,
      %gather3A_371 = tpu.vector_load_idx %arg13[%add3A_277, %broadcast_in_dim3A_369] : memref<256x128xf32, #tpu.memory_space<vmem>>[vector<16xi32>, vector<16xi32>], vector<16xf32>,
      %mul3A_372 = arith.mulf %gather3A_370, %gather3A_371 : vector<16xf32>
      %add3A_373 = arith.addf %add3A_367, %mul3A_372 : vector<16xf32>
      %broadcast_in_dim3A_374 = arith.constant 15 : i32
      %broadcast_in_dim3A_375 = vector.broadcast %broadcast_in_dim3A_374 : i32 to vector<16xi32>
      %gather3A_376 = tpu.vector_load_idx %arg12[%add3A_277, %broadcast_in_dim3A_375] : memref<256x128xf32, #tpu.memory_space<vmem>>[vector<16xi32>, vector<16xi32>], vector<16xf32>,
      %gather3A_377 = tpu.vector_load_idx %arg13[%add3A_277, %broadcast_in_dim3A_375] : memref<256x128xf32, #tpu.memory_space<vmem>>[vector<16xi32>, vector<16xi32>], vector<16xf32>,
      %mul3A_378 = arith.mulf %gather3A_376, %gather3A_377 : vector<16xf32>
      %add3A_379 = arith.addf %add3A_373, %mul3A_378 : vector<16xf32>
      %broadcast_in_dim3A_380 = arith.constant 16 : i32
      %broadcast_in_dim3A_381 = vector.broadcast %broadcast_in_dim3A_380 : i32 to vector<16xi32>
      %gather3A_382 = tpu.vector_load_idx %arg12[%add3A_277, %broadcast_in_dim3A_381] : memref<256x128xf32, #tpu.memory_space<vmem>>[vector<16xi32>, vector<16xi32>], vector<16xf32>,
      %gather3A_383 = tpu.vector_load_idx %arg13[%add3A_277, %broadcast_in_dim3A_381] : memref<256x128xf32, #tpu.memory_space<vmem>>[vector<16xi32>, vector<16xi32>], vector<16xf32>,
      %mul3A_384 = arith.mulf %gather3A_382, %gather3A_383 : vector<16xf32>
      %add3A_385 = arith.addf %add3A_379, %mul3A_384 : vector<16xf32>
      %broadcast_in_dim3A_386 = arith.constant 17 : i32
      %broadcast_in_dim3A_387 = vector.broadcast %broadcast_in_dim3A_386 : i32 to vector<16xi32>
      %gather3A_388 = tpu.vector_load_idx %arg12[%add3A_277, %broadcast_in_dim3A_387] : memref<256x128xf32, #tpu.memory_space<vmem>>[vector<16xi32>, vector<16xi32>], vector<16xf32>,
      %gather3A_389 = tpu.vector_load_idx %arg13[%add3A_277, %broadcast_in_dim3A_387] : memref<256x128xf32, #tpu.memory_space<vmem>>[vector<16xi32>, vector<16xi32>], vector<16xf32>,
      %mul3A_390 = arith.mulf %gather3A_388, %gather3A_389 : vector<16xf32>
      %add3A_391 = arith.addf %add3A_385, %mul3A_390 : vector<16xf32>
      %broadcast_in_dim3A_392 = arith.constant 18 : i32
      %broadcast_in_dim3A_393 = vector.broadcast %broadcast_in_dim3A_392 : i32 to vector<16xi32>
      %gather3A_394 = tpu.vector_load_idx %arg12[%add3A_277, %broadcast_in_dim3A_393] : memref<256x128xf32, #tpu.memory_space<vmem>>[vector<16xi32>, vector<16xi32>], vector<16xf32>,
      %gather3A_395 = tpu.vector_load_idx %arg13[%add3A_277, %broadcast_in_dim3A_393] : memref<256x128xf32, #tpu.memory_space<vmem>>[vector<16xi32>, vector<16xi32>], vector<16xf32>,
      %mul3A_396 = arith.mulf %gather3A_394, %gather3A_395 : vector<16xf32>
      %add3A_397 = arith.addf %add3A_391, %mul3A_396 : vector<16xf32>
      %broadcast_in_dim3A_398 = arith.constant 19 : i32
      %broadcast_in_dim3A_399 = vector.broadcast %broadcast_in_dim3A_398 : i32 to vector<16xi32>
      %gather3A_400 = tpu.vector_load_idx %arg12[%add3A_277, %broadcast_in_dim3A_399] : memref<256x128xf32, #tpu.memory_space<vmem>>[vector<16xi32>, vector<16xi32>], vector<16xf32>,
      %gather3A_401 = tpu.vector_load_idx %arg13[%add3A_277, %broadcast_in_dim3A_399] : memref<256x128xf32, #tpu.memory_space<vmem>>[vector<16xi32>, vector<16xi32>], vector<16xf32>,
      %mul3A_402 = arith.mulf %gather3A_400, %gather3A_401 : vector<16xf32>
      %add3A_403 = arith.addf %add3A_397, %mul3A_402 : vector<16xf32>
      %broadcast_in_dim3A_404 = arith.constant 20 : i32
      %broadcast_in_dim3A_405 = vector.broadcast %broadcast_in_dim3A_404 : i32 to vector<16xi32>
      %gather3A_406 = tpu.vector_load_idx %arg12[%add3A_277, %broadcast_in_dim3A_405] : memref<256x128xf32, #tpu.memory_space<vmem>>[vector<16xi32>, vector<16xi32>], vector<16xf32>,
      %gather3A_407 = tpu.vector_load_idx %arg13[%add3A_277, %broadcast_in_dim3A_405] : memref<256x128xf32, #tpu.memory_space<vmem>>[vector<16xi32>, vector<16xi32>], vector<16xf32>,
      %mul3A_408 = arith.mulf %gather3A_406, %gather3A_407 : vector<16xf32>
      %add3A_409 = arith.addf %add3A_403, %mul3A_408 : vector<16xf32>
      %broadcast_in_dim3A_410 = arith.constant 21 : i32
      %broadcast_in_dim3A_411 = vector.broadcast %broadcast_in_dim3A_410 : i32 to vector<16xi32>
      %gather3A_412 = tpu.vector_load_idx %arg12[%add3A_277, %broadcast_in_dim3A_411] : memref<256x128xf32, #tpu.memory_space<vmem>>[vector<16xi32>, vector<16xi32>], vector<16xf32>,
      %gather3A_413 = tpu.vector_load_idx %arg13[%add3A_277, %broadcast_in_dim3A_411] : memref<256x128xf32, #tpu.memory_space<vmem>>[vector<16xi32>, vector<16xi32>], vector<16xf32>,
      %mul3A_414 = arith.mulf %gather3A_412, %gather3A_413 : vector<16xf32>
      %add3A_415 = arith.addf %add3A_409, %mul3A_414 : vector<16xf32>
      %broadcast_in_dim3A_416 = arith.constant 22 : i32
      %broadcast_in_dim3A_417 = vector.broadcast %broadcast_in_dim3A_416 : i32 to vector<16xi32>
      %gather3A_418 = tpu.vector_load_idx %arg12[%add3A_277, %broadcast_in_dim3A_417] : memref<256x128xf32, #tpu.memory_space<vmem>>[vector<16xi32>, vector<16xi32>], vector<16xf32>,
      %gather3A_419 = tpu.vector_load_idx %arg13[%add3A_277, %broadcast_in_dim3A_417] : memref<256x128xf32, #tpu.memory_space<vmem>>[vector<16xi32>, vector<16xi32>], vector<16xf32>,
      %mul3A_420 = arith.mulf %gather3A_418, %gather3A_419 : vector<16xf32>
      %add3A_421 = arith.addf %add3A_415, %mul3A_420 : vector<16xf32>
      %broadcast_in_dim3A_422 = arith.constant 23 : i32
      %broadcast_in_dim3A_423 = vector.broadcast %broadcast_in_dim3A_422 : i32 to vector<16xi32>
      %gather3A_424 = tpu.vector_load_idx %arg12[%add3A_277, %broadcast_in_dim3A_423] : memref<256x128xf32, #tpu.memory_space<vmem>>[vector<16xi32>, vector<16xi32>], vector<16xf32>,
      %gather3A_425 = tpu.vector_load_idx %arg13[%add3A_277, %broadcast_in_dim3A_423] : memref<256x128xf32, #tpu.memory_space<vmem>>[vector<16xi32>, vector<16xi32>], vector<16xf32>,
      %mul3A_426 = arith.mulf %gather3A_424, %gather3A_425 : vector<16xf32>
      %add3A_427 = arith.addf %add3A_421, %mul3A_426 : vector<16xf32>
      %broadcast_in_dim3A_428 = arith.constant 24 : i32
      %broadcast_in_dim3A_429 = vector.broadcast %broadcast_in_dim3A_428 : i32 to vector<16xi32>
      %gather3A_430 = tpu.vector_load_idx %arg12[%add3A_277, %broadcast_in_dim3A_429] : memref<256x128xf32, #tpu.memory_space<vmem>>[vector<16xi32>, vector<16xi32>], vector<16xf32>,
      %gather3A_431 = tpu.vector_load_idx %arg13[%add3A_277, %broadcast_in_dim3A_429] : memref<256x128xf32, #tpu.memory_space<vmem>>[vector<16xi32>, vector<16xi32>], vector<16xf32>,
      %mul3A_432 = arith.mulf %gather3A_430, %gather3A_431 : vector<16xf32>
      %add3A_433 = arith.addf %add3A_427, %mul3A_432 : vector<16xf32>
      %broadcast_in_dim3A_434 = arith.constant 25 : i32
      %broadcast_in_dim3A_435 = vector.broadcast %broadcast_in_dim3A_434 : i32 to vector<16xi32>
      %gather3A_436 = tpu.vector_load_idx %arg12[%add3A_277, %broadcast_in_dim3A_435] : memref<256x128xf32, #tpu.memory_space<vmem>>[vector<16xi32>, vector<16xi32>], vector<16xf32>,
      %gather3A_437 = tpu.vector_load_idx %arg13[%add3A_277, %broadcast_in_dim3A_435] : memref<256x128xf32, #tpu.memory_space<vmem>>[vector<16xi32>, vector<16xi32>], vector<16xf32>,
      %mul3A_438 = arith.mulf %gather3A_436, %gather3A_437 : vector<16xf32>
      %add3A_439 = arith.addf %add3A_433, %mul3A_438 : vector<16xf32>
      %broadcast_in_dim3A_440 = arith.constant 26 : i32
      %broadcast_in_dim3A_441 = vector.broadcast %broadcast_in_dim3A_440 : i32 to vector<16xi32>
      %gather3A_442 = tpu.vector_load_idx %arg12[%add3A_277, %broadcast_in_dim3A_441] : memref<256x128xf32, #tpu.memory_space<vmem>>[vector<16xi32>, vector<16xi32>], vector<16xf32>,
      %gather3A_443 = tpu.vector_load_idx %arg13[%add3A_277, %broadcast_in_dim3A_441] : memref<256x128xf32, #tpu.memory_space<vmem>>[vector<16xi32>, vector<16xi32>], vector<16xf32>,
      %mul3A_444 = arith.mulf %gather3A_442, %gather3A_443 : vector<16xf32>
      %add3A_445 = arith.addf %add3A_439, %mul3A_444 : vector<16xf32>
      %broadcast_in_dim3A_446 = arith.constant 27 : i32
      %broadcast_in_dim3A_447 = vector.broadcast %broadcast_in_dim3A_446 : i32 to vector<16xi32>
      %gather3A_448 = tpu.vector_load_idx %arg12[%add3A_277, %broadcast_in_dim3A_447] : memref<256x128xf32, #tpu.memory_space<vmem>>[vector<16xi32>, vector<16xi32>], vector<16xf32>,
      %gather3A_449 = tpu.vector_load_idx %arg13[%add3A_277, %broadcast_in_dim3A_447] : memref<256x128xf32, #tpu.memory_space<vmem>>[vector<16xi32>, vector<16xi32>], vector<16xf32>,
      %mul3A_450 = arith.mulf %gather3A_448, %gather3A_449 : vector<16xf32>
      %add3A_451 = arith.addf %add3A_445, %mul3A_450 : vector<16xf32>
      %broadcast_in_dim3A_452 = arith.constant 28 : i32
      %broadcast_in_dim3A_453 = vector.broadcast %broadcast_in_dim3A_452 : i32 to vector<16xi32>
      %gather3A_454 = tpu.vector_load_idx %arg12[%add3A_277, %broadcast_in_dim3A_453] : memref<256x128xf32, #tpu.memory_space<vmem>>[vector<16xi32>, vector<16xi32>], vector<16xf32>,
      %gather3A_455 = tpu.vector_load_idx %arg13[%add3A_277, %broadcast_in_dim3A_453] : memref<256x128xf32, #tpu.memory_space<vmem>>[vector<16xi32>, vector<16xi32>], vector<16xf32>,
      %mul3A_456 = arith.mulf %gather3A_454, %gather3A_455 : vector<16xf32>
      %add3A_457 = arith.addf %add3A_451, %mul3A_456 : vector<16xf32>
      %broadcast_in_dim3A_458 = arith.constant 29 : i32
      %broadcast_in_dim3A_459 = vector.broadcast %broadcast_in_dim3A_458 : i32 to vector<16xi32>
      %gather3A_460 = tpu.vector_load_idx %arg12[%add3A_277, %broadcast_in_dim3A_459] : memref<256x128xf32, #tpu.memory_space<vmem>>[vector<16xi32>, vector<16xi32>], vector<16xf32>,
      %gather3A_461 = tpu.vector_load_idx %arg13[%add3A_277, %broadcast_in_dim3A_459] : memref<256x128xf32, #tpu.memory_space<vmem>>[vector<16xi32>, vector<16xi32>], vector<16xf32>,
      %mul3A_462 = arith.mulf %gather3A_460, %gather3A_461 : vector<16xf32>
      %add3A_463 = arith.addf %add3A_457, %mul3A_462 : vector<16xf32>
      %broadcast_in_dim3A_464 = arith.constant 30 : i32
      %broadcast_in_dim3A_465 = vector.broadcast %broadcast_in_dim3A_464 : i32 to vector<16xi32>
      %gather3A_466 = tpu.vector_load_idx %arg12[%add3A_277, %broadcast_in_dim3A_465] : memref<256x128xf32, #tpu.memory_space<vmem>>[vector<16xi32>, vector<16xi32>], vector<16xf32>,
      %gather3A_467 = tpu.vector_load_idx %arg13[%add3A_277, %broadcast_in_dim3A_465] : memref<256x128xf32, #tpu.memory_space<vmem>>[vector<16xi32>, vector<16xi32>], vector<16xf32>,
      %mul3A_468 = arith.mulf %gather3A_466, %gather3A_467 : vector<16xf32>
      %add3A_469 = arith.addf %add3A_463, %mul3A_468 : vector<16xf32>
      %broadcast_in_dim3A_470 = arith.constant 31 : i32
      %broadcast_in_dim3A_471 = vector.broadcast %broadcast_in_dim3A_470 : i32 to vector<16xi32>
      %gather3A_472 = tpu.vector_load_idx %arg12[%add3A_277, %broadcast_in_dim3A_471] : memref<256x128xf32, #tpu.memory_space<vmem>>[vector<16xi32>, vector<16xi32>], vector<16xf32>,
      %gather3A_473 = tpu.vector_load_idx %arg13[%add3A_277, %broadcast_in_dim3A_471] : memref<256x128xf32, #tpu.memory_space<vmem>>[vector<16xi32>, vector<16xi32>], vector<16xf32>,
      %mul3A_474 = arith.mulf %gather3A_472, %gather3A_473 : vector<16xf32>
      %add3A_475 = arith.addf %add3A_469, %mul3A_474 : vector<16xf32>
      %swap3A_476 = arith.index_cast %add3A_272 : i32 to index
      %swap3A_477 = tpu.vector_load %arg17[%swap3A_476] {strides = array<i32>} : memref<512xf32, #tpu.memory_space<vmem>>, vector<16xf32>,
      tpu.vector_store %arg17[%swap3A_476], %add3A_475 {strides = array<i32>} : memref<512xf32, #tpu.memory_space<vmem>>, vector<16xf32>,
    }
    %scan3A_34 = arith.constant 16 : i32
    %dma_start3A_35 = arith.constant 256 : i32
    %dma_start3A_36 = tpu.memref_slice %arg10[%dma_start3A_35] : memref<512xi32, #tpu.memory_space<vmem>> -> memref<256xi32, #tpu.memory_space<vmem>>
    %dma_start3A_37 = arith.constant 0 : i32
    %dma_start3A_38 = arith.constant 0 : i32
    %dma_start3A_39 = tpu.memref_slice %arg4[%dma_start3A_37, %dma_start3A_38] : memref<1000000x128xf32, #tpu.memory_space<hbm>> -> memref<1000000x128xf32, #tpu.memory_space<hbm>>
    tpu.enqueue_indirect_dma source(%dma_start3A_39 : memref<1000000x128xf32, #tpu.memory_space<hbm>>) target(%arg12 : memref<256x128xf32, #tpu.memory_space<vmem>>) offsets(%dma_start3A_36 : memref<256xi32, #tpu.memory_space<vmem>>) semaphore(%arg18 : memref<!tpu.dma_semaphore, #tpu.memory_space<semaphore_mem>>)
    %dma_start3A_40 = arith.constant 256 : i32
    %dma_start3A_41 = tpu.memref_slice %arg11[%dma_start3A_40] : memref<512xi32, #tpu.memory_space<vmem>> -> memref<256xi32, #tpu.memory_space<vmem>>
    %dma_start3A_42 = arith.constant 0 : i32
    %dma_start3A_43 = arith.constant 0 : i32
    %dma_start3A_44 = tpu.memref_slice %arg5[%dma_start3A_42, %dma_start3A_43] : memref<1000000x128xf32, #tpu.memory_space<hbm>> -> memref<1000000x128xf32, #tpu.memory_space<hbm>>
    tpu.enqueue_indirect_dma source(%dma_start3A_44 : memref<1000000x128xf32, #tpu.memory_space<hbm>>) target(%arg13 : memref<256x128xf32, #tpu.memory_space<vmem>>) offsets(%dma_start3A_41 : memref<256xi32, #tpu.memory_space<vmem>>) semaphore(%arg18 : memref<!tpu.dma_semaphore, #tpu.memory_space<semaphore_mem>>)
    %dma_wait3A_45 = arith.constant 256 : i32
    %dma_wait3A_46 = tpu.memref_slice %arg10[%dma_wait3A_45] : memref<512xi32, #tpu.memory_space<vmem>> -> memref<256xi32, #tpu.memory_space<vmem>>
    %dma_wait3A_47 = arith.constant 0 : i32
    %dma_wait3A_48 = arith.constant 0 : i32
    %dma_wait3A_49 = tpu.memref_slice %arg4[%dma_wait3A_47, %dma_wait3A_48] : memref<1000000x128xf32, #tpu.memory_space<hbm>> -> memref<1000000x128xf32, #tpu.memory_space<hbm>>
    tpu.wait_indirect_dma semaphore(%arg18 : memref<!tpu.dma_semaphore, #tpu.memory_space<semaphore_mem>>) src(%dma_wait3A_49 : memref<1000000x128xf32, #tpu.memory_space<hbm>>) dst(%arg12 : memref<256x128xf32, #tpu.memory_space<vmem>>)
    %dma_wait3A_50 = arith.constant 256 : i32
    %dma_wait3A_51 = tpu.memref_slice %arg11[%dma_wait3A_50] : memref<512xi32, #tpu.memory_space<vmem>> -> memref<256xi32, #tpu.memory_space<vmem>>
    %dma_wait3A_52 = arith.constant 0 : i32
    %dma_wait3A_53 = arith.constant 0 : i32
    %dma_wait3A_54 = tpu.memref_slice %arg5[%dma_wait3A_52, %dma_wait3A_53] : memref<1000000x128xf32, #tpu.memory_space<hbm>> -> memref<1000000x128xf32, #tpu.memory_space<hbm>>
    tpu.wait_indirect_dma semaphore(%arg18 : memref<!tpu.dma_semaphore, #tpu.memory_space<semaphore_mem>>) src(%dma_wait3A_54 : memref<1000000x128xf32, #tpu.memory_space<hbm>>) dst(%arg13 : memref<256x128xf32, #tpu.memory_space<vmem>>)
    %scan3A_55 = arith.constant 0 : i32
    %scan3A_56 = arith.constant 0 : i32
    %scan3A_57 = arith.constant 16 : i32
    %scan3A_58 = arith.addi %scan3A_56, %scan3A_57 : i32
    %scan3A_59 = arith.constant 2 : i32
    scf.for %scan3A_61 = %scan3A_56 to %scan3A_58 step %scan3A_59  : i32 {
      %mul3A_62 = arith.constant 16 : i32
      %mul3A_63 = arith.muli %scan3A_61, %mul3A_62 : i32
      %add3A_64 = arith.constant 256 : i32
      %add3A_65 = arith.addi %add3A_64, %mul3A_63 : i32
      %mul3A_66 = arith.constant 16 : i32
      %mul3A_67 = arith.muli %scan3A_61, %mul3A_66 : i32
      %iota3A = tpu.iota {dimensions = array<i32: 0>} : vector<16xi32>
      %add3A_68 = vector.broadcast %mul3A_67 : i32 to vector<16xi32>
      %add3A_69 = arith.addi %add3A_68, %iota3A : vector<16xi32>
      %get3A_70 = arith.index_cast %add3A_65 : i32 to index
      %get3A_71 = tpu.vector_load %arg14[%get3A_70] {strides = array<i32>} : memref<512xf32, #tpu.memory_space<vmem>>, vector<16xf32>,
      %get3A_72 = arith.index_cast %add3A_65 : i32 to index
      %get3A_73 = tpu.vector_load %arg15[%get3A_72] {strides = array<i32>} : memref<512xf32, #tpu.memory_space<vmem>>, vector<16xf32>,
      %add3A_74 = arith.addf %get3A_71, %get3A_73 : vector<16xf32>
      %add3A_75 = arith.addf %add3A_74, %get3A_9 : vector<16xf32>
      %broadcast_in_dim3A = arith.constant 0 : i32
      %broadcast_in_dim3A_76 = vector.broadcast %broadcast_in_dim3A : i32 to vector<16xi32>
      %gather3A = tpu.vector_load_idx %arg12[%add3A_69, %broadcast_in_dim3A_76] : memref<256x128xf32, #tpu.memory_space<vmem>>[vector<16xi32>, vector<16xi32>], vector<16xf32>,
      %gather3A_77 = tpu.vector_load_idx %arg13[%add3A_69, %broadcast_in_dim3A_76] : memref<256x128xf32, #tpu.memory_space<vmem>>[vector<16xi32>, vector<16xi32>], vector<16xf32>,
      %mul3A_78 = arith.mulf %gather3A, %gather3A_77 : vector<16xf32>
      %add3A_79 = arith.addf %add3A_75, %mul3A_78 : vector<16xf32>
      %broadcast_in_dim3A_80 = arith.constant 1 : i32
      %broadcast_in_dim3A_81 = vector.broadcast %broadcast_in_dim3A_80 : i32 to vector<16xi32>
      %gather3A_82 = tpu.vector_load_idx %arg12[%add3A_69, %broadcast_in_dim3A_81] : memref<256x128xf32, #tpu.memory_space<vmem>>[vector<16xi32>, vector<16xi32>], vector<16xf32>,
      %gather3A_83 = tpu.vector_load_idx %arg13[%add3A_69, %broadcast_in_dim3A_81] : memref<256x128xf32, #tpu.memory_space<vmem>>[vector<16xi32>, vector<16xi32>], vector<16xf32>,
      %mul3A_84 = arith.mulf %gather3A_82, %gather3A_83 : vector<16xf32>
      %add3A_85 = arith.addf %add3A_79, %mul3A_84 : vector<16xf32>
      %broadcast_in_dim3A_86 = arith.constant 2 : i32
      %broadcast_in_dim3A_87 = vector.broadcast %broadcast_in_dim3A_86 : i32 to vector<16xi32>
      %gather3A_88 = tpu.vector_load_idx %arg12[%add3A_69, %broadcast_in_dim3A_87] : memref<256x128xf32, #tpu.memory_space<vmem>>[vector<16xi32>, vector<16xi32>], vector<16xf32>,
      %gather3A_89 = tpu.vector_load_idx %arg13[%add3A_69, %broadcast_in_dim3A_87] : memref<256x128xf32, #tpu.memory_space<vmem>>[vector<16xi32>, vector<16xi32>], vector<16xf32>,
      %mul3A_90 = arith.mulf %gather3A_88, %gather3A_89 : vector<16xf32>
      %add3A_91 = arith.addf %add3A_85, %mul3A_90 : vector<16xf32>
      %broadcast_in_dim3A_92 = arith.constant 3 : i32
      %broadcast_in_dim3A_93 = vector.broadcast %broadcast_in_dim3A_92 : i32 to vector<16xi32>
      %gather3A_94 = tpu.vector_load_idx %arg12[%add3A_69, %broadcast_in_dim3A_93] : memref<256x128xf32, #tpu.memory_space<vmem>>[vector<16xi32>, vector<16xi32>], vector<16xf32>,
      %gather3A_95 = tpu.vector_load_idx %arg13[%add3A_69, %broadcast_in_dim3A_93] : memref<256x128xf32, #tpu.memory_space<vmem>>[vector<16xi32>, vector<16xi32>], vector<16xf32>,
      %mul3A_96 = arith.mulf %gather3A_94, %gather3A_95 : vector<16xf32>
      %add3A_97 = arith.addf %add3A_91, %mul3A_96 : vector<16xf32>
      %broadcast_in_dim3A_98 = arith.constant 4 : i32
      %broadcast_in_dim3A_99 = vector.broadcast %broadcast_in_dim3A_98 : i32 to vector<16xi32>
      %gather3A_100 = tpu.vector_load_idx %arg12[%add3A_69, %broadcast_in_dim3A_99] : memref<256x128xf32, #tpu.memory_space<vmem>>[vector<16xi32>, vector<16xi32>], vector<16xf32>,
      %gather3A_101 = tpu.vector_load_idx %arg13[%add3A_69, %broadcast_in_dim3A_99] : memref<256x128xf32, #tpu.memory_space<vmem>>[vector<16xi32>, vector<16xi32>], vector<16xf32>,
      %mul3A_102 = arith.mulf %gather3A_100, %gather3A_101 : vector<16xf32>
      %add3A_103 = arith.addf %add3A_97, %mul3A_102 : vector<16xf32>
      %broadcast_in_dim3A_104 = arith.constant 5 : i32
      %broadcast_in_dim3A_105 = vector.broadcast %broadcast_in_dim3A_104 : i32 to vector<16xi32>
      %gather3A_106 = tpu.vector_load_idx %arg12[%add3A_69, %broadcast_in_dim3A_105] : memref<256x128xf32, #tpu.memory_space<vmem>>[vector<16xi32>, vector<16xi32>], vector<16xf32>,
      %gather3A_107 = tpu.vector_load_idx %arg13[%add3A_69, %broadcast_in_dim3A_105] : memref<256x128xf32, #tpu.memory_space<vmem>>[vector<16xi32>, vector<16xi32>], vector<16xf32>,
      %mul3A_108 = arith.mulf %gather3A_106, %gather3A_107 : vector<16xf32>
      %add3A_109 = arith.addf %add3A_103, %mul3A_108 : vector<16xf32>
      %broadcast_in_dim3A_110 = arith.constant 6 : i32
      %broadcast_in_dim3A_111 = vector.broadcast %broadcast_in_dim3A_110 : i32 to vector<16xi32>
      %gather3A_112 = tpu.vector_load_idx %arg12[%add3A_69, %broadcast_in_dim3A_111] : memref<256x128xf32, #tpu.memory_space<vmem>>[vector<16xi32>, vector<16xi32>], vector<16xf32>,
      %gather3A_113 = tpu.vector_load_idx %arg13[%add3A_69, %broadcast_in_dim3A_111] : memref<256x128xf32, #tpu.memory_space<vmem>>[vector<16xi32>, vector<16xi32>], vector<16xf32>,
      %mul3A_114 = arith.mulf %gather3A_112, %gather3A_113 : vector<16xf32>
      %add3A_115 = arith.addf %add3A_109, %mul3A_114 : vector<16xf32>
      %broadcast_in_dim3A_116 = arith.constant 7 : i32
      %broadcast_in_dim3A_117 = vector.broadcast %broadcast_in_dim3A_116 : i32 to vector<16xi32>
      %gather3A_118 = tpu.vector_load_idx %arg12[%add3A_69, %broadcast_in_dim3A_117] : memref<256x128xf32, #tpu.memory_space<vmem>>[vector<16xi32>, vector<16xi32>], vector<16xf32>,
      %gather3A_119 = tpu.vector_load_idx %arg13[%add3A_69, %broadcast_in_dim3A_117] : memref<256x128xf32, #tpu.memory_space<vmem>>[vector<16xi32>, vector<16xi32>], vector<16xf32>,
      %mul3A_120 = arith.mulf %gather3A_118, %gather3A_119 : vector<16xf32>
      %add3A_121 = arith.addf %add3A_115, %mul3A_120 : vector<16xf32>
      %broadcast_in_dim3A_122 = arith.constant 8 : i32
      %broadcast_in_dim3A_123 = vector.broadcast %broadcast_in_dim3A_122 : i32 to vector<16xi32>
      %gather3A_124 = tpu.vector_load_idx %arg12[%add3A_69, %broadcast_in_dim3A_123] : memref<256x128xf32, #tpu.memory_space<vmem>>[vector<16xi32>, vector<16xi32>], vector<16xf32>,
      %gather3A_125 = tpu.vector_load_idx %arg13[%add3A_69, %broadcast_in_dim3A_123] : memref<256x128xf32, #tpu.memory_space<vmem>>[vector<16xi32>, vector<16xi32>], vector<16xf32>,
      %mul3A_126 = arith.mulf %gather3A_124, %gather3A_125 : vector<16xf32>
      %add3A_127 = arith.addf %add3A_121, %mul3A_126 : vector<16xf32>
      %broadcast_in_dim3A_128 = arith.constant 9 : i32
      %broadcast_in_dim3A_129 = vector.broadcast %broadcast_in_dim3A_128 : i32 to vector<16xi32>
      %gather3A_130 = tpu.vector_load_idx %arg12[%add3A_69, %broadcast_in_dim3A_129] : memref<256x128xf32, #tpu.memory_space<vmem>>[vector<16xi32>, vector<16xi32>], vector<16xf32>,
      %gather3A_131 = tpu.vector_load_idx %arg13[%add3A_69, %broadcast_in_dim3A_129] : memref<256x128xf32, #tpu.memory_space<vmem>>[vector<16xi32>, vector<16xi32>], vector<16xf32>,
      %mul3A_132 = arith.mulf %gather3A_130, %gather3A_131 : vector<16xf32>
      %add3A_133 = arith.addf %add3A_127, %mul3A_132 : vector<16xf32>
      %broadcast_in_dim3A_134 = arith.constant 10 : i32
      %broadcast_in_dim3A_135 = vector.broadcast %broadcast_in_dim3A_134 : i32 to vector<16xi32>
      %gather3A_136 = tpu.vector_load_idx %arg12[%add3A_69, %broadcast_in_dim3A_135] : memref<256x128xf32, #tpu.memory_space<vmem>>[vector<16xi32>, vector<16xi32>], vector<16xf32>,
      %gather3A_137 = tpu.vector_load_idx %arg13[%add3A_69, %broadcast_in_dim3A_135] : memref<256x128xf32, #tpu.memory_space<vmem>>[vector<16xi32>, vector<16xi32>], vector<16xf32>,
      %mul3A_138 = arith.mulf %gather3A_136, %gather3A_137 : vector<16xf32>
      %add3A_139 = arith.addf %add3A_133, %mul3A_138 : vector<16xf32>
      %broadcast_in_dim3A_140 = arith.constant 11 : i32
      %broadcast_in_dim3A_141 = vector.broadcast %broadcast_in_dim3A_140 : i32 to vector<16xi32>
      %gather3A_142 = tpu.vector_load_idx %arg12[%add3A_69, %broadcast_in_dim3A_141] : memref<256x128xf32, #tpu.memory_space<vmem>>[vector<16xi32>, vector<16xi32>], vector<16xf32>,
      %gather3A_143 = tpu.vector_load_idx %arg13[%add3A_69, %broadcast_in_dim3A_141] : memref<256x128xf32, #tpu.memory_space<vmem>>[vector<16xi32>, vector<16xi32>], vector<16xf32>,
      %mul3A_144 = arith.mulf %gather3A_142, %gather3A_143 : vector<16xf32>
      %add3A_145 = arith.addf %add3A_139, %mul3A_144 : vector<16xf32>
      %broadcast_in_dim3A_146 = arith.constant 12 : i32
      %broadcast_in_dim3A_147 = vector.broadcast %broadcast_in_dim3A_146 : i32 to vector<16xi32>
      %gather3A_148 = tpu.vector_load_idx %arg12[%add3A_69, %broadcast_in_dim3A_147] : memref<256x128xf32, #tpu.memory_space<vmem>>[vector<16xi32>, vector<16xi32>], vector<16xf32>,
      %gather3A_149 = tpu.vector_load_idx %arg13[%add3A_69, %broadcast_in_dim3A_147] : memref<256x128xf32, #tpu.memory_space<vmem>>[vector<16xi32>, vector<16xi32>], vector<16xf32>,
      %mul3A_150 = arith.mulf %gather3A_148, %gather3A_149 : vector<16xf32>
      %add3A_151 = arith.addf %add3A_145, %mul3A_150 : vector<16xf32>
      %broadcast_in_dim3A_152 = arith.constant 13 : i32
      %broadcast_in_dim3A_153 = vector.broadcast %broadcast_in_dim3A_152 : i32 to vector<16xi32>
      %gather3A_154 = tpu.vector_load_idx %arg12[%add3A_69, %broadcast_in_dim3A_153] : memref<256x128xf32, #tpu.memory_space<vmem>>[vector<16xi32>, vector<16xi32>], vector<16xf32>,
      %gather3A_155 = tpu.vector_load_idx %arg13[%add3A_69, %broadcast_in_dim3A_153] : memref<256x128xf32, #tpu.memory_space<vmem>>[vector<16xi32>, vector<16xi32>], vector<16xf32>,
      %mul3A_156 = arith.mulf %gather3A_154, %gather3A_155 : vector<16xf32>
      %add3A_157 = arith.addf %add3A_151, %mul3A_156 : vector<16xf32>
      %broadcast_in_dim3A_158 = arith.constant 14 : i32
      %broadcast_in_dim3A_159 = vector.broadcast %broadcast_in_dim3A_158 : i32 to vector<16xi32>
      %gather3A_160 = tpu.vector_load_idx %arg12[%add3A_69, %broadcast_in_dim3A_159] : memref<256x128xf32, #tpu.memory_space<vmem>>[vector<16xi32>, vector<16xi32>], vector<16xf32>,
      %gather3A_161 = tpu.vector_load_idx %arg13[%add3A_69, %broadcast_in_dim3A_159] : memref<256x128xf32, #tpu.memory_space<vmem>>[vector<16xi32>, vector<16xi32>], vector<16xf32>,
      %mul3A_162 = arith.mulf %gather3A_160, %gather3A_161 : vector<16xf32>
      %add3A_163 = arith.addf %add3A_157, %mul3A_162 : vector<16xf32>
      %broadcast_in_dim3A_164 = arith.constant 15 : i32
      %broadcast_in_dim3A_165 = vector.broadcast %broadcast_in_dim3A_164 : i32 to vector<16xi32>
      %gather3A_166 = tpu.vector_load_idx %arg12[%add3A_69, %broadcast_in_dim3A_165] : memref<256x128xf32, #tpu.memory_space<vmem>>[vector<16xi32>, vector<16xi32>], vector<16xf32>,
      %gather3A_167 = tpu.vector_load_idx %arg13[%add3A_69, %broadcast_in_dim3A_165] : memref<256x128xf32, #tpu.memory_space<vmem>>[vector<16xi32>, vector<16xi32>], vector<16xf32>,
      %mul3A_168 = arith.mulf %gather3A_166, %gather3A_167 : vector<16xf32>
      %add3A_169 = arith.addf %add3A_163, %mul3A_168 : vector<16xf32>
      %broadcast_in_dim3A_170 = arith.constant 16 : i32
      %broadcast_in_dim3A_171 = vector.broadcast %broadcast_in_dim3A_170 : i32 to vector<16xi32>
      %gather3A_172 = tpu.vector_load_idx %arg12[%add3A_69, %broadcast_in_dim3A_171] : memref<256x128xf32, #tpu.memory_space<vmem>>[vector<16xi32>, vector<16xi32>], vector<16xf32>,
      %gather3A_173 = tpu.vector_load_idx %arg13[%add3A_69, %broadcast_in_dim3A_171] : memref<256x128xf32, #tpu.memory_space<vmem>>[vector<16xi32>, vector<16xi32>], vector<16xf32>,
      %mul3A_174 = arith.mulf %gather3A_172, %gather3A_173 : vector<16xf32>
      %add3A_175 = arith.addf %add3A_169, %mul3A_174 : vector<16xf32>
      %broadcast_in_dim3A_176 = arith.constant 17 : i32
      %broadcast_in_dim3A_177 = vector.broadcast %broadcast_in_dim3A_176 : i32 to vector<16xi32>
      %gather3A_178 = tpu.vector_load_idx %arg12[%add3A_69, %broadcast_in_dim3A_177] : memref<256x128xf32, #tpu.memory_space<vmem>>[vector<16xi32>, vector<16xi32>], vector<16xf32>,
      %gather3A_179 = tpu.vector_load_idx %arg13[%add3A_69, %broadcast_in_dim3A_177] : memref<256x128xf32, #tpu.memory_space<vmem>>[vector<16xi32>, vector<16xi32>], vector<16xf32>,
      %mul3A_180 = arith.mulf %gather3A_178, %gather3A_179 : vector<16xf32>
      %add3A_181 = arith.addf %add3A_175, %mul3A_180 : vector<16xf32>
      %broadcast_in_dim3A_182 = arith.constant 18 : i32
      %broadcast_in_dim3A_183 = vector.broadcast %broadcast_in_dim3A_182 : i32 to vector<16xi32>
      %gather3A_184 = tpu.vector_load_idx %arg12[%add3A_69, %broadcast_in_dim3A_183] : memref<256x128xf32, #tpu.memory_space<vmem>>[vector<16xi32>, vector<16xi32>], vector<16xf32>,
      %gather3A_185 = tpu.vector_load_idx %arg13[%add3A_69, %broadcast_in_dim3A_183] : memref<256x128xf32, #tpu.memory_space<vmem>>[vector<16xi32>, vector<16xi32>], vector<16xf32>,
      %mul3A_186 = arith.mulf %gather3A_184, %gather3A_185 : vector<16xf32>
      %add3A_187 = arith.addf %add3A_181, %mul3A_186 : vector<16xf32>
      %broadcast_in_dim3A_188 = arith.constant 19 : i32
      %broadcast_in_dim3A_189 = vector.broadcast %broadcast_in_dim3A_188 : i32 to vector<16xi32>
      %gather3A_190 = tpu.vector_load_idx %arg12[%add3A_69, %broadcast_in_dim3A_189] : memref<256x128xf32, #tpu.memory_space<vmem>>[vector<16xi32>, vector<16xi32>], vector<16xf32>,
      %gather3A_191 = tpu.vector_load_idx %arg13[%add3A_69, %broadcast_in_dim3A_189] : memref<256x128xf32, #tpu.memory_space<vmem>>[vector<16xi32>, vector<16xi32>], vector<16xf32>,
      %mul3A_192 = arith.mulf %gather3A_190, %gather3A_191 : vector<16xf32>
      %add3A_193 = arith.addf %add3A_187, %mul3A_192 : vector<16xf32>
      %broadcast_in_dim3A_194 = arith.constant 20 : i32
      %broadcast_in_dim3A_195 = vector.broadcast %broadcast_in_dim3A_194 : i32 to vector<16xi32>
      %gather3A_196 = tpu.vector_load_idx %arg12[%add3A_69, %broadcast_in_dim3A_195] : memref<256x128xf32, #tpu.memory_space<vmem>>[vector<16xi32>, vector<16xi32>], vector<16xf32>,
      %gather3A_197 = tpu.vector_load_idx %arg13[%add3A_69, %broadcast_in_dim3A_195] : memref<256x128xf32, #tpu.memory_space<vmem>>[vector<16xi32>, vector<16xi32>], vector<16xf32>,
      %mul3A_198 = arith.mulf %gather3A_196, %gather3A_197 : vector<16xf32>
      %add3A_199 = arith.addf %add3A_193, %mul3A_198 : vector<16xf32>
      %broadcast_in_dim3A_200 = arith.constant 21 : i32
      %broadcast_in_dim3A_201 = vector.broadcast %broadcast_in_dim3A_200 : i32 to vector<16xi32>
      %gather3A_202 = tpu.vector_load_idx %arg12[%add3A_69, %broadcast_in_dim3A_201] : memref<256x128xf32, #tpu.memory_space<vmem>>[vector<16xi32>, vector<16xi32>], vector<16xf32>,
      %gather3A_203 = tpu.vector_load_idx %arg13[%add3A_69, %broadcast_in_dim3A_201] : memref<256x128xf32, #tpu.memory_space<vmem>>[vector<16xi32>, vector<16xi32>], vector<16xf32>,
      %mul3A_204 = arith.mulf %gather3A_202, %gather3A_203 : vector<16xf32>
      %add3A_205 = arith.addf %add3A_199, %mul3A_204 : vector<16xf32>
      %broadcast_in_dim3A_206 = arith.constant 22 : i32
      %broadcast_in_dim3A_207 = vector.broadcast %broadcast_in_dim3A_206 : i32 to vector<16xi32>
      %gather3A_208 = tpu.vector_load_idx %arg12[%add3A_69, %broadcast_in_dim3A_207] : memref<256x128xf32, #tpu.memory_space<vmem>>[vector<16xi32>, vector<16xi32>], vector<16xf32>,
      %gather3A_209 = tpu.vector_load_idx %arg13[%add3A_69, %broadcast_in_dim3A_207] : memref<256x128xf32, #tpu.memory_space<vmem>>[vector<16xi32>, vector<16xi32>], vector<16xf32>,
      %mul3A_210 = arith.mulf %gather3A_208, %gather3A_209 : vector<16xf32>
      %add3A_211 = arith.addf %add3A_205, %mul3A_210 : vector<16xf32>
      %broadcast_in_dim3A_212 = arith.constant 23 : i32
      %broadcast_in_dim3A_213 = vector.broadcast %broadcast_in_dim3A_212 : i32 to vector<16xi32>
      %gather3A_214 = tpu.vector_load_idx %arg12[%add3A_69, %broadcast_in_dim3A_213] : memref<256x128xf32, #tpu.memory_space<vmem>>[vector<16xi32>, vector<16xi32>], vector<16xf32>,
      %gather3A_215 = tpu.vector_load_idx %arg13[%add3A_69, %broadcast_in_dim3A_213] : memref<256x128xf32, #tpu.memory_space<vmem>>[vector<16xi32>, vector<16xi32>], vector<16xf32>,
      %mul3A_216 = arith.mulf %gather3A_214, %gather3A_215 : vector<16xf32>
      %add3A_217 = arith.addf %add3A_211, %mul3A_216 : vector<16xf32>
      %broadcast_in_dim3A_218 = arith.constant 24 : i32
      %broadcast_in_dim3A_219 = vector.broadcast %broadcast_in_dim3A_218 : i32 to vector<16xi32>
      %gather3A_220 = tpu.vector_load_idx %arg12[%add3A_69, %broadcast_in_dim3A_219] : memref<256x128xf32, #tpu.memory_space<vmem>>[vector<16xi32>, vector<16xi32>], vector<16xf32>,
      %gather3A_221 = tpu.vector_load_idx %arg13[%add3A_69, %broadcast_in_dim3A_219] : memref<256x128xf32, #tpu.memory_space<vmem>>[vector<16xi32>, vector<16xi32>], vector<16xf32>,
      %mul3A_222 = arith.mulf %gather3A_220, %gather3A_221 : vector<16xf32>
      %add3A_223 = arith.addf %add3A_217, %mul3A_222 : vector<16xf32>
      %broadcast_in_dim3A_224 = arith.constant 25 : i32
      %broadcast_in_dim3A_225 = vector.broadcast %broadcast_in_dim3A_224 : i32 to vector<16xi32>
      %gather3A_226 = tpu.vector_load_idx %arg12[%add3A_69, %broadcast_in_dim3A_225] : memref<256x128xf32, #tpu.memory_space<vmem>>[vector<16xi32>, vector<16xi32>], vector<16xf32>,
      %gather3A_227 = tpu.vector_load_idx %arg13[%add3A_69, %broadcast_in_dim3A_225] : memref<256x128xf32, #tpu.memory_space<vmem>>[vector<16xi32>, vector<16xi32>], vector<16xf32>,
      %mul3A_228 = arith.mulf %gather3A_226, %gather3A_227 : vector<16xf32>
      %add3A_229 = arith.addf %add3A_223, %mul3A_228 : vector<16xf32>
      %broadcast_in_dim3A_230 = arith.constant 26 : i32
      %broadcast_in_dim3A_231 = vector.broadcast %broadcast_in_dim3A_230 : i32 to vector<16xi32>
      %gather3A_232 = tpu.vector_load_idx %arg12[%add3A_69, %broadcast_in_dim3A_231] : memref<256x128xf32, #tpu.memory_space<vmem>>[vector<16xi32>, vector<16xi32>], vector<16xf32>,
      %gather3A_233 = tpu.vector_load_idx %arg13[%add3A_69, %broadcast_in_dim3A_231] : memref<256x128xf32, #tpu.memory_space<vmem>>[vector<16xi32>, vector<16xi32>], vector<16xf32>,
      %mul3A_234 = arith.mulf %gather3A_232, %gather3A_233 : vector<16xf32>
      %add3A_235 = arith.addf %add3A_229, %mul3A_234 : vector<16xf32>
      %broadcast_in_dim3A_236 = arith.constant 27 : i32
      %broadcast_in_dim3A_237 = vector.broadcast %broadcast_in_dim3A_236 : i32 to vector<16xi32>
      %gather3A_238 = tpu.vector_load_idx %arg12[%add3A_69, %broadcast_in_dim3A_237] : memref<256x128xf32, #tpu.memory_space<vmem>>[vector<16xi32>, vector<16xi32>], vector<16xf32>,
      %gather3A_239 = tpu.vector_load_idx %arg13[%add3A_69, %broadcast_in_dim3A_237] : memref<256x128xf32, #tpu.memory_space<vmem>>[vector<16xi32>, vector<16xi32>], vector<16xf32>,
      %mul3A_240 = arith.mulf %gather3A_238, %gather3A_239 : vector<16xf32>
      %add3A_241 = arith.addf %add3A_235, %mul3A_240 : vector<16xf32>
      %broadcast_in_dim3A_242 = arith.constant 28 : i32
      %broadcast_in_dim3A_243 = vector.broadcast %broadcast_in_dim3A_242 : i32 to vector<16xi32>
      %gather3A_244 = tpu.vector_load_idx %arg12[%add3A_69, %broadcast_in_dim3A_243] : memref<256x128xf32, #tpu.memory_space<vmem>>[vector<16xi32>, vector<16xi32>], vector<16xf32>,
      %gather3A_245 = tpu.vector_load_idx %arg13[%add3A_69, %broadcast_in_dim3A_243] : memref<256x128xf32, #tpu.memory_space<vmem>>[vector<16xi32>, vector<16xi32>], vector<16xf32>,
      %mul3A_246 = arith.mulf %gather3A_244, %gather3A_245 : vector<16xf32>
      %add3A_247 = arith.addf %add3A_241, %mul3A_246 : vector<16xf32>
      %broadcast_in_dim3A_248 = arith.constant 29 : i32
      %broadcast_in_dim3A_249 = vector.broadcast %broadcast_in_dim3A_248 : i32 to vector<16xi32>
      %gather3A_250 = tpu.vector_load_idx %arg12[%add3A_69, %broadcast_in_dim3A_249] : memref<256x128xf32, #tpu.memory_space<vmem>>[vector<16xi32>, vector<16xi32>], vector<16xf32>,
      %gather3A_251 = tpu.vector_load_idx %arg13[%add3A_69, %broadcast_in_dim3A_249] : memref<256x128xf32, #tpu.memory_space<vmem>>[vector<16xi32>, vector<16xi32>], vector<16xf32>,
      %mul3A_252 = arith.mulf %gather3A_250, %gather3A_251 : vector<16xf32>
      %add3A_253 = arith.addf %add3A_247, %mul3A_252 : vector<16xf32>
      %broadcast_in_dim3A_254 = arith.constant 30 : i32
      %broadcast_in_dim3A_255 = vector.broadcast %broadcast_in_dim3A_254 : i32 to vector<16xi32>
      %gather3A_256 = tpu.vector_load_idx %arg12[%add3A_69, %broadcast_in_dim3A_255] : memref<256x128xf32, #tpu.memory_space<vmem>>[vector<16xi32>, vector<16xi32>], vector<16xf32>,
      %gather3A_257 = tpu.vector_load_idx %arg13[%add3A_69, %broadcast_in_dim3A_255] : memref<256x128xf32, #tpu.memory_space<vmem>>[vector<16xi32>, vector<16xi32>], vector<16xf32>,
      %mul3A_258 = arith.mulf %gather3A_256, %gather3A_257 : vector<16xf32>
      %add3A_259 = arith.addf %add3A_253, %mul3A_258 : vector<16xf32>
      %broadcast_in_dim3A_260 = arith.constant 31 : i32
      %broadcast_in_dim3A_261 = vector.broadcast %broadcast_in_dim3A_260 : i32 to vector<16xi32>
      %gather3A_262 = tpu.vector_load_idx %arg12[%add3A_69, %broadcast_in_dim3A_261] : memref<256x128xf32, #tpu.memory_space<vmem>>[vector<16xi32>, vector<16xi32>], vector<16xf32>,
      %gather3A_263 = tpu.vector_load_idx %arg13[%add3A_69, %broadcast_in_dim3A_261] : memref<256x128xf32, #tpu.memory_space<vmem>>[vector<16xi32>, vector<16xi32>], vector<16xf32>,
      %mul3A_264 = arith.mulf %gather3A_262, %gather3A_263 : vector<16xf32>
      %add3A_265 = arith.addf %add3A_259, %mul3A_264 : vector<16xf32>
      %swap3A = arith.index_cast %add3A_65 : i32 to index
      %swap3A_266 = tpu.vector_load %arg17[%swap3A] {strides = array<i32>} : memref<512xf32, #tpu.memory_space<vmem>>, vector<16xf32>,
      tpu.vector_store %arg17[%swap3A], %add3A_265 {strides = array<i32>} : memref<512xf32, #tpu.memory_space<vmem>>, vector<16xf32>,
      %scan3A_267 = arith.constant 1 : i32
      %scan3A_268 = arith.addi %scan3A_61, %scan3A_267 : i32
      %mul3A_269 = arith.constant 16 : i32
      %mul3A_270 = arith.muli %scan3A_268, %mul3A_269 : i32
      %add3A_271 = arith.constant 256 : i32
      %add3A_272 = arith.addi %add3A_271, %mul3A_270 : i32
      %mul3A_273 = arith.constant 16 : i32
      %mul3A_274 = arith.muli %scan3A_268, %mul3A_273 : i32
      %iota3A_275 = tpu.iota {dimensions = array<i32: 0>} : vector<16xi32>
      %add3A_276 = vector.broadcast %mul3A_274 : i32 to vector<16xi32>
      %add3A_277 = arith.addi %add3A_276, %iota3A_275 : vector<16xi32>
      %get3A_278 = arith.index_cast %add3A_272 : i32 to index
      %get3A_279 = tpu.vector_load %arg14[%get3A_278] {strides = array<i32>} : memref<512xf32, #tpu.memory_space<vmem>>, vector<16xf32>,
      %get3A_280 = arith.index_cast %add3A_272 : i32 to index
      %get3A_281 = tpu.vector_load %arg15[%get3A_280] {strides = array<i32>} : memref<512xf32, #tpu.memory_space<vmem>>, vector<16xf32>,
      %add3A_282 = arith.addf %get3A_279, %get3A_281 : vector<16xf32>
      %add3A_283 = arith.addf %add3A_282, %get3A_9 : vector<16xf32>
      %broadcast_in_dim3A_284 = arith.constant 0 : i32
      %broadcast_in_dim3A_285 = vector.broadcast %broadcast_in_dim3A_284 : i32 to vector<16xi32>
      %gather3A_286 = tpu.vector_load_idx %arg12[%add3A_277, %broadcast_in_dim3A_285] : memref<256x128xf32, #tpu.memory_space<vmem>>[vector<16xi32>, vector<16xi32>], vector<16xf32>,
      %gather3A_287 = tpu.vector_load_idx %arg13[%add3A_277, %broadcast_in_dim3A_285] : memref<256x128xf32, #tpu.memory_space<vmem>>[vector<16xi32>, vector<16xi32>], vector<16xf32>,
      %mul3A_288 = arith.mulf %gather3A_286, %gather3A_287 : vector<16xf32>
      %add3A_289 = arith.addf %add3A_283, %mul3A_288 : vector<16xf32>
      %broadcast_in_dim3A_290 = arith.constant 1 : i32
      %broadcast_in_dim3A_291 = vector.broadcast %broadcast_in_dim3A_290 : i32 to vector<16xi32>
      %gather3A_292 = tpu.vector_load_idx %arg12[%add3A_277, %broadcast_in_dim3A_291] : memref<256x128xf32, #tpu.memory_space<vmem>>[vector<16xi32>, vector<16xi32>], vector<16xf32>,
      %gather3A_293 = tpu.vector_load_idx %arg13[%add3A_277, %broadcast_in_dim3A_291] : memref<256x128xf32, #tpu.memory_space<vmem>>[vector<16xi32>, vector<16xi32>], vector<16xf32>,
      %mul3A_294 = arith.mulf %gather3A_292, %gather3A_293 : vector<16xf32>
      %add3A_295 = arith.addf %add3A_289, %mul3A_294 : vector<16xf32>
      %broadcast_in_dim3A_296 = arith.constant 2 : i32
      %broadcast_in_dim3A_297 = vector.broadcast %broadcast_in_dim3A_296 : i32 to vector<16xi32>
      %gather3A_298 = tpu.vector_load_idx %arg12[%add3A_277, %broadcast_in_dim3A_297] : memref<256x128xf32, #tpu.memory_space<vmem>>[vector<16xi32>, vector<16xi32>], vector<16xf32>,
      %gather3A_299 = tpu.vector_load_idx %arg13[%add3A_277, %broadcast_in_dim3A_297] : memref<256x128xf32, #tpu.memory_space<vmem>>[vector<16xi32>, vector<16xi32>], vector<16xf32>,
      %mul3A_300 = arith.mulf %gather3A_298, %gather3A_299 : vector<16xf32>
      %add3A_301 = arith.addf %add3A_295, %mul3A_300 : vector<16xf32>
      %broadcast_in_dim3A_302 = arith.constant 3 : i32
      %broadcast_in_dim3A_303 = vector.broadcast %broadcast_in_dim3A_302 : i32 to vector<16xi32>
      %gather3A_304 = tpu.vector_load_idx %arg12[%add3A_277, %broadcast_in_dim3A_303] : memref<256x128xf32, #tpu.memory_space<vmem>>[vector<16xi32>, vector<16xi32>], vector<16xf32>,
      %gather3A_305 = tpu.vector_load_idx %arg13[%add3A_277, %broadcast_in_dim3A_303] : memref<256x128xf32, #tpu.memory_space<vmem>>[vector<16xi32>, vector<16xi32>], vector<16xf32>,
      %mul3A_306 = arith.mulf %gather3A_304, %gather3A_305 : vector<16xf32>
      %add3A_307 = arith.addf %add3A_301, %mul3A_306 : vector<16xf32>
      %broadcast_in_dim3A_308 = arith.constant 4 : i32
      %broadcast_in_dim3A_309 = vector.broadcast %broadcast_in_dim3A_308 : i32 to vector<16xi32>
      %gather3A_310 = tpu.vector_load_idx %arg12[%add3A_277, %broadcast_in_dim3A_309] : memref<256x128xf32, #tpu.memory_space<vmem>>[vector<16xi32>, vector<16xi32>], vector<16xf32>,
      %gather3A_311 = tpu.vector_load_idx %arg13[%add3A_277, %broadcast_in_dim3A_309] : memref<256x128xf32, #tpu.memory_space<vmem>>[vector<16xi32>, vector<16xi32>], vector<16xf32>,
      %mul3A_312 = arith.mulf %gather3A_310, %gather3A_311 : vector<16xf32>
      %add3A_313 = arith.addf %add3A_307, %mul3A_312 : vector<16xf32>
      %broadcast_in_dim3A_314 = arith.constant 5 : i32
      %broadcast_in_dim3A_315 = vector.broadcast %broadcast_in_dim3A_314 : i32 to vector<16xi32>
      %gather3A_316 = tpu.vector_load_idx %arg12[%add3A_277, %broadcast_in_dim3A_315] : memref<256x128xf32, #tpu.memory_space<vmem>>[vector<16xi32>, vector<16xi32>], vector<16xf32>,
      %gather3A_317 = tpu.vector_load_idx %arg13[%add3A_277, %broadcast_in_dim3A_315] : memref<256x128xf32, #tpu.memory_space<vmem>>[vector<16xi32>, vector<16xi32>], vector<16xf32>,
      %mul3A_318 = arith.mulf %gather3A_316, %gather3A_317 : vector<16xf32>
      %add3A_319 = arith.addf %add3A_313, %mul3A_318 : vector<16xf32>
      %broadcast_in_dim3A_320 = arith.constant 6 : i32
      %broadcast_in_dim3A_321 = vector.broadcast %broadcast_in_dim3A_320 : i32 to vector<16xi32>
      %gather3A_322 = tpu.vector_load_idx %arg12[%add3A_277, %broadcast_in_dim3A_321] : memref<256x128xf32, #tpu.memory_space<vmem>>[vector<16xi32>, vector<16xi32>], vector<16xf32>,
      %gather3A_323 = tpu.vector_load_idx %arg13[%add3A_277, %broadcast_in_dim3A_321] : memref<256x128xf32, #tpu.memory_space<vmem>>[vector<16xi32>, vector<16xi32>], vector<16xf32>,
      %mul3A_324 = arith.mulf %gather3A_322, %gather3A_323 : vector<16xf32>
      %add3A_325 = arith.addf %add3A_319, %mul3A_324 : vector<16xf32>
      %broadcast_in_dim3A_326 = arith.constant 7 : i32
      %broadcast_in_dim3A_327 = vector.broadcast %broadcast_in_dim3A_326 : i32 to vector<16xi32>
      %gather3A_328 = tpu.vector_load_idx %arg12[%add3A_277, %broadcast_in_dim3A_327] : memref<256x128xf32, #tpu.memory_space<vmem>>[vector<16xi32>, vector<16xi32>], vector<16xf32>,
      %gather3A_329 = tpu.vector_load_idx %arg13[%add3A_277, %broadcast_in_dim3A_327] : memref<256x128xf32, #tpu.memory_space<vmem>>[vector<16xi32>, vector<16xi32>], vector<16xf32>,
      %mul3A_330 = arith.mulf %gather3A_328, %gather3A_329 : vector<16xf32>
      %add3A_331 = arith.addf %add3A_325, %mul3A_330 : vector<16xf32>
      %broadcast_in_dim3A_332 = arith.constant 8 : i32
      %broadcast_in_dim3A_333 = vector.broadcast %broadcast_in_dim3A_332 : i32 to vector<16xi32>
      %gather3A_334 = tpu.vector_load_idx %arg12[%add3A_277, %broadcast_in_dim3A_333] : memref<256x128xf32, #tpu.memory_space<vmem>>[vector<16xi32>, vector<16xi32>], vector<16xf32>,
      %gather3A_335 = tpu.vector_load_idx %arg13[%add3A_277, %broadcast_in_dim3A_333] : memref<256x128xf32, #tpu.memory_space<vmem>>[vector<16xi32>, vector<16xi32>], vector<16xf32>,
      %mul3A_336 = arith.mulf %gather3A_334, %gather3A_335 : vector<16xf32>
      %add3A_337 = arith.addf %add3A_331, %mul3A_336 : vector<16xf32>
      %broadcast_in_dim3A_338 = arith.constant 9 : i32
      %broadcast_in_dim3A_339 = vector.broadcast %broadcast_in_dim3A_338 : i32 to vector<16xi32>
      %gather3A_340 = tpu.vector_load_idx %arg12[%add3A_277, %broadcast_in_dim3A_339] : memref<256x128xf32, #tpu.memory_space<vmem>>[vector<16xi32>, vector<16xi32>], vector<16xf32>,
      %gather3A_341 = tpu.vector_load_idx %arg13[%add3A_277, %broadcast_in_dim3A_339] : memref<256x128xf32, #tpu.memory_space<vmem>>[vector<16xi32>, vector<16xi32>], vector<16xf32>,
      %mul3A_342 = arith.mulf %gather3A_340, %gather3A_341 : vector<16xf32>
      %add3A_343 = arith.addf %add3A_337, %mul3A_342 : vector<16xf32>
      %broadcast_in_dim3A_344 = arith.constant 10 : i32
      %broadcast_in_dim3A_345 = vector.broadcast %broadcast_in_dim3A_344 : i32 to vector<16xi32>
      %gather3A_346 = tpu.vector_load_idx %arg12[%add3A_277, %broadcast_in_dim3A_345] : memref<256x128xf32, #tpu.memory_space<vmem>>[vector<16xi32>, vector<16xi32>], vector<16xf32>,
      %gather3A_347 = tpu.vector_load_idx %arg13[%add3A_277, %broadcast_in_dim3A_345] : memref<256x128xf32, #tpu.memory_space<vmem>>[vector<16xi32>, vector<16xi32>], vector<16xf32>,
      %mul3A_348 = arith.mulf %gather3A_346, %gather3A_347 : vector<16xf32>
      %add3A_349 = arith.addf %add3A_343, %mul3A_348 : vector<16xf32>
      %broadcast_in_dim3A_350 = arith.constant 11 : i32
      %broadcast_in_dim3A_351 = vector.broadcast %broadcast_in_dim3A_350 : i32 to vector<16xi32>
      %gather3A_352 = tpu.vector_load_idx %arg12[%add3A_277, %broadcast_in_dim3A_351] : memref<256x128xf32, #tpu.memory_space<vmem>>[vector<16xi32>, vector<16xi32>], vector<16xf32>,
      %gather3A_353 = tpu.vector_load_idx %arg13[%add3A_277, %broadcast_in_dim3A_351] : memref<256x128xf32, #tpu.memory_space<vmem>>[vector<16xi32>, vector<16xi32>], vector<16xf32>,
      %mul3A_354 = arith.mulf %gather3A_352, %gather3A_353 : vector<16xf32>
      %add3A_355 = arith.addf %add3A_349, %mul3A_354 : vector<16xf32>
      %broadcast_in_dim3A_356 = arith.constant 12 : i32
      %broadcast_in_dim3A_357 = vector.broadcast %broadcast_in_dim3A_356 : i32 to vector<16xi32>
      %gather3A_358 = tpu.vector_load_idx %arg12[%add3A_277, %broadcast_in_dim3A_357] : memref<256x128xf32, #tpu.memory_space<vmem>>[vector<16xi32>, vector<16xi32>], vector<16xf32>,
      %gather3A_359 = tpu.vector_load_idx %arg13[%add3A_277, %broadcast_in_dim3A_357] : memref<256x128xf32, #tpu.memory_space<vmem>>[vector<16xi32>, vector<16xi32>], vector<16xf32>,
      %mul3A_360 = arith.mulf %gather3A_358, %gather3A_359 : vector<16xf32>
      %add3A_361 = arith.addf %add3A_355, %mul3A_360 : vector<16xf32>
      %broadcast_in_dim3A_362 = arith.constant 13 : i32
      %broadcast_in_dim3A_363 = vector.broadcast %broadcast_in_dim3A_362 : i32 to vector<16xi32>
      %gather3A_364 = tpu.vector_load_idx %arg12[%add3A_277, %broadcast_in_dim3A_363] : memref<256x128xf32, #tpu.memory_space<vmem>>[vector<16xi32>, vector<16xi32>], vector<16xf32>,
      %gather3A_365 = tpu.vector_load_idx %arg13[%add3A_277, %broadcast_in_dim3A_363] : memref<256x128xf32, #tpu.memory_space<vmem>>[vector<16xi32>, vector<16xi32>], vector<16xf32>,
      %mul3A_366 = arith.mulf %gather3A_364, %gather3A_365 : vector<16xf32>
      %add3A_367 = arith.addf %add3A_361, %mul3A_366 : vector<16xf32>
      %broadcast_in_dim3A_368 = arith.constant 14 : i32
      %broadcast_in_dim3A_369 = vector.broadcast %broadcast_in_dim3A_368 : i32 to vector<16xi32>
      %gather3A_370 = tpu.vector_load_idx %arg12[%add3A_277, %broadcast_in_dim3A_369] : memref<256x128xf32, #tpu.memory_space<vmem>>[vector<16xi32>, vector<16xi32>], vector<16xf32>,
      %gather3A_371 = tpu.vector_load_idx %arg13[%add3A_277, %broadcast_in_dim3A_369] : memref<256x128xf32, #tpu.memory_space<vmem>>[vector<16xi32>, vector<16xi32>], vector<16xf32>,
      %mul3A_372 = arith.mulf %gather3A_370, %gather3A_371 : vector<16xf32>
      %add3A_373 = arith.addf %add3A_367, %mul3A_372 : vector<16xf32>
      %broadcast_in_dim3A_374 = arith.constant 15 : i32
      %broadcast_in_dim3A_375 = vector.broadcast %broadcast_in_dim3A_374 : i32 to vector<16xi32>
      %gather3A_376 = tpu.vector_load_idx %arg12[%add3A_277, %broadcast_in_dim3A_375] : memref<256x128xf32, #tpu.memory_space<vmem>>[vector<16xi32>, vector<16xi32>], vector<16xf32>,
      %gather3A_377 = tpu.vector_load_idx %arg13[%add3A_277, %broadcast_in_dim3A_375] : memref<256x128xf32, #tpu.memory_space<vmem>>[vector<16xi32>, vector<16xi32>], vector<16xf32>,
      %mul3A_378 = arith.mulf %gather3A_376, %gather3A_377 : vector<16xf32>
      %add3A_379 = arith.addf %add3A_373, %mul3A_378 : vector<16xf32>
      %broadcast_in_dim3A_380 = arith.constant 16 : i32
      %broadcast_in_dim3A_381 = vector.broadcast %broadcast_in_dim3A_380 : i32 to vector<16xi32>
      %gather3A_382 = tpu.vector_load_idx %arg12[%add3A_277, %broadcast_in_dim3A_381] : memref<256x128xf32, #tpu.memory_space<vmem>>[vector<16xi32>, vector<16xi32>], vector<16xf32>,
      %gather3A_383 = tpu.vector_load_idx %arg13[%add3A_277, %broadcast_in_dim3A_381] : memref<256x128xf32, #tpu.memory_space<vmem>>[vector<16xi32>, vector<16xi32>], vector<16xf32>,
      %mul3A_384 = arith.mulf %gather3A_382, %gather3A_383 : vector<16xf32>
      %add3A_385 = arith.addf %add3A_379, %mul3A_384 : vector<16xf32>
      %broadcast_in_dim3A_386 = arith.constant 17 : i32
      %broadcast_in_dim3A_387 = vector.broadcast %broadcast_in_dim3A_386 : i32 to vector<16xi32>
      %gather3A_388 = tpu.vector_load_idx %arg12[%add3A_277, %broadcast_in_dim3A_387] : memref<256x128xf32, #tpu.memory_space<vmem>>[vector<16xi32>, vector<16xi32>], vector<16xf32>,
      %gather3A_389 = tpu.vector_load_idx %arg13[%add3A_277, %broadcast_in_dim3A_387] : memref<256x128xf32, #tpu.memory_space<vmem>>[vector<16xi32>, vector<16xi32>], vector<16xf32>,
      %mul3A_390 = arith.mulf %gather3A_388, %gather3A_389 : vector<16xf32>
      %add3A_391 = arith.addf %add3A_385, %mul3A_390 : vector<16xf32>
      %broadcast_in_dim3A_392 = arith.constant 18 : i32
      %broadcast_in_dim3A_393 = vector.broadcast %broadcast_in_dim3A_392 : i32 to vector<16xi32>
      %gather3A_394 = tpu.vector_load_idx %arg12[%add3A_277, %broadcast_in_dim3A_393] : memref<256x128xf32, #tpu.memory_space<vmem>>[vector<16xi32>, vector<16xi32>], vector<16xf32>,
      %gather3A_395 = tpu.vector_load_idx %arg13[%add3A_277, %broadcast_in_dim3A_393] : memref<256x128xf32, #tpu.memory_space<vmem>>[vector<16xi32>, vector<16xi32>], vector<16xf32>,
      %mul3A_396 = arith.mulf %gather3A_394, %gather3A_395 : vector<16xf32>
      %add3A_397 = arith.addf %add3A_391, %mul3A_396 : vector<16xf32>
      %broadcast_in_dim3A_398 = arith.constant 19 : i32
      %broadcast_in_dim3A_399 = vector.broadcast %broadcast_in_dim3A_398 : i32 to vector<16xi32>
      %gather3A_400 = tpu.vector_load_idx %arg12[%add3A_277, %broadcast_in_dim3A_399] : memref<256x128xf32, #tpu.memory_space<vmem>>[vector<16xi32>, vector<16xi32>], vector<16xf32>,
      %gather3A_401 = tpu.vector_load_idx %arg13[%add3A_277, %broadcast_in_dim3A_399] : memref<256x128xf32, #tpu.memory_space<vmem>>[vector<16xi32>, vector<16xi32>], vector<16xf32>,
      %mul3A_402 = arith.mulf %gather3A_400, %gather3A_401 : vector<16xf32>
      %add3A_403 = arith.addf %add3A_397, %mul3A_402 : vector<16xf32>
      %broadcast_in_dim3A_404 = arith.constant 20 : i32
      %broadcast_in_dim3A_405 = vector.broadcast %broadcast_in_dim3A_404 : i32 to vector<16xi32>
      %gather3A_406 = tpu.vector_load_idx %arg12[%add3A_277, %broadcast_in_dim3A_405] : memref<256x128xf32, #tpu.memory_space<vmem>>[vector<16xi32>, vector<16xi32>], vector<16xf32>,
      %gather3A_407 = tpu.vector_load_idx %arg13[%add3A_277, %broadcast_in_dim3A_405] : memref<256x128xf32, #tpu.memory_space<vmem>>[vector<16xi32>, vector<16xi32>], vector<16xf32>,
      %mul3A_408 = arith.mulf %gather3A_406, %gather3A_407 : vector<16xf32>
      %add3A_409 = arith.addf %add3A_403, %mul3A_408 : vector<16xf32>
      %broadcast_in_dim3A_410 = arith.constant 21 : i32
      %broadcast_in_dim3A_411 = vector.broadcast %broadcast_in_dim3A_410 : i32 to vector<16xi32>
      %gather3A_412 = tpu.vector_load_idx %arg12[%add3A_277, %broadcast_in_dim3A_411] : memref<256x128xf32, #tpu.memory_space<vmem>>[vector<16xi32>, vector<16xi32>], vector<16xf32>,
      %gather3A_413 = tpu.vector_load_idx %arg13[%add3A_277, %broadcast_in_dim3A_411] : memref<256x128xf32, #tpu.memory_space<vmem>>[vector<16xi32>, vector<16xi32>], vector<16xf32>,
      %mul3A_414 = arith.mulf %gather3A_412, %gather3A_413 : vector<16xf32>
      %add3A_415 = arith.addf %add3A_409, %mul3A_414 : vector<16xf32>
      %broadcast_in_dim3A_416 = arith.constant 22 : i32
      %broadcast_in_dim3A_417 = vector.broadcast %broadcast_in_dim3A_416 : i32 to vector<16xi32>
      %gather3A_418 = tpu.vector_load_idx %arg12[%add3A_277, %broadcast_in_dim3A_417] : memref<256x128xf32, #tpu.memory_space<vmem>>[vector<16xi32>, vector<16xi32>], vector<16xf32>,
      %gather3A_419 = tpu.vector_load_idx %arg13[%add3A_277, %broadcast_in_dim3A_417] : memref<256x128xf32, #tpu.memory_space<vmem>>[vector<16xi32>, vector<16xi32>], vector<16xf32>,
      %mul3A_420 = arith.mulf %gather3A_418, %gather3A_419 : vector<16xf32>
      %add3A_421 = arith.addf %add3A_415, %mul3A_420 : vector<16xf32>
      %broadcast_in_dim3A_422 = arith.constant 23 : i32
      %broadcast_in_dim3A_423 = vector.broadcast %broadcast_in_dim3A_422 : i32 to vector<16xi32>
      %gather3A_424 = tpu.vector_load_idx %arg12[%add3A_277, %broadcast_in_dim3A_423] : memref<256x128xf32, #tpu.memory_space<vmem>>[vector<16xi32>, vector<16xi32>], vector<16xf32>,
      %gather3A_425 = tpu.vector_load_idx %arg13[%add3A_277, %broadcast_in_dim3A_423] : memref<256x128xf32, #tpu.memory_space<vmem>>[vector<16xi32>, vector<16xi32>], vector<16xf32>,
      %mul3A_426 = arith.mulf %gather3A_424, %gather3A_425 : vector<16xf32>
      %add3A_427 = arith.addf %add3A_421, %mul3A_426 : vector<16xf32>
      %broadcast_in_dim3A_428 = arith.constant 24 : i32
      %broadcast_in_dim3A_429 = vector.broadcast %broadcast_in_dim3A_428 : i32 to vector<16xi32>
      %gather3A_430 = tpu.vector_load_idx %arg12[%add3A_277, %broadcast_in_dim3A_429] : memref<256x128xf32, #tpu.memory_space<vmem>>[vector<16xi32>, vector<16xi32>], vector<16xf32>,
      %gather3A_431 = tpu.vector_load_idx %arg13[%add3A_277, %broadcast_in_dim3A_429] : memref<256x128xf32, #tpu.memory_space<vmem>>[vector<16xi32>, vector<16xi32>], vector<16xf32>,
      %mul3A_432 = arith.mulf %gather3A_430, %gather3A_431 : vector<16xf32>
      %add3A_433 = arith.addf %add3A_427, %mul3A_432 : vector<16xf32>
      %broadcast_in_dim3A_434 = arith.constant 25 : i32
      %broadcast_in_dim3A_435 = vector.broadcast %broadcast_in_dim3A_434 : i32 to vector<16xi32>
      %gather3A_436 = tpu.vector_load_idx %arg12[%add3A_277, %broadcast_in_dim3A_435] : memref<256x128xf32, #tpu.memory_space<vmem>>[vector<16xi32>, vector<16xi32>], vector<16xf32>,
      %gather3A_437 = tpu.vector_load_idx %arg13[%add3A_277, %broadcast_in_dim3A_435] : memref<256x128xf32, #tpu.memory_space<vmem>>[vector<16xi32>, vector<16xi32>], vector<16xf32>,
      %mul3A_438 = arith.mulf %gather3A_436, %gather3A_437 : vector<16xf32>
      %add3A_439 = arith.addf %add3A_433, %mul3A_438 : vector<16xf32>
      %broadcast_in_dim3A_440 = arith.constant 26 : i32
      %broadcast_in_dim3A_441 = vector.broadcast %broadcast_in_dim3A_440 : i32 to vector<16xi32>
      %gather3A_442 = tpu.vector_load_idx %arg12[%add3A_277, %broadcast_in_dim3A_441] : memref<256x128xf32, #tpu.memory_space<vmem>>[vector<16xi32>, vector<16xi32>], vector<16xf32>,
      %gather3A_443 = tpu.vector_load_idx %arg13[%add3A_277, %broadcast_in_dim3A_441] : memref<256x128xf32, #tpu.memory_space<vmem>>[vector<16xi32>, vector<16xi32>], vector<16xf32>,
      %mul3A_444 = arith.mulf %gather3A_442, %gather3A_443 : vector<16xf32>
      %add3A_445 = arith.addf %add3A_439, %mul3A_444 : vector<16xf32>
      %broadcast_in_dim3A_446 = arith.constant 27 : i32
      %broadcast_in_dim3A_447 = vector.broadcast %broadcast_in_dim3A_446 : i32 to vector<16xi32>
      %gather3A_448 = tpu.vector_load_idx %arg12[%add3A_277, %broadcast_in_dim3A_447] : memref<256x128xf32, #tpu.memory_space<vmem>>[vector<16xi32>, vector<16xi32>], vector<16xf32>,
      %gather3A_449 = tpu.vector_load_idx %arg13[%add3A_277, %broadcast_in_dim3A_447] : memref<256x128xf32, #tpu.memory_space<vmem>>[vector<16xi32>, vector<16xi32>], vector<16xf32>,
      %mul3A_450 = arith.mulf %gather3A_448, %gather3A_449 : vector<16xf32>
      %add3A_451 = arith.addf %add3A_445, %mul3A_450 : vector<16xf32>
      %broadcast_in_dim3A_452 = arith.constant 28 : i32
      %broadcast_in_dim3A_453 = vector.broadcast %broadcast_in_dim3A_452 : i32 to vector<16xi32>
      %gather3A_454 = tpu.vector_load_idx %arg12[%add3A_277, %broadcast_in_dim3A_453] : memref<256x128xf32, #tpu.memory_space<vmem>>[vector<16xi32>, vector<16xi32>], vector<16xf32>,
      %gather3A_455 = tpu.vector_load_idx %arg13[%add3A_277, %broadcast_in_dim3A_453] : memref<256x128xf32, #tpu.memory_space<vmem>>[vector<16xi32>, vector<16xi32>], vector<16xf32>,
      %mul3A_456 = arith.mulf %gather3A_454, %gather3A_455 : vector<16xf32>
      %add3A_457 = arith.addf %add3A_451, %mul3A_456 : vector<16xf32>
      %broadcast_in_dim3A_458 = arith.constant 29 : i32
      %broadcast_in_dim3A_459 = vector.broadcast %broadcast_in_dim3A_458 : i32 to vector<16xi32>
      %gather3A_460 = tpu.vector_load_idx %arg12[%add3A_277, %broadcast_in_dim3A_459] : memref<256x128xf32, #tpu.memory_space<vmem>>[vector<16xi32>, vector<16xi32>], vector<16xf32>,
      %gather3A_461 = tpu.vector_load_idx %arg13[%add3A_277, %broadcast_in_dim3A_459] : memref<256x128xf32, #tpu.memory_space<vmem>>[vector<16xi32>, vector<16xi32>], vector<16xf32>,
      %mul3A_462 = arith.mulf %gather3A_460, %gather3A_461 : vector<16xf32>
      %add3A_463 = arith.addf %add3A_457, %mul3A_462 : vector<16xf32>
      %broadcast_in_dim3A_464 = arith.constant 30 : i32
      %broadcast_in_dim3A_465 = vector.broadcast %broadcast_in_dim3A_464 : i32 to vector<16xi32>
      %gather3A_466 = tpu.vector_load_idx %arg12[%add3A_277, %broadcast_in_dim3A_465] : memref<256x128xf32, #tpu.memory_space<vmem>>[vector<16xi32>, vector<16xi32>], vector<16xf32>,
      %gather3A_467 = tpu.vector_load_idx %arg13[%add3A_277, %broadcast_in_dim3A_465] : memref<256x128xf32, #tpu.memory_space<vmem>>[vector<16xi32>, vector<16xi32>], vector<16xf32>,
      %mul3A_468 = arith.mulf %gather3A_466, %gather3A_467 : vector<16xf32>
      %add3A_469 = arith.addf %add3A_463, %mul3A_468 : vector<16xf32>
      %broadcast_in_dim3A_470 = arith.constant 31 : i32
      %broadcast_in_dim3A_471 = vector.broadcast %broadcast_in_dim3A_470 : i32 to vector<16xi32>
      %gather3A_472 = tpu.vector_load_idx %arg12[%add3A_277, %broadcast_in_dim3A_471] : memref<256x128xf32, #tpu.memory_space<vmem>>[vector<16xi32>, vector<16xi32>], vector<16xf32>,
      %gather3A_473 = tpu.vector_load_idx %arg13[%add3A_277, %broadcast_in_dim3A_471] : memref<256x128xf32, #tpu.memory_space<vmem>>[vector<16xi32>, vector<16xi32>], vector<16xf32>,
      %mul3A_474 = arith.mulf %gather3A_472, %gather3A_473 : vector<16xf32>
      %add3A_475 = arith.addf %add3A_469, %mul3A_474 : vector<16xf32>
      %swap3A_476 = arith.index_cast %add3A_272 : i32 to index
      %swap3A_477 = tpu.vector_load %arg17[%swap3A_476] {strides = array<i32>} : memref<512xf32, #tpu.memory_space<vmem>>, vector<16xf32>,
      tpu.vector_store %arg17[%swap3A_476], %add3A_475 {strides = array<i32>} : memref<512xf32, #tpu.memory_space<vmem>>, vector<16xf32>,
    }
    %scan3A_60 = arith.constant 16 : i32
    "tpu.region"() ({
      %run_scoped3A = tpu.sem_alloc : memref<!tpu.dma_semaphore, #tpu.memory_space<semaphore_mem>>
      %dma_start3A_61 = tpu.memref_slice %arg9[%mul3A_2] : memref<16384xf32, #tpu.memory_space<hbm>> -> memref<512xf32, #tpu.memory_space<hbm>>
      %dma_start3A_62 = tpu.memref_slice %arg9[%mul3A_2] : memref<16384xf32, #tpu.memory_space<hbm>> -> memref<512xf32, #tpu.memory_space<hbm>>
      tpu.enqueue_dma source(%arg17 : memref<512xf32, #tpu.memory_space<vmem>>) target(%dma_start3A_62 : memref<512xf32, #tpu.memory_space<hbm>>) target_semaphore(%run_scoped3A : memref<!tpu.dma_semaphore, #tpu.memory_space<semaphore_mem>>)
      %dma_wait3A_63 = tpu.memref_slice %arg9[%mul3A_2] : memref<16384xf32, #tpu.memory_space<hbm>> -> memref<512xf32, #tpu.memory_space<hbm>>
      %dma_wait3A_64 = tpu.memref_slice %arg9[%mul3A_2] : memref<16384xf32, #tpu.memory_space<hbm>> -> memref<512xf32, #tpu.memory_space<hbm>>
      tpu.wait_dma2 semaphore(%run_scoped3A : memref<!tpu.dma_semaphore, #tpu.memory_space<semaphore_mem>>) src(%arg17 : memref<512xf32, #tpu.memory_space<vmem>>) dst(%dma_wait3A_64 : memref<512xf32, #tpu.memory_space<hbm>>)
      tpu.yield
    }) : () -> ()
    return
  }
}

module attributes {stable_mosaic.version = 14 : i64} {
  func.func @_tp_kernel(%arg0: i32, %arg1: memref<32x8192xf32, #tpu.memory_space<vmem>>, %arg2: memref<8192x128xf32, #tpu.memory_space<vmem>>) attributes {dimension_semantics = [#tpu.dimension_semantics<arbitrary>], iteration_bounds = array<i64: 123>, scalar_prefetch = 0 : i64, scratch_operands = 0 : i64, tpu.core_type = #tpu.core_type<tc>, window_params = [{transform_indices = @transform_0, window_bounds = array<i64: 32, 8192>}, {transform_indices = @transform_1, window_bounds = array<i64: 8192, 128>}]} {
    %get3A = arith.constant 0 : index
    %get3A_0 = arith.constant 0 : index
    %get3A_1 = vector.load %arg1[%get3A, %get3A_0] : memref<32x8192xf32, #tpu.memory_space<vmem>>, vector<32x8192xf32>
    %transpose3A = tpu.transpose %get3A_1, [1, 0] : vector<32x8192xf32> -> vector<8192x32xf32>
    %broadcast_in_dim3A = arith.constant 0.000000e+00 : f32
    %broadcast_in_dim3A_2 = vector.broadcast %broadcast_in_dim3A : f32 to vector<8192x96xf32>
    %concatenate3A = tpu.concatenate %transpose3A, %broadcast_in_dim3A_2 in 1 : vector<8192x32xf32>, vector<8192x96xf32> -> vector<8192x128xf32>
    %swap3A = arith.constant 0 : index
    %swap3A_3 = arith.constant 0 : index
    %swap3A_4 = vector.load %arg2[%swap3A, %swap3A_3] : memref<8192x128xf32, #tpu.memory_space<vmem>>, vector<8192x128xf32>
    tpu.vector_store %arg2[%swap3A, %swap3A_3], %concatenate3A {strides = array<i32>} : memref<8192x128xf32, #tpu.memory_space<vmem>>, vector<8192x128xf32>,
    return
  }
  func.func @transform_0(%arg0: i32) -> (i32, i32) {
    %c0_i32 = arith.constant 0 : i32
    %c0_i32_0 = arith.constant 0 : i32
    return %c0_i32, %arg0 : i32, i32
  }
  func.func @transform_1(%arg0: i32) -> (i32, i32) {
    %c0_i32 = arith.constant 0 : i32
    %c0_i32_0 = arith.constant 0 : i32
    return %arg0, %c0_i32 : i32, i32
  }
}

</mosaic_0001>

<sc_bundles>
// kernel: kernel.5.cloned.1.call-start
scs
__scs_entry_jumppad:
0x0: {  	(pc) =	sbr.rel $0x88, $3  }
0x1: {  	(tag) =	ssettag $0x0;
	lr =	simm.s32 $0x1  }
0x2: {  	[smem:$0x3F9A] =	sst lr;
	_ =	strace $0xD0000000  }
0x3: {  	_ = 	snop  }
0x4: {  	_ = 	snop  }
0x5: {  	_ = 	snop  }
0x6: {  	_ = 	snop  }
0x7: {  	_ = 	snop  }
__scs_overlays_trampoline_lowered:
0x8: {  	[smem:$0x3FA9] =	sst s0  }
0x9: {  	[smem:$0x3FAA] =	sst s1  }
0xa: {  	[smem:$0x3FAB] =	sst s2  }
0xb: {  	[smem:$0x3FAC] =	sst s3  }
0xc: {  	[smem:$0x3FAD] =	sst s4  }
0xd: {  	[smem:$0x3FAE] =	sst s5  }
0xe: {  	[smem:$0x3FAF] =	sst s6  }
0xf: {  	[smem:$0x3FB0] =	sst s7  }
0x10: {  	[smem:$0x3FB1] =	sst s8  }
0x11: {  	[smem:$0x3FB2] =	sst s9;
	s0 =	simm.s32 @!p0 $0x0  }
0x12: {  	s1 =	sld [smem:$0x3F98];
	s0 =	simm.s32 @p0 $0x1  }
0x13: {  	[smem:$0x3FB3] =	sst s0;
	s0 =	simm.s32 @!p1 $0x0  }
0x14: {  	s2 =	sld [smem:$0x3F97];
	s0 =	simm.s32 @p1 $0x1  }
0x15: {  	[smem:$0x3FB4] =	sst s0;
	s0 =	simm.s32 @!p2 $0x0  }
0x16: {  	s3 =	sld [smem:$0x3FDB];
	s0 =	simm.s32 @p2 $0x1  }
0x17: {  	s4 =	simm.s32 $0x1BF5;
	[smem:$0x3FB6] =	sst s0  }
0x18: {  	s0 =	sld [smem:$0x3F99];
	_ =	swait.ge [sflag:s4], $0x0  }
0x19: {  	s7 =	sld [smem:$0x3F9A]  }
0x1a: {  	s8 =	sadd.s32 $0xFFFFE003, lr  }
0x1b: {  	s9 =	sadd.s32 $0xFFFFFEF7, lr;
	s5 =	simm.s32 $0xFFFFFFFF;
	p2 =	slt.u32 s8, $0xFFFFF086  }
0x1c: {  	p1 =	slt.u32 s9, $0xF7A;
	s5 =	simm.s32 @!p2 $0x0  }
0x1d: {  	s5 =	simm.s32 @p1 $0x1;
	p0 =	seq.s32 s7, s2  }
0x1e: {  	s7 =	smul.u32 @!p0 $0xF7A, s2;
	p2 =	seq.s32 @!p0 s5, $0x0  }
0x1f: {  	s9 =	smul.u32 $0xF7A, s1;
	s8 =	simm.s32 @!p0 $0x1BF5;
	p2 =	por !p2, p0  }
0x20: {  	[sflag:s8] =	ssyncset.s32 @!p0 $0xFFFFF086;
	s6 =	sadd.s32 @!p0 s3, s7;
	s7 =	simm.s32 @!p0 $0x108  }
0x21: {  	s3 =	sadd.s32 s3, s9;
	s6 =	sadd.s32 @!p0 $0x88, s6;
	s7 =	simm.s32 @p2 $0x1082  }
0x22: {  	[simem:s7], [sflag:s8] =	dma.local @!p0 [hbm:s6], $0xF7A  }
0x23: {  	s9 =	sor.u32 $0xD0000000, s2;
	s6 =	simm.s32 $0x108;
	_ =	swait.ge @!p0 [sflag:s8], $0x0  }
0x24: {  	s3 =	sadd.s32 $0x88, s3;
	s6 =	simm.s32 @!p1 $0x1082;
	[sflag:s4] =	ssyncset.s32 $0xFFFFF086  }
0x25: {  	[simem:s6], [sflag:s4] =	dma.local [hbm:s3], $0xF7A  }
0x26: {  	[smem:$0x3F9A] =	sst s1;
	(tag) =	ssettag s2;
	_ =	strace s9  }
0x27: {  	s1 =	sld [smem:$0x3FAA]  }
0x28: {  	s2 =	sld [smem:$0x3FAB]  }
0x29: {  	s4 =	sld [smem:$0x3FAD]  }
0x2a: {  	p0 =	seq.s32 s5, $0x0;
	s5 =	sld [smem:$0x3FAE]  }
0x2b: {  	s6 =	sld [smem:$0x3FAF]  }
0x2c: {  	s7 =	sld [smem:$0x3FB0]  }
0x2d: {  	s3 =	simm.s32 $0x108;
	s8 =	sld [smem:$0x3FB1]  }
0x2e: {  	s3 =	simm.s32 @!p0 $0x1082;
	s9 =	sld [smem:$0x3FB2]  }
0x2f: {  	lr =	sadd.s32 s0, s3;
	s0 =	sld [smem:$0x3FA9]  }
0x30: {  	s3 =	sld [smem:$0x3FAC]  }
0x31: {  	[smem:$0x3FB5] =	sst s10  }
0x32: {  	s10 =	sld [smem:$0x3FB3];
	_ =	sdelay $0x3  }
0x33: {  	p0 =	seq.s32 s10, $0x1;
	s10 =	sld [smem:$0x3FB5];
	_ =	sdelay $0x3  }
0x34: {  	[smem:$0x3FB5] =	sst s10  }
0x35: {  	s10 =	sld [smem:$0x3FB4];
	_ =	sdelay $0x3  }
0x36: {  	p1 =	seq.s32 s10, $0x1;
	s10 =	sld [smem:$0x3FB5];
	_ =	sdelay $0x3  }
0x37: {  	[smem:$0x3FB5] =	sst s10  }
0x38: {  	s10 =	sld [smem:$0x3FB6]  }
0x39: {  	_ = 	snop;
	(pc) =	sbr.ind lr, $3  }
0x3a: {  	_ = 	snop  }
0x3b: {  	_ = 	snop  }
0x3c: {  	p2 =	seq.s32 s10, $0x1;
	s10 =	sld [smem:$0x3FB5]  }
0x3d: {  	_ =	shalt  }
0x3e: {  	_ =	shalt  }
0x3f: {  	_ =	shalt  }
0x40: {  	_ =	shalt  }
0x41: {  	_ =	shalt  }
0x42: {  	_ =	shalt  }
0x43: {  	_ =	shalt  }
0x44: {  	_ =	shalt  }
0x45: {  	_ =	shalt  }
0x46: {  	_ =	shalt  }
0x47: {  	_ =	shalt  }
0x48: {  	_ =	shalt  }
0x49: {  	_ =	shalt  }
0x4a: {  	_ =	shalt  }
0x4b: {  	_ =	shalt  }
0x4c: {  	_ =	shalt  }
0x4d: {  	_ =	shalt  }
0x4e: {  	_ =	shalt  }
0x4f: {  	_ =	shalt  }
0x50: {  	_ =	shalt  }
0x51: {  	_ =	shalt  }
0x52: {  	_ =	shalt  }
0x53: {  	_ =	shalt  }
0x54: {  	_ =	shalt  }
0x55: {  	_ =	shalt  }
0x56: {  	_ =	shalt  }
0x57: {  	_ =	shalt  }
0x58: {  	_ =	shalt  }
0x59: {  	_ =	shalt  }
0x5a: {  	_ =	shalt  }
0x5b: {  	_ =	shalt  }
0x5c: {  	_ =	shalt  }
0x5d: {  	_ =	shalt  }
0x5e: {  	_ =	shalt  }
0x5f: {  	_ =	shalt  }
0x60: {  	_ =	shalt  }
0x61: {  	_ =	shalt  }
0x62: {  	_ =	shalt  }
0x63: {  	_ =	shalt  }
0x64: {  	_ =	shalt  }
0x65: {  	_ =	shalt  }
0x66: {  	_ =	shalt  }
0x67: {  	_ =	shalt  }
0x68: {  	_ =	shalt  }
0x69: {  	_ =	shalt  }
0x6a: {  	_ =	shalt  }
0x6b: {  	_ =	shalt  }
0x6c: {  	_ =	shalt  }
0x6d: {  	_ =	shalt  }
0x6e: {  	_ =	shalt  }
0x6f: {  	_ =	shalt  }
0x70: {  	_ =	shalt  }
0x71: {  	_ =	shalt  }
0x72: {  	_ =	shalt  }
0x73: {  	_ =	shalt  }
0x74: {  	_ =	shalt  }
0x75: {  	_ =	shalt  }
0x76: {  	_ =	shalt  }
0x77: {  	_ =	shalt  }
0x78: {  	_ =	shalt  }
0x79: {  	_ =	shalt  }
0x7a: {  	_ =	shalt  }
0x7b: {  	_ =	shalt  }
0x7c: {  	_ =	shalt  }
0x7d: {  	_ =	shalt  }
0x7e: {  	_ =	shalt  }
0x7f: {  	_ =	shalt  }
0x80: {  	_ =	shalt  }
0x81: {  	_ =	shalt  }
0x82: {  	_ =	shalt  }
0x83: {  	_ =	shalt  }
0x84: {  	_ =	shalt  }
0x85: {  	_ =	shalt  }
0x86: {  	_ =	shalt  }
0x87: {  	_ =	shalt  }
.Lfunc_end0:
.L_simem_size_0:
called_computation_lowered:
.L_overlay_start_0:
0x88: {  	s2 =	sld [smem:$0x3FD9]  }
0x89: {  	s3 =	sld [smem:$0x3FFE];
	_ =	sdelay $0x1  }
0x8a: {  	s1 =	srdreg.scid  }
0x8b: {  	s0 =	sand.u32 $0x1, s1  }
0x8c: {  	s17 =	sshll.u32 s0, $0xA;
	s2 =	sadd.s32 s3, s2  }
0x8d: {  	s2 =	sadd.s32 s2, s17  }
0x8e: {  	[smem:$0x3FC1] =	sst s2  }
0x8f: {  	_ = 	snop  }
0x90: {  	s2 =	sld [smem:$0x3FC9]  }
0x91: {  	s18 =	sld [smem:$0x3FC8]  }
0x92: {  	s4 =	sld [smem:$0x3FD0];
	(tm) =	ssettm $0x1  }
0x93: {  	s5 =	sld [smem:$0x3FFB];
	_ =	sdelay $0x3  }
0x94: {  	_ =	strace s5  }
0x95: {  	s5 =	sld [smem:$0x3FFC];
	_ =	sdelay $0x3  }
0x96: {  	_ =	strace s5  }
0x97: {  	s5 =	sld [smem:$0x3FFD];
	_ =	sdelay $0x3  }
0x98: {  	_ =	strace s5  }
0x99: {  	_ =	strace $0x8FFFFFFF  }
0x9a: {  	s19 =	sld [smem:$0x3FDB];
	_ =	sdelay $0x1  }
0x9b: {  	s6 =	simm.s32 $_scs_section_size  }
0x9c: {  	s7 =	simm.s32 $_size__tile_overlayer_lowered;
	s8 =	simm.s32 $_tile_overlayer_lowered  }
0x9d: {  	s22 =	simm.s32 $0x1BFF;
	s21 =	sshll.u32 s8, $0x1;
	s5 =	sadd.s32 s6, s19  }
0x9e: {  	s9 =	simm.s32 $0x0;
	s20 =	sshll.u32 s7, $0x1;
	s7 =	sadd.s32 s21, s5  }
0x9f: {  	[timem:s9], [sflag:s22] =	dma.local [hbm:s7], s20  }
0xa0: {  	_ =	swait.ge [sflag:s22], s20  }
0xa1: {  	s6 =	ssub.s32 $0x0, s20;
	[sflag:s22] =	ssyncset.done $0x0  }
0xa2: {  	[sflag:s22] =	ssyncadd.s32 s6;
	_ =	sdelay $0x1  }
0xa3: {  	s23 =	simm.s32 $0x1B8B  }
0xa4: {  	_ =	swait.ge [sflag:s23], $0x1  }
0xa5: {  	[sflag:s23] =	ssyncset.done $0x0  }
0xa6: {  	s25 =	simm.s32 $0x1B8E;
	s24 =	sld [smem:$0x3FFE];
	[sflag:s23] =	ssyncadd.s32 $0xFFFFFFFF  }
0xa7: {  	s26 =	simm.s32 $execute0_lowered;
	[smem:$0x3FD2] =	sst s25  }
0xa8: {  	s7 =	sshll.u32 s26, $0x1;
	_ =	strace $0x80000046;
	[dreg:$0x1] =	wrdreg $0xFFFFFFFF  }
0xa9: {  	s28 =	simm.s32 $_size_execute0_lowered;
	s5 =	sadd.s32 s5, s7;
	[dreg:$0x0] =	wrdreg $0x0  }
0xaa: {  	s7 =	sshll.u32 s28, $0x1;
	[dreg:$0x2] =	wrdreg s5  }
0xab: {  	[dreg:$0x3] =	wrdreg s7  }
0xac: {  	[dreg:$0x4] =	wrdreg $0xC0  }
0xad: {  	_ =	task [dreg:s9], $0x5FFFF  }
0xae: {  	[dreg:$0x1] =	wrdreg $0xFFFFFFFF  }
0xaf: {  	[dreg:$0x0] =	wrdreg $0x60  }
0xb0: {  	[dreg:$0x2] =	wrdreg s2  }
0xb1: {  	[dreg:$0x3] =	wrdreg s18  }
0xb2: {  	[dreg:$0x4] =	wrdreg s24  }
0xb3: {  	[dreg:$0x5] =	wrdreg s4  }
0xb4: {  	[dreg:$0x6] =	wrdreg $0x9  }
0xb5: {  	_ =	task.clear_ibuf [dreg:s9], $0x7FFFF;
	_ =	strace $0x90000046  }
0xb6: {  	s29 =	simm.s32 $0x9;
	_ =	strace $0x80000048  }
0xb7: {  	_ =	swait.ge [sflag:s29], $0x1  }
0xb8: {  	[sflag:s29] =	ssyncadd.s32 $0xFFFFFFFF  }
0xb9: {  	_ =	strace $0x90000048  }
0xba: {  	_ =	sfence  }
0xbb: {  	s30 =	sld [smem:$0x0];
	_ =	sdelay $0x2  }
0xbc: {  	s31 =	sshll.u32 s1, $0xD;
	s1 =	sshrl.u32 s1, $0x2  }
0xbd: {  	s3 =	sand.u32 $0x4000, s31;
	s1 =	sadd.s32 s1, s30  }
0xbe: {  	s0 =	sor.u32 s3, s0;
	s1 =	sshll.u32 s1, $0x11  }
0xbf: {  	s0 =	sor.u32 s1, s0  }
0xc0: {  	s0 =	sadd.s32 $0x8F2B, s0  }
0xc1: {  	[sflag:s0] =	ssyncadd.remote.s32 $0x1  }
0xc2: {  	_ =	sfence.sel $0xFFFF  }
0xc3: {  	[dreg:$0x0] =	wrdreg $0xFFFFFFFF;
	(pc) =	sbr.abs _section_cstart, $3  }
0xc4: {  	[dreg:$0x1] =	wrdreg $0xFFFFFFFF  }
0xc5: {  	_ =	task.clear_ibuf [dreg:s9], $0x2FFFF;
	_ =	strace $0x9FFFFFFF  }
0xc6: {  	(tm) =	ssettm $0x7FFFFFFF  }
0xc7: {  	_ =	shalt  }
tec
execute0_lowered:
.L_overlay_start_1:
0x0: {  	(tag) =	ssettag $0x1  }
0x1: {  	s8 =	rddreg [dreg:$0x0]  }
0x2: {  	s9 =	rddreg [dreg:$0x1]  }
0x3: {  	s1 =	rddreg [dreg:$0x2]  }
0x4: {  	s10 =	rddreg [dreg:$0x3]  }
0x5: {  	s0 =	rddreg [dreg:$0x4];
	s2 =	simm.s32 $0x0;
	s6 =	srdreg.scid  }
0x6: {  	s3 =	stileid.u32;
	s14 =	simm.s32 $0x10800;
	s15 =	simm.s32 $0x10400  }
0x7: {  	s16 =	simm.s32 $0x10600;
	s17 =	simm.s32 $0x1;
	s18 =	simm.s32 $0x100  }
0x8: {  	s19 =	simm.s32 $0x400;
	s20 =	simm.s32 $0x8400;
	s21 =	simm.s32 $0x300  }
0x9: {  	s22 =	simm.s32 $0x10880;
	s23 =	simm.s32 $0x0;
	[smem:$0x7FF] =	sst s2  }
0xa: {  	s4 =	sadd.s32 $0x3D400, s1;
	s5 =	sadd.s32 $0xF7F800, s1;
	s6 =	sand.u32 $0x1, s6  }
0xb: {  	s7 =	sshll.u32 s3, $0x7;
	_ =	strace $0x80000047;
	s11 =	ssub.s32 $0x2, s6  }
0xc: {  	s12 =	sshll.u32 s6, $0x6;
	s6 =	sadd.s32 $0x1EA00, s1;
	s13 =	sshrl.u32 s11, $0x1  }
0xd: {  	s12 =	sor.u32 s12, s7;
	s7 =	sadd.s32 $0x1EC1C00, s1;
	s11 =	ssub.s32 s11, s13  }
0xe: {  	v0 =	vlaneseq.u32;
	s8 =	sadd.s32 s8, s12;
	s9 =	sadd.s32 s9, s12;
	s10 =	sadd.s32 s10, s12  }
0xf: {  	v0 =	vmul.u32 $0x80, v0;
	s12 =	simm.s32 $0x2;
	s13 =	simm.s32 $0x200;
	s11 =	smax.u32 s11, $0x1  }
.LBB2_1:
0x10: {  	[tilespmem:s2], [sflag:$0x2] =	stream.linear.gather [hbm4b:s8+s2], $0x200, $0x38;
	[tilespmem:$0x10A80] =	vst v63  }
0x11: {  	_ =	swait.ge [sflag:s12], $0x200  }
0x12: {  	[sflag:s12] =	ssyncset.done $0x0  }
0x13: {  	[sflag:s12] =	ssyncadd.s32 $0xFFFFFE00  }
0x14: {  	[tilespmem:s13], [sflag:$0x2] =	stream.linear.gather [hbm4b:s9+s2], $0x200, $0x38;
	[tilespmem:$0x10A80] =	vst v63  }
0x15: {  	_ =	swait.ge [sflag:s12], $0x200  }
0x16: {  	[sflag:s12] =	ssyncset.done $0x0  }
0x17: {  	[sflag:s12] =	ssyncadd.s32 $0xFFFFFE00  }
0x18: {  	[tilespmem:s14], [sflag:$0x2] =	stream.linear.gather [hbm4b:s7+s2], $0x80, $0x38;
	[tilespmem:$0x10A80] =	vst v63  }
0x19: {  	_ =	swait.ge [sflag:s12], $0x80  }
0x1a: {  	[sflag:s12] =	ssyncset.done $0x0  }
0x1b: {  	[sflag:s12] =	ssyncadd.s32 $0xFFFFFF80  }
0x1c: {  	[tilespmem:s15], [sflag:$0x1] =	stream.indirect.gather [hbm4b:s1+s13], $0x1, s2, s13, $0xb8;
	[tilespmem:$0x10A80] =	vst v63  }
0x1d: {  	_ = 	snop  }
0x1e: {  	[tilespmem:s16], [sflag:$0x1] =	stream.indirect.gather [hbm4b:s6+s13], $0x1, s13, s13, $0xb8;
	[tilespmem:$0x10A80] =	vst v63  }
0x1f: {  	_ =	swait.ge [sflag:s17], $0x200  }
0x20: {  	[sflag:s17] =	ssyncset.done $0x0  }
0x21: {  	[sflag:s17] =	ssyncadd.s32 $0xFFFFFE00  }
0x22: {  	_ =	swait.ge [sflag:s17], $0x200  }
0x23: {  	[sflag:s17] =	ssyncset.done $0x0  }
0x24: {  	[sflag:s17] =	ssyncadd.s32 $0xFFFFFE00  }
0x25: {  	v1 =	vld [tilespmem:$0x10800];
	[tilespmem:s19], [sflag:$0x1] =	stream.indirect.gather [hbm4b:s4+s18], $0x80, s2, s18, $0xb8  }
0x26: {  	_ = 	snop  }
0x27: {  	[tilespmem:s20], [sflag:$0x1] =	stream.indirect.gather [hbm4b:s5+s18], $0x80, s13, s18, $0xb8;
	[tilespmem:$0x10A80] =	vst v63  }
0x28: {  	s24 =	simm.s32 $0x0;
	_ =	swait.ge [sflag:s17], $0x8000  }
0x29: {  	v2 =	vmov s24;
	[sflag:s17] =	ssyncset.done $0x0  }
0x2a: {  	v2 =	vshll.u32 v2, $0x7;
	[sflag:s17] =	ssyncadd.s32 $0xFFFF8000  }
0x2b: {  	v2 =	vor.u32 v0, v2;
	_ =	swait.ge [sflag:s17], $0x8000  }
0x2c: {  	[sflag:s17] =	ssyncset.done $0x0  }
0x2d: {  	s25 =	simm.s32 $0x10410;
	v3 =	vor.u32 $0x1, v2;
	[sflag:s17] =	ssyncadd.s32 $0xFFFF8000  }
0x2e: {  	s24 =	simm.s32 $0x10610;
	v4 =	vld [tilespmem:s25+$0xFFFFFFF0]  }
0x2f: {  	v5 =	vor.u32 $0x2, v2;
	v6 =	vld [tilespmem:s24+$0xFFFFFFF0]  }
0x30: {  	v7 =	vld.idx.msk [tilespmem:v2+s19+$0x0], $0xffff  }
0x31: {  	v8 =	vor.u32 $0x3, v2;
	v9 =	vld.idx.msk [tilespmem:v2+s20+$0x0], $0xffff  }
0x32: {  	v10 =	vld.idx.msk [tilespmem:v3+s20+$0x0], $0xffff  }
0x33: {  	v11 =	vor.u32 $0x4, v2;
	v3 =	vld.idx.msk [tilespmem:v3+s19+$0x0], $0xffff  }
0x34: {  	v12 =	vld.idx.msk [tilespmem:v5+s20+$0x0], $0xffff;
	v4 =	vadd.f32 v6, v4  }
0x35: {  	v5 =	vld.idx.msk [tilespmem:v5+s19+$0x0], $0xffff;
	v6 =	vor.u32 $0x5, v2  }
0x36: {  	v13 =	vld.idx.msk [tilespmem:v8+s20+$0x0], $0xffff;
	v7 =	vmul.f32 v9, v7;
	v4 =	vadd.f32 v4, v1  }
0x37: {  	v27 =	vor.u32 $0x6, v2;
	v8 =	vld.idx.msk [tilespmem:v8+s19+$0x0], $0xffff  }
0x38: {  	v14 =	vld.idx.msk [tilespmem:v11+s20+$0x0], $0xffff;
	v3 =	vmul.f32 v10, v3;
	v4 =	vadd.f32 v7, v4  }
0x39: {  	v28 =	vld.idx.msk [tilespmem:v11+s19+$0x0], $0xffff;
	v7 =	vor.u32 $0x7, v2  }
0x3a: {  	v29 =	vld.idx.msk [tilespmem:v6+s20+$0x0], $0xffff;
	v3 =	vadd.f32 v3, v4;
	v4 =	vmul.f32 v12, v5  }
0x3b: {  	v6 =	vld.idx.msk [tilespmem:v6+s19+$0x0], $0xffff;
	v5 =	vor.u32 $0x8, v2  }
0x3c: {  	v30 =	vld.idx.msk [tilespmem:v27+s20+$0x0], $0xffff;
	v3 =	vadd.f32 v4, v3;
	v4 =	vmul.f32 v13, v8  }
0x3d: {  	v9 =	vld.idx.msk [tilespmem:v27+s19+$0x0], $0xffff;
	v8 =	vor.u32 $0x9, v2  }
0x3e: {  	v31 =	vld.idx.msk [tilespmem:v7+s20+$0x0], $0xffff;
	v3 =	vadd.f32 v4, v3;
	v4 =	vmul.f32 v14, v28  }
0x3f: {  	v32 =	vor.u32 $0xA, v2;
	v7 =	vld.idx.msk [tilespmem:v7+s19+$0x0], $0xffff  }
0x40: {  	v33 =	vld.idx.msk [tilespmem:v5+s20+$0x0], $0xffff;
	v3 =	vadd.f32 v4, v3;
	v4 =	vmul.f32 v29, v6  }
0x41: {  	v5 =	vld.idx.msk [tilespmem:v5+s19+$0x0], $0xffff;
	v6 =	vor.u32 $0xB, v2  }
0x42: {  	v34 =	vld.idx.msk [tilespmem:v8+s20+$0x0], $0xffff;
	v3 =	vadd.f32 v4, v3;
	v4 =	vmul.f32 v30, v9  }
0x43: {  	v35 =	vor.u32 $0xC, v2;
	v8 =	vld.idx.msk [tilespmem:v8+s19+$0x0], $0xffff  }
0x44: {  	v36 =	vld.idx.msk [tilespmem:v32+s20+$0x0], $0xffff;
	v3 =	vadd.f32 v4, v3;
	v4 =	vmul.f32 v31, v7  }
0x45: {  	v10 =	vld.idx.msk [tilespmem:v32+s19+$0x0], $0xffff;
	v7 =	vor.u32 $0xD, v2  }
0x46: {  	v37 =	vld.idx.msk [tilespmem:v6+s20+$0x0], $0xffff;
	v3 =	vadd.f32 v4, v3;
	v4 =	vmul.f32 v33, v5  }
0x47: {  	v6 =	vld.idx.msk [tilespmem:v6+s19+$0x0], $0xffff;
	v5 =	vor.u32 $0xE, v2  }
0x48: {  	v38 =	vld.idx.msk [tilespmem:v35+s20+$0x0], $0xffff;
	v3 =	vadd.f32 v4, v3;
	v4 =	vmul.f32 v34, v8  }
0x49: {  	v9 =	vld.idx.msk [tilespmem:v35+s19+$0x0], $0xffff;
	v8 =	vor.u32 $0xF, v2  }
0x4a: {  	v39 =	vld.idx.msk [tilespmem:v7+s20+$0x0], $0xffff;
	v3 =	vadd.f32 v4, v3;
	v4 =	vmul.f32 v36, v10  }
0x4b: {  	v40 =	vor.u32 $0x10, v2;
	v7 =	vld.idx.msk [tilespmem:v7+s19+$0x0], $0xffff  }
0x4c: {  	v41 =	vld.idx.msk [tilespmem:v5+s20+$0x0], $0xffff;
	v3 =	vadd.f32 v4, v3;
	v4 =	vmul.f32 v37, v6  }
0x4d: {  	v5 =	vld.idx.msk [tilespmem:v5+s19+$0x0], $0xffff;
	v6 =	vor.u32 $0x11, v2  }
0x4e: {  	v42 =	vld.idx.msk [tilespmem:v8+s20+$0x0], $0xffff;
	v3 =	vadd.f32 v4, v3;
	v4 =	vmul.f32 v38, v9  }
0x4f: {  	v43 =	vor.u32 $0x12, v2;
	v8 =	vld.idx.msk [tilespmem:v8+s19+$0x0], $0xffff  }
0x50: {  	v44 =	vld.idx.msk [tilespmem:v40+s20+$0x0], $0xffff;
	v3 =	vadd.f32 v4, v3;
	v4 =	vmul.f32 v39, v7  }
0x51: {  	v10 =	vld.idx.msk [tilespmem:v40+s19+$0x0], $0xffff;
	v7 =	vor.u32 $0x13, v2  }
0x52: {  	v45 =	vld.idx.msk [tilespmem:v6+s20+$0x0], $0xffff;
	v3 =	vadd.f32 v4, v3;
	v4 =	vmul.f32 v41, v5  }
0x53: {  	v6 =	vld.idx.msk [tilespmem:v6+s19+$0x0], $0xffff;
	v5 =	vor.u32 $0x14, v2  }
0x54: {  	v46 =	vld.idx.msk [tilespmem:v43+s20+$0x0], $0xffff;
	v3 =	vadd.f32 v4, v3;
	v4 =	vmul.f32 v42, v8  }
0x55: {  	v9 =	vld.idx.msk [tilespmem:v43+s19+$0x0], $0xffff;
	v8 =	vor.u32 $0x15, v2  }
0x56: {  	v47 =	vld.idx.msk [tilespmem:v7+s20+$0x0], $0xffff;
	v3 =	vadd.f32 v4, v3;
	v4 =	vmul.f32 v44, v10  }
0x57: {  	v48 =	vor.u32 $0x16, v2;
	v7 =	vld.idx.msk [tilespmem:v7+s19+$0x0], $0xffff  }
0x58: {  	v49 =	vld.idx.msk [tilespmem:v5+s20+$0x0], $0xffff;
	v3 =	vadd.f32 v4, v3;
	v4 =	vmul.f32 v45, v6  }
0x59: {  	v5 =	vld.idx.msk [tilespmem:v5+s19+$0x0], $0xffff;
	v6 =	vor.u32 $0x17, v2  }
0x5a: {  	v50 =	vld.idx.msk [tilespmem:v8+s20+$0x0], $0xffff;
	v3 =	vadd.f32 v4, v3;
	v4 =	vmul.f32 v46, v9  }
0x5b: {  	v51 =	vor.u32 $0x18, v2;
	v8 =	vld.idx.msk [tilespmem:v8+s19+$0x0], $0xffff  }
0x5c: {  	v52 =	vld.idx.msk [tilespmem:v48+s20+$0x0], $0xffff;
	v3 =	vadd.f32 v4, v3;
	v4 =	vmul.f32 v47, v7  }
0x5d: {  	v10 =	vld.idx.msk [tilespmem:v48+s19+$0x0], $0xffff;
	v7 =	vor.u32 $0x19, v2  }
0x5e: {  	v53 =	vld.idx.msk [tilespmem:v6+s20+$0x0], $0xffff;
	v3 =	vadd.f32 v4, v3;
	v4 =	vmul.f32 v49, v5  }
0x5f: {  	v6 =	vld.idx.msk [tilespmem:v6+s19+$0x0], $0xffff;
	v5 =	vor.u32 $0x1A, v2  }
0x60: {  	v54 =	vld.idx.msk [tilespmem:v51+s20+$0x0], $0xffff;
	v3 =	vadd.f32 v4, v3;
	v4 =	vmul.f32 v50, v8  }
0x61: {  	v9 =	vld.idx.msk [tilespmem:v51+s19+$0x0], $0xffff;
	v8 =	vor.u32 $0x1B, v2  }
0x62: {  	v55 =	vld.idx.msk [tilespmem:v7+s20+$0x0], $0xffff;
	v3 =	vadd.f32 v4, v3;
	v4 =	vmul.f32 v52, v10  }
0x63: {  	v56 =	vor.u32 $0x1C, v2;
	v7 =	vld.idx.msk [tilespmem:v7+s19+$0x0], $0xffff  }
0x64: {  	v57 =	vld.idx.msk [tilespmem:v5+s20+$0x0], $0xffff;
	v3 =	vadd.f32 v4, v3;
	v4 =	vmul.f32 v53, v6  }
0x65: {  	v5 =	vld.idx.msk [tilespmem:v5+s19+$0x0], $0xffff;
	v6 =	vor.u32 $0x1D, v2  }
0x66: {  	v58 =	vld.idx.msk [tilespmem:v8+s20+$0x0], $0xffff;
	v3 =	vadd.f32 v4, v3;
	v4 =	vmul.f32 v54, v9  }
0x67: {  	v59 =	vor.u32 $0x1E, v2;
	v8 =	vld.idx.msk [tilespmem:v8+s19+$0x0], $0xffff  }
0x68: {  	v60 =	vld.idx.msk [tilespmem:v56+s20+$0x0], $0xffff;
	v3 =	vadd.f32 v4, v3;
	v4 =	vmul.f32 v55, v7  }
0x69: {  	v2 =	vor.u32 $0x1F, v2;
	v7 =	vld.idx.msk [tilespmem:v56+s19+$0x0], $0xffff  }
0x6a: {  	v61 =	vld.idx.msk [tilespmem:v6+s20+$0x0], $0xffff;
	v3 =	vadd.f32 v4, v3;
	v4 =	vmul.f32 v57, v5  }
0x6b: {  	v5 =	vld.idx.msk [tilespmem:v6+s19+$0x0], $0xffff  }
0x6c: {  	v6 =	vld.idx.msk [tilespmem:v59+s20+$0x0], $0xffff;
	v3 =	vadd.f32 v4, v3;
	v4 =	vmul.f32 v58, v8  }
0x6d: {  	v8 =	vld.idx.msk [tilespmem:v59+s19+$0x0], $0xffff  }
0x6e: {  	v62 =	vld.idx.msk [tilespmem:v2+s20+$0x0], $0xffff;
	v3 =	vadd.f32 v4, v3;
	v4 =	vmul.f32 v60, v7  }
0x6f: {  	v2 =	vld.idx.msk [tilespmem:v2+s19+$0x0], $0xffff  }
0x70: {  	v3 =	vadd.f32 v4, v3;
	v4 =	vmul.f32 v61, v5;
	_ =	sdelay $0x1  }
0x71: {  	v3 =	vadd.f32 v4, v3;
	v4 =	vmul.f32 v6, v8  }
0x72: {  	s26 =	simm.s32 $0x10  }
0x73: {  	v2 =	vmul.f32 v62, v2;
	v3 =	vadd.f32 v4, v3;
	v4 =	vmov s26  }
0x74: {  	v4 =	vshll.u32 v4, $0x7  }
0x75: {  	v3 =	vadd.f32 v2, v3;
	v2 =	vor.u32 v0, v4  }
0x76: {  	s29 =	simm.s32 $0x10890  }
0x77: {  	[tilespmem:s29+$0xFFFFFFF0] =	vst v3;
	v3 =	vor.u32 $0x1, v2  }
0x78: {  	v4 =	vld [tilespmem:s25+$0x0]  }
0x79: {  	v6 =	vor.u32 $0x2, v2;
	v5 =	vld [tilespmem:s24+$0x0]  }
0x7a: {  	v7 =	vld.idx.msk [tilespmem:v2+s20+$0x0], $0xffff  }
0x7b: {  	v63 =	vor.u32 $0x3, v2;
	v8 =	vld.idx.msk [tilespmem:v2+s19+$0x0], $0xffff  }
0x7c: {  	v16 =	vld.idx.msk [tilespmem:v3+s20+$0x0], $0xffff  }
0x7d: {  	v17 =	vor.u32 $0x4, v2;
	v3 =	vld.idx.msk [tilespmem:v3+s19+$0x0], $0xffff  }
0x7e: {  	v4 =	vadd.f32 v5, v4;
	v5 =	vld.idx.msk [tilespmem:v6+s20+$0x0], $0xffff  }
0x7f: {  	v18 =	vor.u32 $0x5, v2;
	v6 =	vld.idx.msk [tilespmem:v6+s19+$0x0], $0xffff  }
0x80: {  	v19 =	vld.idx.msk [tilespmem:v63+s20+$0x0], $0xffff;
	v4 =	vadd.f32 v4, v1;
	v7 =	vmul.f32 v7, v8  }
0x81: {  	v20 =	vor.u32 $0x6, v2;
	v8 =	vld.idx.msk [tilespmem:v63+s19+$0x0], $0xffff  }
0x82: {  	v21 =	vld.idx.msk [tilespmem:v17+s20+$0x0], $0xffff;
	v4 =	vadd.f32 v7, v4;
	v3 =	vmul.f32 v16, v3  }
0x83: {  	v22 =	vor.u32 $0x7, v2;
	v7 =	vld.idx.msk [tilespmem:v17+s19+$0x0], $0xffff  }
0x84: {  	v23 =	vld.idx.msk [tilespmem:v18+s20+$0x0], $0xffff;
	v3 =	vadd.f32 v3, v4;
	v4 =	vmul.f32 v5, v6  }
0x85: {  	v5 =	vld.idx.msk [tilespmem:v18+s19+$0x0], $0xffff;
	v6 =	vor.u32 $0x8, v2  }
0x86: {  	v24 =	vld.idx.msk [tilespmem:v20+s20+$0x0], $0xffff;
	v3 =	vadd.f32 v4, v3;
	v4 =	vmul.f32 v19, v8  }
0x87: {  	v25 =	vor.u32 $0x9, v2;
	v8 =	vld.idx.msk [tilespmem:v20+s19+$0x0], $0xffff  }
0x88: {  	v26 =	vld.idx.msk [tilespmem:v22+s20+$0x0], $0xffff;
	v3 =	vadd.f32 v4, v3;
	v4 =	vmul.f32 v21, v7  }
0x89: {  	v27 =	vor.u32 $0xA, v2;
	v7 =	vld.idx.msk [tilespmem:v22+s19+$0x0], $0xffff  }
0x8a: {  	v28 =	vld.idx.msk [tilespmem:v6+s20+$0x0], $0xffff;
	v3 =	vadd.f32 v4, v3;
	v4 =	vmul.f32 v23, v5  }
0x8b: {  	v5 =	vld.idx.msk [tilespmem:v6+s19+$0x0], $0xffff;
	v6 =	vor.u32 $0xB, v2  }
0x8c: {  	v29 =	vld.idx.msk [tilespmem:v25+s20+$0x0], $0xffff;
	v3 =	vadd.f32 v4, v3;
	v4 =	vmul.f32 v24, v8  }
0x8d: {  	v30 =	vor.u32 $0xC, v2;
	v8 =	vld.idx.msk [tilespmem:v25+s19+$0x0], $0xffff  }
0x8e: {  	v31 =	vld.idx.msk [tilespmem:v27+s20+$0x0], $0xffff;
	v3 =	vadd.f32 v4, v3;
	v4 =	vmul.f32 v26, v7  }
0x8f: {  	v32 =	vor.u32 $0xD, v2;
	v7 =	vld.idx.msk [tilespmem:v27+s19+$0x0], $0xffff  }
0x90: {  	v33 =	vld.idx.msk [tilespmem:v6+s20+$0x0], $0xffff;
	v3 =	vadd.f32 v4, v3;
	v4 =	vmul.f32 v28, v5  }
0x91: {  	v5 =	vld.idx.msk [tilespmem:v6+s19+$0x0], $0xffff;
	v6 =	vor.u32 $0xE, v2  }
0x92: {  	v34 =	vld.idx.msk [tilespmem:v30+s20+$0x0], $0xffff;
	v3 =	vadd.f32 v4, v3;
	v4 =	vmul.f32 v29, v8  }
0x93: {  	v35 =	vor.u32 $0xF, v2;
	v8 =	vld.idx.msk [tilespmem:v30+s19+$0x0], $0xffff  }
0x94: {  	v36 =	vld.idx.msk [tilespmem:v32+s20+$0x0], $0xffff;
	v3 =	vadd.f32 v4, v3;
	v4 =	vmul.f32 v31, v7  }
0x95: {  	v37 =	vor.u32 $0x10, v2;
	v7 =	vld.idx.msk [tilespmem:v32+s19+$0x0], $0xffff  }
0x96: {  	v38 =	vld.idx.msk [tilespmem:v6+s20+$0x0], $0xffff;
	v3 =	vadd.f32 v4, v3;
	v4 =	vmul.f32 v33, v5  }
0x97: {  	v5 =	vld.idx.msk [tilespmem:v6+s19+$0x0], $0xffff;
	v6 =	vor.u32 $0x11, v2  }
0x98: {  	v39 =	vld.idx.msk [tilespmem:v35+s20+$0x0], $0xffff;
	v3 =	vadd.f32 v4, v3;
	v4 =	vmul.f32 v34, v8  }
0x99: {  	v40 =	vor.u32 $0x12, v2;
	v8 =	vld.idx.msk [tilespmem:v35+s19+$0x0], $0xffff  }
0x9a: {  	v41 =	vld.idx.msk [tilespmem:v37+s20+$0x0], $0xffff;
	v3 =	vadd.f32 v4, v3;
	v4 =	vmul.f32 v36, v7  }
0x9b: {  	v42 =	vor.u32 $0x13, v2;
	v7 =	vld.idx.msk [tilespmem:v37+s19+$0x0], $0xffff  }
0x9c: {  	v43 =	vld.idx.msk [tilespmem:v6+s20+$0x0], $0xffff;
	v3 =	vadd.f32 v4, v3;
	v4 =	vmul.f32 v38, v5  }
0x9d: {  	v5 =	vld.idx.msk [tilespmem:v6+s19+$0x0], $0xffff;
	v6 =	vor.u32 $0x14, v2  }
0x9e: {  	v44 =	vld.idx.msk [tilespmem:v40+s20+$0x0], $0xffff;
	v3 =	vadd.f32 v4, v3;
	v4 =	vmul.f32 v39, v8  }
0x9f: {  	v45 =	vor.u32 $0x15, v2;
	v8 =	vld.idx.msk [tilespmem:v40+s19+$0x0], $0xffff  }
0xa0: {  	v46 =	vld.idx.msk [tilespmem:v42+s20+$0x0], $0xffff;
	v3 =	vadd.f32 v4, v3;
	v4 =	vmul.f32 v41, v7  }
0xa1: {  	v47 =	vor.u32 $0x16, v2;
	v7 =	vld.idx.msk [tilespmem:v42+s19+$0x0], $0xffff  }
0xa2: {  	v48 =	vld.idx.msk [tilespmem:v6+s20+$0x0], $0xffff;
	v3 =	vadd.f32 v4, v3;
	v4 =	vmul.f32 v43, v5  }
0xa3: {  	v5 =	vld.idx.msk [tilespmem:v6+s19+$0x0], $0xffff;
	v6 =	vor.u32 $0x17, v2  }
0xa4: {  	v49 =	vld.idx.msk [tilespmem:v45+s20+$0x0], $0xffff;
	v3 =	vadd.f32 v4, v3;
	v4 =	vmul.f32 v44, v8  }
0xa5: {  	v50 =	vor.u32 $0x18, v2;
	v8 =	vld.idx.msk [tilespmem:v45+s19+$0x0], $0xffff  }
0xa6: {  	v51 =	vld.idx.msk [tilespmem:v47+s20+$0x0], $0xffff;
	v3 =	vadd.f32 v4, v3;
	v4 =	vmul.f32 v46, v7  }
0xa7: {  	v52 =	vor.u32 $0x19, v2;
	v7 =	vld.idx.msk [tilespmem:v47+s19+$0x0], $0xffff  }
0xa8: {  	v53 =	vld.idx.msk [tilespmem:v6+s20+$0x0], $0xffff;
	v3 =	vadd.f32 v4, v3;
	v4 =	vmul.f32 v48, v5  }
0xa9: {  	v5 =	vld.idx.msk [tilespmem:v6+s19+$0x0], $0xffff;
	v6 =	vor.u32 $0x1A, v2  }
0xaa: {  	v54 =	vld.idx.msk [tilespmem:v50+s20+$0x0], $0xffff;
	v3 =	vadd.f32 v4, v3;
	v4 =	vmul.f32 v49, v8  }
0xab: {  	v55 =	vor.u32 $0x1B, v2;
	v8 =	vld.idx.msk [tilespmem:v50+s19+$0x0], $0xffff  }
0xac: {  	v56 =	vld.idx.msk [tilespmem:v52+s20+$0x0], $0xffff;
	v3 =	vadd.f32 v4, v3;
	v4 =	vmul.f32 v51, v7  }
0xad: {  	v57 =	vor.u32 $0x1C, v2;
	v7 =	vld.idx.msk [tilespmem:v52+s19+$0x0], $0xffff  }
0xae: {  	v58 =	vld.idx.msk [tilespmem:v6+s20+$0x0], $0xffff;
	v3 =	vadd.f32 v4, v3;
	v4 =	vmul.f32 v53, v5  }
0xaf: {  	v5 =	vld.idx.msk [tilespmem:v6+s19+$0x0], $0xffff;
	v6 =	vor.u32 $0x1D, v2  }
0xb0: {  	v59 =	vld.idx.msk [tilespmem:v55+s20+$0x0], $0xffff;
	v3 =	vadd.f32 v4, v3;
	v4 =	vmul.f32 v54, v8  }
0xb1: {  	v8 =	vld.idx.msk [tilespmem:v55+s19+$0x0], $0xffff  }
0xb2: {  	v61 =	vld.idx.msk [tilespmem:v57+s20+$0x0], $0xffff;
	v3 =	vadd.f32 v4, v3;
	v4 =	vmul.f32 v56, v7  }
0xb3: {  	v60 =	vor.u32 $0x1E, v2;
	v7 =	vld.idx.msk [tilespmem:v57+s19+$0x0], $0xffff  }
0xb4: {  	v62 =	vld.idx.msk [tilespmem:v6+s20+$0x0], $0xffff;
	v3 =	vadd.f32 v4, v3;
	v4 =	vmul.f32 v58, v5  }
0xb5: {  	v5 =	vld.idx.msk [tilespmem:v6+s19+$0x0], $0xffff;
	v6 =	vor.u32 $0x1F, v2  }
0xb6: {  	v2 =	vadd.f32 v4, v3;
	v3 =	vmul.f32 v59, v8;
	_ =	sdelay $0x1  }
0xb7: {  	v63 =	vld.idx.msk [tilespmem:v60+s20+$0x0], $0xffff;
	v2 =	vadd.f32 v3, v2;
	v3 =	vmul.f32 v61, v7  }
0xb8: {  	v8 =	vld.idx.msk [tilespmem:v60+s19+$0x0], $0xffff  }
0xb9: {  	v4 =	vadd.f32 v3, v2;
	v2 =	vld.idx.msk [tilespmem:v6+s20+$0x0], $0xffff  }
0xba: {  	v3 =	vld.idx.msk [tilespmem:v6+s19+$0x0], $0xffff  }
0xbb: {  	v7 =	vmul.f32 v62, v5  }
0xbc: {  	s31 =	simm.s32 $0x20  }
0xbd: {  	s30 =	simm.s32 $0x2;
	s28 =	simm.s32 $0x30;
	s26 =	simm.s32 $0x108B0;
	v5 =	vmov s31;
	v6 =	vmul.f32 v63, v8;
	v4 =	vadd.f32 v7, v4  }
.LBB2_2:
0xbe: {  	s30 =	sadd.s32 $0x2, s30;
	v5 =	vshll.u32 v5, $0x7;
	s25 =	sadd.s32 $0x20, s25;
	s24 =	sadd.s32 $0x20, s24  }
0xbf: {  	v2 =	vmul.f32 v2, v3;
	p0 =	slt.u32 s30, $0xE;
	v14 =	vor.u32 v0, v5;
	v4 =	vadd.f32 v6, v4  }
0xc0: {  	v3 =	vor.u32 $0x1, v14;
	v15 =	vor.u32 $0x2, v14;
	v16 =	vor.u32 $0x3, v14  }
0xc1: {  	v17 =	vor.u32 $0x4, v14;
	v18 =	vor.u32 $0x5, v14;
	v2 =	vadd.f32 v2, v4  }
0xc2: {  	v19 =	vor.u32 $0x6, v14;
	v20 =	vor.u32 $0x7, v14;
	v21 =	vor.u32 $0x8, v14  }
0xc3: {  	v22 =	vor.u32 $0x9, v14;
	v23 =	vor.u32 $0xA, v14;
	v24 =	vor.u32 $0xB, v14;
	[tilespmem:s29+$0x0] =	vst v2;
	s29 =	smov.u32 s26  }
0xc4: {  	v26 =	vor.u32 $0xC, v14;
	v27 =	vor.u32 $0xD, v14;
	v28 =	vor.u32 $0xE, v14;
	v25 =	vld.idx.msk [tilespmem:v14+s19+$0x0], $0xffff  }
0xc5: {  	v30 =	vor.u32 $0xF, v14;
	v31 =	vor.u32 $0x10, v14;
	v32 =	vor.u32 $0x11, v14;
	v29 =	vld [tilespmem:s25+$0xFFFFFFF0]  }
0xc6: {  	v34 =	vor.u32 $0x12, v14;
	v35 =	vor.u32 $0x13, v14;
	v13 =	vor.u32 $0x14, v14;
	v33 =	vld [tilespmem:s24+$0xFFFFFFF0]  }
0xc7: {  	v12 =	vor.u32 $0x15, v14;
	v11 =	vor.u32 $0x16, v14;
	v10 =	vor.u32 $0x17, v14;
	v36 =	vld.idx.msk [tilespmem:v14+s20+$0x0], $0xffff  }
0xc8: {  	v9 =	vor.u32 $0x18, v14;
	v8 =	vor.u32 $0x19, v14;
	v7 =	vor.u32 $0x1A, v14;
	v37 =	vld.idx.msk [tilespmem:v3+s20+$0x0], $0xffff  }
0xc9: {  	v6 =	vor.u32 $0x1B, v14;
	v5 =	vor.u32 $0x1C, v14;
	v4 =	vor.u32 $0x1D, v14;
	v38 =	vld.idx.msk [tilespmem:v3+s19+$0x0], $0xffff  }
0xca: {  	v2 =	vor.u32 $0x1F, v14;
	v3 =	vor.u32 $0x1E, v14;
	v39 =	vld.idx.msk [tilespmem:v15+s20+$0x0], $0xffff  }
0xcb: {  	v14 =	vadd.f32 v33, v29;
	v15 =	vld.idx.msk [tilespmem:v15+s19+$0x0], $0xffff  }
0xcc: {  	v29 =	vld.idx.msk [tilespmem:v16+s20+$0x0], $0xffff  }
0xcd: {  	v25 =	vmul.f32 v36, v25;
	v14 =	vadd.f32 v14, v1;
	v16 =	vld.idx.msk [tilespmem:v16+s19+$0x0], $0xffff  }
0xce: {  	v33 =	vld.idx.msk [tilespmem:v17+s20+$0x0], $0xffff  }
0xcf: {  	v14 =	vadd.f32 v25, v14;
	v25 =	vmul.f32 v37, v38;
	v17 =	vld.idx.msk [tilespmem:v17+s19+$0x0], $0xffff  }
0xd0: {  	v36 =	vld.idx.msk [tilespmem:v18+s20+$0x0], $0xffff  }
0xd1: {  	v15 =	vmul.f32 v39, v15;
	v14 =	vadd.f32 v25, v14;
	v18 =	vld.idx.msk [tilespmem:v18+s19+$0x0], $0xffff  }
0xd2: {  	v25 =	vld.idx.msk [tilespmem:v19+s20+$0x0], $0xffff  }
0xd3: {  	v14 =	vadd.f32 v15, v14;
	v15 =	vmul.f32 v29, v16;
	v16 =	vld.idx.msk [tilespmem:v19+s19+$0x0], $0xffff  }
0xd4: {  	v19 =	vld.idx.msk [tilespmem:v20+s20+$0x0], $0xffff  }
0xd5: {  	v14 =	vadd.f32 v15, v14;
	v15 =	vmul.f32 v33, v17;
	v17 =	vld.idx.msk [tilespmem:v20+s19+$0x0], $0xffff  }
0xd6: {  	v20 =	vld.idx.msk [tilespmem:v21+s20+$0x0], $0xffff  }
0xd7: {  	v14 =	vadd.f32 v15, v14;
	v15 =	vmul.f32 v36, v18;
	v18 =	vld.idx.msk [tilespmem:v21+s19+$0x0], $0xffff  }
0xd8: {  	v21 =	vld.idx.msk [tilespmem:v22+s20+$0x0], $0xffff  }
0xd9: {  	v14 =	vadd.f32 v15, v14;
	v15 =	vmul.f32 v25, v16;
	v16 =	vld.idx.msk [tilespmem:v22+s19+$0x0], $0xffff  }
0xda: {  	v22 =	vld.idx.msk [tilespmem:v23+s20+$0x0], $0xffff  }
0xdb: {  	v14 =	vadd.f32 v15, v14;
	v15 =	vmul.f32 v19, v17;
	v17 =	vld.idx.msk [tilespmem:v23+s19+$0x0], $0xffff  }
0xdc: {  	v19 =	vld.idx.msk [tilespmem:v24+s20+$0x0], $0xffff  }
0xdd: {  	v14 =	vadd.f32 v15, v14;
	v15 =	vmul.f32 v20, v18;
	v18 =	vld.idx.msk [tilespmem:v24+s19+$0x0], $0xffff  }
0xde: {  	v20 =	vld.idx.msk [tilespmem:v26+s20+$0x0], $0xffff  }
0xdf: {  	v14 =	vadd.f32 v15, v14;
	v15 =	vmul.f32 v21, v16;
	v16 =	vld.idx.msk [tilespmem:v26+s19+$0x0], $0xffff  }
0xe0: {  	v21 =	vld.idx.msk [tilespmem:v27+s20+$0x0], $0xffff  }
0xe1: {  	v14 =	vadd.f32 v15, v14;
	v15 =	vmul.f32 v22, v17;
	v17 =	vld.idx.msk [tilespmem:v27+s19+$0x0], $0xffff  }
0xe2: {  	v22 =	vld.idx.msk [tilespmem:v28+s20+$0x0], $0xffff  }
0xe3: {  	v14 =	vadd.f32 v15, v14;
	v15 =	vmul.f32 v19, v18;
	v18 =	vld.idx.msk [tilespmem:v28+s19+$0x0], $0xffff  }
0xe4: {  	v19 =	vld.idx.msk [tilespmem:v30+s20+$0x0], $0xffff  }
0xe5: {  	v14 =	vadd.f32 v15, v14;
	v15 =	vmul.f32 v20, v16;
	v16 =	vld.idx.msk [tilespmem:v30+s19+$0x0], $0xffff  }
0xe6: {  	v20 =	vld.idx.msk [tilespmem:v31+s20+$0x0], $0xffff  }
0xe7: {  	v14 =	vadd.f32 v15, v14;
	v15 =	vmul.f32 v21, v17;
	v17 =	vld.idx.msk [tilespmem:v31+s19+$0x0], $0xffff  }
0xe8: {  	v21 =	vld.idx.msk [tilespmem:v32+s20+$0x0], $0xffff  }
0xe9: {  	v14 =	vadd.f32 v15, v14;
	v15 =	vmul.f32 v22, v18;
	v18 =	vld.idx.msk [tilespmem:v32+s19+$0x0], $0xffff  }
0xea: {  	v22 =	vld.idx.msk [tilespmem:v34+s20+$0x0], $0xffff  }
0xeb: {  	v14 =	vadd.f32 v15, v14;
	v15 =	vmul.f32 v19, v16;
	v16 =	vld.idx.msk [tilespmem:v34+s19+$0x0], $0xffff  }
0xec: {  	v19 =	vld.idx.msk [tilespmem:v35+s20+$0x0], $0xffff  }
0xed: {  	v14 =	vadd.f32 v15, v14;
	v15 =	vmul.f32 v20, v17;
	v17 =	vld.idx.msk [tilespmem:v35+s19+$0x0], $0xffff  }
0xee: {  	v20 =	vld.idx.msk [tilespmem:v13+s20+$0x0], $0xffff  }
0xef: {  	v14 =	vadd.f32 v15, v14;
	v15 =	vmul.f32 v21, v18;
	v13 =	vld.idx.msk [tilespmem:v13+s19+$0x0], $0xffff  }
0xf0: {  	v18 =	vld.idx.msk [tilespmem:v12+s20+$0x0], $0xffff  }
0xf1: {  	v14 =	vadd.f32 v15, v14;
	v15 =	vmul.f32 v22, v16;
	v12 =	vld.idx.msk [tilespmem:v12+s19+$0x0], $0xffff  }
0xf2: {  	v16 =	vld.idx.msk [tilespmem:v11+s20+$0x0], $0xffff  }
0xf3: {  	v14 =	vadd.f32 v15, v14;
	v15 =	vmul.f32 v19, v17;
	v11 =	vld.idx.msk [tilespmem:v11+s19+$0x0], $0xffff  }
0xf4: {  	v17 =	vld.idx.msk [tilespmem:v10+s20+$0x0], $0xffff  }
0xf5: {  	v13 =	vmul.f32 v20, v13;
	v14 =	vadd.f32 v15, v14;
	v10 =	vld.idx.msk [tilespmem:v10+s19+$0x0], $0xffff  }
0xf6: {  	v15 =	vld.idx.msk [tilespmem:v9+s20+$0x0], $0xffff  }
0xf7: {  	v12 =	vmul.f32 v18, v12;
	v13 =	vadd.f32 v13, v14;
	v9 =	vld.idx.msk [tilespmem:v9+s19+$0x0], $0xffff  }
0xf8: {  	v14 =	vld.idx.msk [tilespmem:v8+s20+$0x0], $0xffff  }
0xf9: {  	v11 =	vmul.f32 v16, v11;
	v12 =	vadd.f32 v12, v13;
	v8 =	vld.idx.msk [tilespmem:v8+s19+$0x0], $0xffff  }
0xfa: {  	v13 =	vld.idx.msk [tilespmem:v7+s20+$0x0], $0xffff  }
0xfb: {  	v10 =	vmul.f32 v17, v10;
	v11 =	vadd.f32 v11, v12;
	v7 =	vld.idx.msk [tilespmem:v7+s19+$0x0], $0xffff  }
0xfc: {  	v12 =	vld.idx.msk [tilespmem:v6+s20+$0x0], $0xffff  }
0xfd: {  	v9 =	vmul.f32 v15, v9;
	v10 =	vadd.f32 v10, v11;
	v6 =	vld.idx.msk [tilespmem:v6+s19+$0x0], $0xffff  }
0xfe: {  	v11 =	vld.idx.msk [tilespmem:v5+s20+$0x0], $0xffff  }
0xff: {  	v8 =	vmul.f32 v14, v8;
	v9 =	vadd.f32 v9, v10;
	v5 =	vld.idx.msk [tilespmem:v5+s19+$0x0], $0xffff  }
0x100: {  	v10 =	vld.idx.msk [tilespmem:v4+s20+$0x0], $0xffff  }
0x101: {  	v7 =	vmul.f32 v13, v7;
	v8 =	vadd.f32 v8, v9;
	v4 =	vld.idx.msk [tilespmem:v4+s19+$0x0], $0xffff  }
0x102: {  	v9 =	vld.idx.msk [tilespmem:v3+s20+$0x0], $0xffff  }
0x103: {  	v6 =	vmul.f32 v12, v6;
	v7 =	vadd.f32 v7, v8;
	v3 =	vld.idx.msk [tilespmem:v3+s19+$0x0], $0xffff  }
0x104: {  	v8 =	vld.idx.msk [tilespmem:v2+s20+$0x0], $0xffff  }
0x105: {  	v5 =	vmul.f32 v11, v5;
	v6 =	vadd.f32 v6, v7;
	v2 =	vld.idx.msk [tilespmem:v2+s19+$0x0], $0xffff;
	_ =	sdelay $0x1  }
0x106: {  	v4 =	vmul.f32 v10, v4;
	v5 =	vadd.f32 v5, v6;
	_ =	sdelay $0x1  }
0x107: {  	v3 =	vmul.f32 v9, v3;
	v4 =	vadd.f32 v4, v5;
	_ =	sdelay $0x1  }
0x108: {  	v2 =	vmul.f32 v8, v2;
	v3 =	vadd.f32 v3, v4;
	v4 =	vmov s28  }
0x109: {  	v4 =	vshll.u32 v4, $0x7  }
0x10a: {  	v3 =	vadd.f32 v2, v3;
	v2 =	vor.u32 v0, v4;
	_ =	sdelay $0x1  }
0x10b: {  	[tilespmem:s26+$0xFFFFFFF0] =	vst v3;
	v3 =	vor.u32 $0x1, v2  }
0x10c: {  	v4 =	vld [tilespmem:s25+$0x0]  }
0x10d: {  	v6 =	vor.u32 $0x2, v2;
	v5 =	vld [tilespmem:s24+$0x0]  }
0x10e: {  	v7 =	vld.idx.msk [tilespmem:v2+s20+$0x0], $0xffff  }
0x10f: {  	v9 =	vor.u32 $0x3, v2;
	v8 =	vld.idx.msk [tilespmem:v2+s19+$0x0], $0xffff  }
0x110: {  	v10 =	vld.idx.msk [tilespmem:v3+s20+$0x0], $0xffff  }
0x111: {  	v11 =	vor.u32 $0x4, v2;
	v3 =	vld.idx.msk [tilespmem:v3+s19+$0x0], $0xffff  }
0x112: {  	v4 =	vadd.f32 v5, v4;
	v5 =	vld.idx.msk [tilespmem:v6+s20+$0x0], $0xffff  }
0x113: {  	v12 =	vor.u32 $0x5, v2;
	v6 =	vld.idx.msk [tilespmem:v6+s19+$0x0], $0xffff  }
0x114: {  	v13 =	vld.idx.msk [tilespmem:v9+s20+$0x0], $0xffff  }
0x115: {  	v4 =	vadd.f32 v4, v1;
	v7 =	vmul.f32 v7, v8;
	v8 =	vld.idx.msk [tilespmem:v9+s19+$0x0], $0xffff;
	v9 =	vor.u32 $0x6, v2  }
0x116: {  	v14 =	vld.idx.msk [tilespmem:v11+s20+$0x0], $0xffff  }
0x117: {  	v4 =	vadd.f32 v7, v4;
	v3 =	vmul.f32 v10, v3;
	v10 =	vor.u32 $0x7, v2;
	v7 =	vld.idx.msk [tilespmem:v11+s19+$0x0], $0xffff  }
0x118: {  	v11 =	vld.idx.msk [tilespmem:v12+s20+$0x0], $0xffff  }
0x119: {  	v3 =	vadd.f32 v3, v4;
	v4 =	vmul.f32 v5, v6;
	v6 =	vor.u32 $0x8, v2;
	v5 =	vld.idx.msk [tilespmem:v12+s19+$0x0], $0xffff  }
0x11a: {  	v12 =	vld.idx.msk [tilespmem:v9+s20+$0x0], $0xffff  }
0x11b: {  	v3 =	vadd.f32 v4, v3;
	v4 =	vmul.f32 v13, v8;
	v8 =	vld.idx.msk [tilespmem:v9+s19+$0x0], $0xffff;
	v9 =	vor.u32 $0x9, v2  }
0x11c: {  	v13 =	vld.idx.msk [tilespmem:v10+s20+$0x0], $0xffff  }
0x11d: {  	v3 =	vadd.f32 v4, v3;
	v4 =	vmul.f32 v14, v7;
	v7 =	vld.idx.msk [tilespmem:v10+s19+$0x0], $0xffff;
	v10 =	vor.u32 $0xA, v2  }
0x11e: {  	v14 =	vld.idx.msk [tilespmem:v6+s20+$0x0], $0xffff  }
0x11f: {  	v3 =	vadd.f32 v4, v3;
	v4 =	vmul.f32 v11, v5;
	v5 =	vld.idx.msk [tilespmem:v6+s19+$0x0], $0xffff;
	v6 =	vor.u32 $0xB, v2  }
0x120: {  	v11 =	vld.idx.msk [tilespmem:v9+s20+$0x0], $0xffff  }
0x121: {  	v3 =	vadd.f32 v4, v3;
	v4 =	vmul.f32 v12, v8;
	v8 =	vld.idx.msk [tilespmem:v9+s19+$0x0], $0xffff;
	v9 =	vor.u32 $0xC, v2  }
0x122: {  	v12 =	vld.idx.msk [tilespmem:v10+s20+$0x0], $0xffff  }
0x123: {  	v3 =	vadd.f32 v4, v3;
	v4 =	vmul.f32 v13, v7;
	v7 =	vld.idx.msk [tilespmem:v10+s19+$0x0], $0xffff;
	v10 =	vor.u32 $0xD, v2  }
0x124: {  	v13 =	vld.idx.msk [tilespmem:v6+s20+$0x0], $0xffff  }
0x125: {  	v3 =	vadd.f32 v4, v3;
	v4 =	vmul.f32 v14, v5;
	v5 =	vld.idx.msk [tilespmem:v6+s19+$0x0], $0xffff;
	v6 =	vor.u32 $0xE, v2  }
0x126: {  	v14 =	vld.idx.msk [tilespmem:v9+s20+$0x0], $0xffff  }
0x127: {  	v3 =	vadd.f32 v4, v3;
	v4 =	vmul.f32 v11, v8;
	v8 =	vld.idx.msk [tilespmem:v9+s19+$0x0], $0xffff;
	v9 =	vor.u32 $0xF, v2  }
0x128: {  	v11 =	vld.idx.msk [tilespmem:v10+s20+$0x0], $0xffff  }
0x129: {  	v3 =	vadd.f32 v4, v3;
	v4 =	vmul.f32 v12, v7;
	v7 =	vld.idx.msk [tilespmem:v10+s19+$0x0], $0xffff;
	v10 =	vor.u32 $0x10, v2  }
0x12a: {  	v12 =	vld.idx.msk [tilespmem:v6+s20+$0x0], $0xffff  }
0x12b: {  	v3 =	vadd.f32 v4, v3;
	v4 =	vmul.f32 v13, v5;
	v5 =	vld.idx.msk [tilespmem:v6+s19+$0x0], $0xffff;
	v6 =	vor.u32 $0x11, v2  }
0x12c: {  	v13 =	vld.idx.msk [tilespmem:v9+s20+$0x0], $0xffff  }
0x12d: {  	v3 =	vadd.f32 v4, v3;
	v4 =	vmul.f32 v14, v8;
	v8 =	vld.idx.msk [tilespmem:v9+s19+$0x0], $0xffff;
	v9 =	vor.u32 $0x12, v2  }
0x12e: {  	v14 =	vld.idx.msk [tilespmem:v10+s20+$0x0], $0xffff  }
0x12f: {  	v3 =	vadd.f32 v4, v3;
	v4 =	vmul.f32 v11, v7;
	v7 =	vld.idx.msk [tilespmem:v10+s19+$0x0], $0xffff;
	v10 =	vor.u32 $0x13, v2  }
0x130: {  	v11 =	vld.idx.msk [tilespmem:v6+s20+$0x0], $0xffff  }
0x131: {  	v3 =	vadd.f32 v4, v3;
	v4 =	vmul.f32 v12, v5;
	v5 =	vld.idx.msk [tilespmem:v6+s19+$0x0], $0xffff;
	v6 =	vor.u32 $0x14, v2  }
0x132: {  	v12 =	vld.idx.msk [tilespmem:v9+s20+$0x0], $0xffff  }
0x133: {  	v3 =	vadd.f32 v4, v3;
	v4 =	vmul.f32 v13, v8;
	v8 =	vld.idx.msk [tilespmem:v9+s19+$0x0], $0xffff;
	v9 =	vor.u32 $0x15, v2  }
0x134: {  	v13 =	vld.idx.msk [tilespmem:v10+s20+$0x0], $0xffff  }
0x135: {  	v3 =	vadd.f32 v4, v3;
	v4 =	vmul.f32 v14, v7;
	v7 =	vld.idx.msk [tilespmem:v10+s19+$0x0], $0xffff;
	v10 =	vor.u32 $0x16, v2  }
0x136: {  	v14 =	vld.idx.msk [tilespmem:v6+s20+$0x0], $0xffff  }
0x137: {  	v3 =	vadd.f32 v4, v3;
	v4 =	vmul.f32 v11, v5;
	v5 =	vld.idx.msk [tilespmem:v6+s19+$0x0], $0xffff;
	v6 =	vor.u32 $0x17, v2  }
0x138: {  	v11 =	vld.idx.msk [tilespmem:v9+s20+$0x0], $0xffff  }
0x139: {  	v3 =	vadd.f32 v4, v3;
	v4 =	vmul.f32 v12, v8;
	v8 =	vld.idx.msk [tilespmem:v9+s19+$0x0], $0xffff;
	v9 =	vor.u32 $0x18, v2  }
0x13a: {  	v12 =	vld.idx.msk [tilespmem:v10+s20+$0x0], $0xffff  }
0x13b: {  	v3 =	vadd.f32 v4, v3;
	v4 =	vmul.f32 v13, v7;
	v7 =	vld.idx.msk [tilespmem:v10+s19+$0x0], $0xffff;
	v10 =	vor.u32 $0x19, v2  }
0x13c: {  	v13 =	vld.idx.msk [tilespmem:v6+s20+$0x0], $0xffff  }
0x13d: {  	v3 =	vadd.f32 v4, v3;
	v4 =	vmul.f32 v14, v5;
	v5 =	vld.idx.msk [tilespmem:v6+s19+$0x0], $0xffff;
	v6 =	vor.u32 $0x1A, v2  }
0x13e: {  	v14 =	vld.idx.msk [tilespmem:v9+s20+$0x0], $0xffff  }
0x13f: {  	v3 =	vadd.f32 v4, v3;
	v4 =	vmul.f32 v11, v8;
	v8 =	vld.idx.msk [tilespmem:v9+s19+$0x0], $0xffff;
	v9 =	vor.u32 $0x1B, v2  }
0x140: {  	v11 =	vld.idx.msk [tilespmem:v10+s20+$0x0], $0xffff  }
0x141: {  	v3 =	vadd.f32 v4, v3;
	v4 =	vmul.f32 v12, v7;
	v7 =	vld.idx.msk [tilespmem:v10+s19+$0x0], $0xffff;
	v10 =	vor.u32 $0x1C, v2  }
0x142: {  	v12 =	vld.idx.msk [tilespmem:v6+s20+$0x0], $0xffff  }
0x143: {  	v3 =	vadd.f32 v4, v3;
	v4 =	vmul.f32 v13, v5;
	v5 =	vld.idx.msk [tilespmem:v6+s19+$0x0], $0xffff;
	v6 =	vor.u32 $0x1D, v2  }
0x144: {  	v13 =	vld.idx.msk [tilespmem:v9+s20+$0x0], $0xffff  }
0x145: {  	v3 =	vadd.f32 v4, v3;
	v4 =	vmul.f32 v14, v8;
	v8 =	vld.idx.msk [tilespmem:v9+s19+$0x0], $0xffff;
	v9 =	vor.u32 $0x1E, v2  }
0x146: {  	v14 =	vld.idx.msk [tilespmem:v10+s20+$0x0], $0xffff  }
0x147: {  	v3 =	vadd.f32 v4, v3;
	v4 =	vmul.f32 v11, v7;
	v7 =	vld.idx.msk [tilespmem:v10+s19+$0x0], $0xffff;
	v10 =	vor.u32 $0x1F, v2  }
0x148: {  	v11 =	vld.idx.msk [tilespmem:v6+s20+$0x0], $0xffff  }
0x149: {  	v2 =	vadd.f32 v4, v3;
	v3 =	vmul.f32 v12, v5;
	v4 =	vld.idx.msk [tilespmem:v6+s19+$0x0], $0xffff  }
0x14a: {  	v6 =	vld.idx.msk [tilespmem:v9+s20+$0x0], $0xffff  }
0x14b: {  	v3 =	vadd.f32 v3, v2;
	v5 =	vmul.f32 v13, v8;
	v8 =	vld.idx.msk [tilespmem:v9+s19+$0x0], $0xffff  }
0x14c: {  	v2 =	vld.idx.msk [tilespmem:v10+s20+$0x0], $0xffff  }
.Ltmp0:
0x14d: {  	v5 =	vadd.f32 v5, v3;
	v7 =	vmul.f32 v14, v7;
	v3 =	vld.idx.msk [tilespmem:v10+s19+$0x0], $0xffff;
	(pc) =	sbr.rel @p0 .LBB2_2-.Ltmp0, $4  }
0x14e: {  	_ = 	snop  }
0x14f: {  	s28 =	sadd.s32 $0x20, s28;
	v7 =	vadd.f32 v7, v5;
	v4 =	vmul.f32 v11, v4  }
0x150: {  	s31 =	sadd.s32 $0xFFFFFFF0, s28  }
0x151: {  	s26 =	sadd.s32 $0x20, s26;
	v5 =	vmov s31;
	v4 =	vadd.f32 v4, v7;
	v6 =	vmul.f32 v6, v8  }
0x152: {  	_ = 	snop  }
0x153: {  	v3 =	vmul.f32 v2, v3;
	v4 =	vadd.f32 v6, v4  }
0x154: {  	v2 =	vshll.u32 v5, $0x7  }
0x155: {  	v2 =	vor.u32 v0, v2;
	v3 =	vadd.f32 v3, v4;
	_ =	sdelay $0x1  }
0x156: {  	s25 =	sadd.s32 $0x20, s25;
	v4 =	vor.u32 $0x1, v2;
	[tilespmem:s29+$0x0] =	vst v3  }
0x157: {  	s24 =	sadd.s32 $0x20, s24;
	v3 =	vld [tilespmem:s25+$0xFFFFFFF0]  }
0x158: {  	v5 =	vor.u32 $0x2, v2;
	v6 =	vld [tilespmem:s24+$0xFFFFFFF0]  }
0x159: {  	v7 =	vld.idx.msk [tilespmem:v2+s19+$0x0], $0xffff  }
0x15a: {  	v8 =	vor.u32 $0x3, v2;
	v9 =	vld.idx.msk [tilespmem:v2+s20+$0x0], $0xffff  }
0x15b: {  	v10 =	vld.idx.msk [tilespmem:v4+s20+$0x0], $0xffff  }
0x15c: {  	v11 =	vor.u32 $0x4, v2;
	v4 =	vld.idx.msk [tilespmem:v4+s19+$0x0], $0xffff  }
0x15d: {  	v12 =	vld.idx.msk [tilespmem:v5+s20+$0x0], $0xffff;
	v3 =	vadd.f32 v6, v3  }
0x15e: {  	v5 =	vld.idx.msk [tilespmem:v5+s19+$0x0], $0xffff;
	v6 =	vor.u32 $0x5, v2  }
0x15f: {  	v13 =	vld.idx.msk [tilespmem:v8+s20+$0x0], $0xffff;
	v7 =	vmul.f32 v9, v7;
	v3 =	vadd.f32 v3, v1  }
0x160: {  	v32 =	vor.u32 $0x6, v2;
	v8 =	vld.idx.msk [tilespmem:v8+s19+$0x0], $0xffff  }
0x161: {  	v14 =	vld.idx.msk [tilespmem:v11+s20+$0x0], $0xffff;
	v4 =	vmul.f32 v10, v4;
	v3 =	vadd.f32 v7, v3  }
0x162: {  	v33 =	vld.idx.msk [tilespmem:v11+s19+$0x0], $0xffff;
	v7 =	vor.u32 $0x7, v2  }
0x163: {  	v34 =	vld.idx.msk [tilespmem:v6+s20+$0x0], $0xffff;
	v3 =	vadd.f32 v4, v3;
	v4 =	vmul.f32 v12, v5  }
0x164: {  	v6 =	vld.idx.msk [tilespmem:v6+s19+$0x0], $0xffff;
	v5 =	vor.u32 $0x8, v2  }
0x165: {  	v35 =	vld.idx.msk [tilespmem:v32+s20+$0x0], $0xffff;
	v3 =	vadd.f32 v4, v3;
	v4 =	vmul.f32 v13, v8  }
0x166: {  	v9 =	vld.idx.msk [tilespmem:v32+s19+$0x0], $0xffff;
	v8 =	vor.u32 $0x9, v2  }
0x167: {  	v36 =	vld.idx.msk [tilespmem:v7+s20+$0x0], $0xffff;
	v3 =	vadd.f32 v4, v3;
	v4 =	vmul.f32 v14, v33  }
0x168: {  	v37 =	vor.u32 $0xA, v2;
	v7 =	vld.idx.msk [tilespmem:v7+s19+$0x0], $0xffff  }
0x169: {  	v38 =	vld.idx.msk [tilespmem:v5+s20+$0x0], $0xffff;
	v3 =	vadd.f32 v4, v3;
	v4 =	vmul.f32 v34, v6  }
0x16a: {  	v5 =	vld.idx.msk [tilespmem:v5+s19+$0x0], $0xffff;
	v6 =	vor.u32 $0xB, v2  }
0x16b: {  	v39 =	vld.idx.msk [tilespmem:v8+s20+$0x0], $0xffff;
	v3 =	vadd.f32 v4, v3;
	v4 =	vmul.f32 v35, v9  }
0x16c: {  	v40 =	vor.u32 $0xC, v2;
	v8 =	vld.idx.msk [tilespmem:v8+s19+$0x0], $0xffff  }
0x16d: {  	v41 =	vld.idx.msk [tilespmem:v37+s20+$0x0], $0xffff;
	v3 =	vadd.f32 v4, v3;
	v4 =	vmul.f32 v36, v7  }
0x16e: {  	v10 =	vld.idx.msk [tilespmem:v37+s19+$0x0], $0xffff;
	v7 =	vor.u32 $0xD, v2  }
0x16f: {  	v42 =	vld.idx.msk [tilespmem:v6+s20+$0x0], $0xffff;
	v3 =	vadd.f32 v4, v3;
	v4 =	vmul.f32 v38, v5  }
0x170: {  	v6 =	vld.idx.msk [tilespmem:v6+s19+$0x0], $0xffff;
	v5 =	vor.u32 $0xE, v2  }
0x171: {  	v43 =	vld.idx.msk [tilespmem:v40+s20+$0x0], $0xffff;
	v3 =	vadd.f32 v4, v3;
	v4 =	vmul.f32 v39, v8  }
0x172: {  	v9 =	vld.idx.msk [tilespmem:v40+s19+$0x0], $0xffff;
	v8 =	vor.u32 $0xF, v2  }
0x173: {  	v44 =	vld.idx.msk [tilespmem:v7+s20+$0x0], $0xffff;
	v3 =	vadd.f32 v4, v3;
	v4 =	vmul.f32 v41, v10  }
0x174: {  	v45 =	vor.u32 $0x10, v2;
	v7 =	vld.idx.msk [tilespmem:v7+s19+$0x0], $0xffff  }
0x175: {  	v46 =	vld.idx.msk [tilespmem:v5+s20+$0x0], $0xffff;
	v3 =	vadd.f32 v4, v3;
	v4 =	vmul.f32 v42, v6  }
0x176: {  	v5 =	vld.idx.msk [tilespmem:v5+s19+$0x0], $0xffff;
	v6 =	vor.u32 $0x11, v2  }
0x177: {  	v47 =	vld.idx.msk [tilespmem:v8+s20+$0x0], $0xffff;
	v3 =	vadd.f32 v4, v3;
	v4 =	vmul.f32 v43, v9  }
0x178: {  	v48 =	vor.u32 $0x12, v2;
	v8 =	vld.idx.msk [tilespmem:v8+s19+$0x0], $0xffff  }
0x179: {  	v49 =	vld.idx.msk [tilespmem:v45+s20+$0x0], $0xffff;
	v3 =	vadd.f32 v4, v3;
	v4 =	vmul.f32 v44, v7  }
0x17a: {  	v10 =	vld.idx.msk [tilespmem:v45+s19+$0x0], $0xffff;
	v7 =	vor.u32 $0x13, v2  }
0x17b: {  	v50 =	vld.idx.msk [tilespmem:v6+s20+$0x0], $0xffff;
	v3 =	vadd.f32 v4, v3;
	v4 =	vmul.f32 v46, v5  }
0x17c: {  	v6 =	vld.idx.msk [tilespmem:v6+s19+$0x0], $0xffff;
	v5 =	vor.u32 $0x14, v2  }
0x17d: {  	v51 =	vld.idx.msk [tilespmem:v48+s20+$0x0], $0xffff;
	v3 =	vadd.f32 v4, v3;
	v4 =	vmul.f32 v47, v8  }
0x17e: {  	v9 =	vld.idx.msk [tilespmem:v48+s19+$0x0], $0xffff;
	v8 =	vor.u32 $0x15, v2  }
0x17f: {  	v52 =	vld.idx.msk [tilespmem:v7+s20+$0x0], $0xffff;
	v3 =	vadd.f32 v4, v3;
	v4 =	vmul.f32 v49, v10  }
0x180: {  	v53 =	vor.u32 $0x16, v2;
	v7 =	vld.idx.msk [tilespmem:v7+s19+$0x0], $0xffff  }
0x181: {  	v54 =	vld.idx.msk [tilespmem:v5+s20+$0x0], $0xffff;
	v3 =	vadd.f32 v4, v3;
	v4 =	vmul.f32 v50, v6  }
0x182: {  	v5 =	vld.idx.msk [tilespmem:v5+s19+$0x0], $0xffff;
	v6 =	vor.u32 $0x17, v2  }
0x183: {  	v55 =	vld.idx.msk [tilespmem:v8+s20+$0x0], $0xffff;
	v3 =	vadd.f32 v4, v3;
	v4 =	vmul.f32 v51, v9  }
0x184: {  	v56 =	vor.u32 $0x18, v2;
	v8 =	vld.idx.msk [tilespmem:v8+s19+$0x0], $0xffff  }
0x185: {  	v57 =	vld.idx.msk [tilespmem:v53+s20+$0x0], $0xffff;
	v3 =	vadd.f32 v4, v3;
	v4 =	vmul.f32 v52, v7  }
0x186: {  	v10 =	vld.idx.msk [tilespmem:v53+s19+$0x0], $0xffff;
	v7 =	vor.u32 $0x19, v2  }
0x187: {  	v58 =	vld.idx.msk [tilespmem:v6+s20+$0x0], $0xffff;
	v3 =	vadd.f32 v4, v3;
	v4 =	vmul.f32 v54, v5  }
0x188: {  	v6 =	vld.idx.msk [tilespmem:v6+s19+$0x0], $0xffff;
	v5 =	vor.u32 $0x1A, v2  }
0x189: {  	v59 =	vld.idx.msk [tilespmem:v56+s20+$0x0], $0xffff;
	v3 =	vadd.f32 v4, v3;
	v4 =	vmul.f32 v55, v8  }
0x18a: {  	v9 =	vld.idx.msk [tilespmem:v56+s19+$0x0], $0xffff;
	v8 =	vor.u32 $0x1B, v2  }
0x18b: {  	v60 =	vld.idx.msk [tilespmem:v7+s20+$0x0], $0xffff;
	v3 =	vadd.f32 v4, v3;
	v4 =	vmul.f32 v57, v10  }
0x18c: {  	v61 =	vor.u32 $0x1C, v2;
	v7 =	vld.idx.msk [tilespmem:v7+s19+$0x0], $0xffff  }
0x18d: {  	v62 =	vld.idx.msk [tilespmem:v5+s20+$0x0], $0xffff;
	v3 =	vadd.f32 v4, v3;
	v4 =	vmul.f32 v58, v6  }
0x18e: {  	v5 =	vld.idx.msk [tilespmem:v5+s19+$0x0], $0xffff;
	v6 =	vor.u32 $0x1D, v2  }
0x18f: {  	v63 =	vld.idx.msk [tilespmem:v8+s20+$0x0], $0xffff;
	v3 =	vadd.f32 v4, v3;
	v4 =	vmul.f32 v59, v9  }
0x190: {  	v16 =	vor.u32 $0x1E, v2;
	v8 =	vld.idx.msk [tilespmem:v8+s19+$0x0], $0xffff  }
0x191: {  	v17 =	vld.idx.msk [tilespmem:v61+s20+$0x0], $0xffff;
	v3 =	vadd.f32 v4, v3;
	v4 =	vmul.f32 v60, v7  }
0x192: {  	v2 =	vor.u32 $0x1F, v2;
	v7 =	vld.idx.msk [tilespmem:v61+s19+$0x0], $0xffff  }
0x193: {  	v18 =	vld.idx.msk [tilespmem:v6+s20+$0x0], $0xffff;
	v3 =	vadd.f32 v4, v3;
	v4 =	vmul.f32 v62, v5  }
0x194: {  	v5 =	vld.idx.msk [tilespmem:v6+s19+$0x0], $0xffff  }
0x195: {  	v6 =	vld.idx.msk [tilespmem:v16+s20+$0x0], $0xffff;
	v3 =	vadd.f32 v4, v3;
	v4 =	vmul.f32 v63, v8  }
0x196: {  	v8 =	vld.idx.msk [tilespmem:v16+s19+$0x0], $0xffff  }
0x197: {  	v19 =	vld.idx.msk [tilespmem:v2+s20+$0x0], $0xffff;
	v3 =	vadd.f32 v4, v3;
	v4 =	vmul.f32 v17, v7  }
0x198: {  	v2 =	vld.idx.msk [tilespmem:v2+s19+$0x0], $0xffff  }
0x199: {  	v3 =	vadd.f32 v4, v3;
	v4 =	vmul.f32 v18, v5;
	_ =	sdelay $0x1  }
0x19a: {  	v3 =	vadd.f32 v4, v3;
	v4 =	vmul.f32 v6, v8;
	_ =	sdelay $0x1  }
0x19b: {  	v2 =	vmul.f32 v19, v2;
	v3 =	vadd.f32 v4, v3;
	v4 =	vmov s28  }
0x19c: {  	v4 =	vshll.u32 v4, $0x7  }
0x19d: {  	v3 =	vadd.f32 v2, v3;
	v2 =	vor.u32 v0, v4;
	_ =	sdelay $0x1  }
0x19e: {  	[tilespmem:s26+$0xFFFFFFF0] =	vst v3;
	v3 =	vor.u32 $0x1, v2  }
0x19f: {  	v4 =	vld [tilespmem:s25+$0x0]  }
0x1a0: {  	v6 =	vor.u32 $0x2, v2;
	v5 =	vld [tilespmem:s24+$0x0]  }
0x1a1: {  	v7 =	vld.idx.msk [tilespmem:v2+s20+$0x0], $0xffff  }
0x1a2: {  	v20 =	vor.u32 $0x3, v2;
	v8 =	vld.idx.msk [tilespmem:v2+s19+$0x0], $0xffff  }
0x1a3: {  	v21 =	vld.idx.msk [tilespmem:v3+s20+$0x0], $0xffff  }
0x1a4: {  	v22 =	vor.u32 $0x4, v2;
	v3 =	vld.idx.msk [tilespmem:v3+s19+$0x0], $0xffff  }
0x1a5: {  	v4 =	vadd.f32 v5, v4;
	v5 =	vld.idx.msk [tilespmem:v6+s20+$0x0], $0xffff  }
0x1a6: {  	v23 =	vor.u32 $0x5, v2;
	v6 =	vld.idx.msk [tilespmem:v6+s19+$0x0], $0xffff  }
0x1a7: {  	v24 =	vld.idx.msk [tilespmem:v20+s20+$0x0], $0xffff;
	v4 =	vadd.f32 v4, v1;
	v7 =	vmul.f32 v7, v8  }
0x1a8: {  	v25 =	vor.u32 $0x6, v2;
	v8 =	vld.idx.msk [tilespmem:v20+s19+$0x0], $0xffff  }
0x1a9: {  	v26 =	vld.idx.msk [tilespmem:v22+s20+$0x0], $0xffff;
	v4 =	vadd.f32 v7, v4;
	v3 =	vmul.f32 v21, v3  }
0x1aa: {  	v27 =	vor.u32 $0x7, v2;
	v7 =	vld.idx.msk [tilespmem:v22+s19+$0x0], $0xffff  }
0x1ab: {  	v28 =	vld.idx.msk [tilespmem:v23+s20+$0x0], $0xffff;
	v3 =	vadd.f32 v3, v4;
	v4 =	vmul.f32 v5, v6  }
0x1ac: {  	v5 =	vld.idx.msk [tilespmem:v23+s19+$0x0], $0xffff;
	v6 =	vor.u32 $0x8, v2  }
0x1ad: {  	v29 =	vld.idx.msk [tilespmem:v25+s20+$0x0], $0xffff;
	v3 =	vadd.f32 v4, v3;
	v4 =	vmul.f32 v24, v8  }
0x1ae: {  	v30 =	vor.u32 $0x9, v2;
	v8 =	vld.idx.msk [tilespmem:v25+s19+$0x0], $0xffff  }
0x1af: {  	v31 =	vld.idx.msk [tilespmem:v27+s20+$0x0], $0xffff;
	v3 =	vadd.f32 v4, v3;
	v4 =	vmul.f32 v26, v7  }
0x1b0: {  	v32 =	vor.u32 $0xA, v2;
	v7 =	vld.idx.msk [tilespmem:v27+s19+$0x0], $0xffff  }
0x1b1: {  	v33 =	vld.idx.msk [tilespmem:v6+s20+$0x0], $0xffff;
	v3 =	vadd.f32 v4, v3;
	v4 =	vmul.f32 v28, v5  }
0x1b2: {  	v5 =	vld.idx.msk [tilespmem:v6+s19+$0x0], $0xffff;
	v6 =	vor.u32 $0xB, v2  }
0x1b3: {  	v34 =	vld.idx.msk [tilespmem:v30+s20+$0x0], $0xffff;
	v3 =	vadd.f32 v4, v3;
	v4 =	vmul.f32 v29, v8  }
0x1b4: {  	v35 =	vor.u32 $0xC, v2;
	v8 =	vld.idx.msk [tilespmem:v30+s19+$0x0], $0xffff  }
0x1b5: {  	v36 =	vld.idx.msk [tilespmem:v32+s20+$0x0], $0xffff;
	v3 =	vadd.f32 v4, v3;
	v4 =	vmul.f32 v31, v7  }
0x1b6: {  	v37 =	vor.u32 $0xD, v2;
	v7 =	vld.idx.msk [tilespmem:v32+s19+$0x0], $0xffff  }
0x1b7: {  	v38 =	vld.idx.msk [tilespmem:v6+s20+$0x0], $0xffff;
	v3 =	vadd.f32 v4, v3;
	v4 =	vmul.f32 v33, v5  }
0x1b8: {  	v5 =	vld.idx.msk [tilespmem:v6+s19+$0x0], $0xffff;
	v6 =	vor.u32 $0xE, v2  }
0x1b9: {  	v39 =	vld.idx.msk [tilespmem:v35+s20+$0x0], $0xffff;
	v3 =	vadd.f32 v4, v3;
	v4 =	vmul.f32 v34, v8  }
0x1ba: {  	v40 =	vor.u32 $0xF, v2;
	v8 =	vld.idx.msk [tilespmem:v35+s19+$0x0], $0xffff  }
0x1bb: {  	v41 =	vld.idx.msk [tilespmem:v37+s20+$0x0], $0xffff;
	v3 =	vadd.f32 v4, v3;
	v4 =	vmul.f32 v36, v7  }
0x1bc: {  	v42 =	vor.u32 $0x10, v2;
	v7 =	vld.idx.msk [tilespmem:v37+s19+$0x0], $0xffff  }
0x1bd: {  	v43 =	vld.idx.msk [tilespmem:v6+s20+$0x0], $0xffff;
	v3 =	vadd.f32 v4, v3;
	v4 =	vmul.f32 v38, v5  }
0x1be: {  	v5 =	vld.idx.msk [tilespmem:v6+s19+$0x0], $0xffff;
	v6 =	vor.u32 $0x11, v2  }
0x1bf: {  	v44 =	vld.idx.msk [tilespmem:v40+s20+$0x0], $0xffff;
	v3 =	vadd.f32 v4, v3;
	v4 =	vmul.f32 v39, v8  }
0x1c0: {  	v45 =	vor.u32 $0x12, v2;
	v8 =	vld.idx.msk [tilespmem:v40+s19+$0x0], $0xffff  }
0x1c1: {  	v46 =	vld.idx.msk [tilespmem:v42+s20+$0x0], $0xffff;
	v3 =	vadd.f32 v4, v3;
	v4 =	vmul.f32 v41, v7  }
0x1c2: {  	v47 =	vor.u32 $0x13, v2;
	v7 =	vld.idx.msk [tilespmem:v42+s19+$0x0], $0xffff  }
0x1c3: {  	v48 =	vld.idx.msk [tilespmem:v6+s20+$0x0], $0xffff;
	v3 =	vadd.f32 v4, v3;
	v4 =	vmul.f32 v43, v5  }
0x1c4: {  	v5 =	vld.idx.msk [tilespmem:v6+s19+$0x0], $0xffff;
	v6 =	vor.u32 $0x14, v2  }
0x1c5: {  	v49 =	vld.idx.msk [tilespmem:v45+s20+$0x0], $0xffff;
	v3 =	vadd.f32 v4, v3;
	v4 =	vmul.f32 v44, v8  }
0x1c6: {  	v50 =	vor.u32 $0x15, v2;
	v8 =	vld.idx.msk [tilespmem:v45+s19+$0x0], $0xffff  }
0x1c7: {  	v51 =	vld.idx.msk [tilespmem:v47+s20+$0x0], $0xffff;
	v3 =	vadd.f32 v4, v3;
	v4 =	vmul.f32 v46, v7  }
0x1c8: {  	v52 =	vor.u32 $0x16, v2;
	v7 =	vld.idx.msk [tilespmem:v47+s19+$0x0], $0xffff  }
0x1c9: {  	v53 =	vld.idx.msk [tilespmem:v6+s20+$0x0], $0xffff;
	v3 =	vadd.f32 v4, v3;
	v4 =	vmul.f32 v48, v5  }
0x1ca: {  	v5 =	vld.idx.msk [tilespmem:v6+s19+$0x0], $0xffff;
	v6 =	vor.u32 $0x17, v2  }
0x1cb: {  	v54 =	vld.idx.msk [tilespmem:v50+s20+$0x0], $0xffff;
	v3 =	vadd.f32 v4, v3;
	v4 =	vmul.f32 v49, v8  }
0x1cc: {  	v55 =	vor.u32 $0x18, v2;
	v8 =	vld.idx.msk [tilespmem:v50+s19+$0x0], $0xffff  }
0x1cd: {  	v56 =	vld.idx.msk [tilespmem:v52+s20+$0x0], $0xffff;
	v3 =	vadd.f32 v4, v3;
	v4 =	vmul.f32 v51, v7  }
0x1ce: {  	v57 =	vor.u32 $0x19, v2;
	v7 =	vld.idx.msk [tilespmem:v52+s19+$0x0], $0xffff  }
0x1cf: {  	v58 =	vld.idx.msk [tilespmem:v6+s20+$0x0], $0xffff;
	v3 =	vadd.f32 v4, v3;
	v4 =	vmul.f32 v53, v5  }
0x1d0: {  	v5 =	vld.idx.msk [tilespmem:v6+s19+$0x0], $0xffff;
	v6 =	vor.u32 $0x1A, v2  }
0x1d1: {  	v59 =	vld.idx.msk [tilespmem:v55+s20+$0x0], $0xffff;
	v3 =	vadd.f32 v4, v3;
	v4 =	vmul.f32 v54, v8  }
0x1d2: {  	v60 =	vor.u32 $0x1B, v2;
	v8 =	vld.idx.msk [tilespmem:v55+s19+$0x0], $0xffff  }
0x1d3: {  	v61 =	vld.idx.msk [tilespmem:v57+s20+$0x0], $0xffff;
	v3 =	vadd.f32 v4, v3;
	v4 =	vmul.f32 v56, v7  }
0x1d4: {  	v62 =	vor.u32 $0x1C, v2;
	v7 =	vld.idx.msk [tilespmem:v57+s19+$0x0], $0xffff  }
0x1d5: {  	v63 =	vld.idx.msk [tilespmem:v6+s20+$0x0], $0xffff;
	v3 =	vadd.f32 v4, v3;
	v4 =	vmul.f32 v58, v5  }
0x1d6: {  	v5 =	vld.idx.msk [tilespmem:v6+s19+$0x0], $0xffff;
	v6 =	vor.u32 $0x1D, v2  }
0x1d7: {  	v16 =	vld.idx.msk [tilespmem:v60+s20+$0x0], $0xffff;
	v3 =	vadd.f32 v4, v3;
	v4 =	vmul.f32 v59, v8  }
0x1d8: {  	v17 =	vor.u32 $0x1E, v2;
	v8 =	vld.idx.msk [tilespmem:v60+s19+$0x0], $0xffff  }
0x1d9: {  	v18 =	vld.idx.msk [tilespmem:v62+s20+$0x0], $0xffff;
	v3 =	vadd.f32 v4, v3;
	v4 =	vmul.f32 v61, v7  }
0x1da: {  	v2 =	vor.u32 $0x1F, v2;
	v7 =	vld.idx.msk [tilespmem:v62+s19+$0x0], $0xffff  }
0x1db: {  	v19 =	vld.idx.msk [tilespmem:v6+s20+$0x0], $0xffff;
	v3 =	vadd.f32 v4, v3;
	v4 =	vmul.f32 v63, v5  }
0x1dc: {  	v5 =	vld.idx.msk [tilespmem:v6+s19+$0x0], $0xffff  }
0x1dd: {  	v6 =	vld.idx.msk [tilespmem:v17+s20+$0x0], $0xffff;
	v3 =	vadd.f32 v4, v3;
	v4 =	vmul.f32 v16, v8  }
0x1de: {  	v8 =	vld.idx.msk [tilespmem:v17+s19+$0x0], $0xffff  }
0x1df: {  	v20 =	vld.idx.msk [tilespmem:v2+s20+$0x0], $0xffff;
	v3 =	vadd.f32 v4, v3;
	v4 =	vmul.f32 v18, v7  }
0x1e0: {  	v2 =	vld.idx.msk [tilespmem:v2+s19+$0x0], $0xffff  }
0x1e1: {  	v3 =	vadd.f32 v4, v3;
	v4 =	vmul.f32 v19, v5;
	_ =	sdelay $0x1  }
0x1e2: {  	v3 =	vadd.f32 v4, v3;
	v4 =	vmul.f32 v6, v8;
	_ =	sdelay $0x1  }
0x1e3: {  	v2 =	vmul.f32 v20, v2;
	v3 =	vadd.f32 v4, v3;
	_ =	sdelay $0x1  }
0x1e4: {  	v2 =	vadd.f32 v2, v3;
	_ =	sdelay $0x1  }
0x1e5: {  	[tilespmem:s26+$0x0] =	vst v2  }
0x1e6: {  	[tilespmem:s19], [sflag:$0x1] =	stream.indirect.gather [hbm4b:s4+s18], $0x80, s18, s18, $0xb8;
	[tilespmem:$0x10A80] =	vst v63  }
0x1e7: {  	_ = 	snop  }
0x1e8: {  	[tilespmem:s20], [sflag:$0x1] =	stream.indirect.gather [hbm4b:s5+s18], $0x80, s21, s18, $0xb8;
	[tilespmem:$0x10A80] =	vst v63  }
0x1e9: {  	s26 =	simm.s32 $0x0;
	_ =	swait.ge [sflag:s17], $0x8000  }
0x1ea: {  	v2 =	vmov s26;
	[sflag:s17] =	ssyncset.done $0x0  }
0x1eb: {  	v2 =	vshll.u32 v2, $0x7;
	[sflag:s17] =	ssyncadd.s32 $0xFFFF8000  }
0x1ec: {  	v2 =	vor.u32 v0, v2;
	_ =	swait.ge [sflag:s17], $0x8000  }
0x1ed: {  	[sflag:s17] =	ssyncset.done $0x0  }
0x1ee: {  	s25 =	simm.s32 $0x10510;
	v3 =	vor.u32 $0x1, v2;
	[sflag:s17] =	ssyncadd.s32 $0xFFFF8000  }
0x1ef: {  	s24 =	simm.s32 $0x10710;
	v4 =	vld [tilespmem:s25+$0xFFFFFFF0]  }
0x1f0: {  	v5 =	vor.u32 $0x2, v2;
	v6 =	vld [tilespmem:s24+$0xFFFFFFF0]  }
0x1f1: {  	v7 =	vld.idx.msk [tilespmem:v2+s19+$0x0], $0xffff  }
0x1f2: {  	v8 =	vor.u32 $0x3, v2;
	v21 =	vld.idx.msk [tilespmem:v2+s20+$0x0], $0xffff  }
0x1f3: {  	v22 =	vld.idx.msk [tilespmem:v3+s20+$0x0], $0xffff  }
0x1f4: {  	v23 =	vor.u32 $0x4, v2;
	v3 =	vld.idx.msk [tilespmem:v3+s19+$0x0], $0xffff  }
0x1f5: {  	v24 =	vld.idx.msk [tilespmem:v5+s20+$0x0], $0xffff;
	v4 =	vadd.f32 v6, v4  }
0x1f6: {  	v5 =	vld.idx.msk [tilespmem:v5+s19+$0x0], $0xffff;
	v6 =	vor.u32 $0x5, v2  }
0x1f7: {  	v25 =	vld.idx.msk [tilespmem:v8+s20+$0x0], $0xffff;
	v7 =	vmul.f32 v21, v7;
	v4 =	vadd.f32 v4, v1  }
0x1f8: {  	v26 =	vor.u32 $0x6, v2;
	v8 =	vld.idx.msk [tilespmem:v8+s19+$0x0], $0xffff  }
0x1f9: {  	v27 =	vld.idx.msk [tilespmem:v23+s20+$0x0], $0xffff;
	v3 =	vmul.f32 v22, v3;
	v4 =	vadd.f32 v7, v4  }
0x1fa: {  	v28 =	vld.idx.msk [tilespmem:v23+s19+$0x0], $0xffff;
	v7 =	vor.u32 $0x7, v2  }
0x1fb: {  	v29 =	vld.idx.msk [tilespmem:v6+s20+$0x0], $0xffff;
	v3 =	vadd.f32 v3, v4;
	v4 =	vmul.f32 v24, v5  }
0x1fc: {  	v6 =	vld.idx.msk [tilespmem:v6+s19+$0x0], $0xffff;
	v5 =	vor.u32 $0x8, v2  }
0x1fd: {  	v30 =	vld.idx.msk [tilespmem:v26+s20+$0x0], $0xffff;
	v3 =	vadd.f32 v4, v3;
	v4 =	vmul.f32 v25, v8  }
0x1fe: {  	v9 =	vld.idx.msk [tilespmem:v26+s19+$0x0], $0xffff;
	v8 =	vor.u32 $0x9, v2  }
0x1ff: {  	v31 =	vld.idx.msk [tilespmem:v7+s20+$0x0], $0xffff;
	v3 =	vadd.f32 v4, v3;
	v4 =	vmul.f32 v27, v28  }
0x200: {  	v32 =	vor.u32 $0xA, v2;
	v7 =	vld.idx.msk [tilespmem:v7+s19+$0x0], $0xffff  }
0x201: {  	v33 =	vld.idx.msk [tilespmem:v5+s20+$0x0], $0xffff;
	v3 =	vadd.f32 v4, v3;
	v4 =	vmul.f32 v29, v6  }
0x202: {  	v5 =	vld.idx.msk [tilespmem:v5+s19+$0x0], $0xffff;
	v6 =	vor.u32 $0xB, v2  }
0x203: {  	v34 =	vld.idx.msk [tilespmem:v8+s20+$0x0], $0xffff;
	v3 =	vadd.f32 v4, v3;
	v4 =	vmul.f32 v30, v9  }
0x204: {  	v35 =	vor.u32 $0xC, v2;
	v8 =	vld.idx.msk [tilespmem:v8+s19+$0x0], $0xffff  }
0x205: {  	v36 =	vld.idx.msk [tilespmem:v32+s20+$0x0], $0xffff;
	v3 =	vadd.f32 v4, v3;
	v4 =	vmul.f32 v31, v7  }
0x206: {  	v10 =	vld.idx.msk [tilespmem:v32+s19+$0x0], $0xffff;
	v7 =	vor.u32 $0xD, v2  }
0x207: {  	v37 =	vld.idx.msk [tilespmem:v6+s20+$0x0], $0xffff;
	v3 =	vadd.f32 v4, v3;
	v4 =	vmul.f32 v33, v5  }
0x208: {  	v6 =	vld.idx.msk [tilespmem:v6+s19+$0x0], $0xffff;
	v5 =	vor.u32 $0xE, v2  }
0x209: {  	v38 =	vld.idx.msk [tilespmem:v35+s20+$0x0], $0xffff;
	v3 =	vadd.f32 v4, v3;
	v4 =	vmul.f32 v34, v8  }
0x20a: {  	v9 =	vld.idx.msk [tilespmem:v35+s19+$0x0], $0xffff;
	v8 =	vor.u32 $0xF, v2  }
0x20b: {  	v39 =	vld.idx.msk [tilespmem:v7+s20+$0x0], $0xffff;
	v3 =	vadd.f32 v4, v3;
	v4 =	vmul.f32 v36, v10  }
0x20c: {  	v40 =	vor.u32 $0x10, v2;
	v7 =	vld.idx.msk [tilespmem:v7+s19+$0x0], $0xffff  }
0x20d: {  	v41 =	vld.idx.msk [tilespmem:v5+s20+$0x0], $0xffff;
	v3 =	vadd.f32 v4, v3;
	v4 =	vmul.f32 v37, v6  }
0x20e: {  	v5 =	vld.idx.msk [tilespmem:v5+s19+$0x0], $0xffff;
	v6 =	vor.u32 $0x11, v2  }
0x20f: {  	v42 =	vld.idx.msk [tilespmem:v8+s20+$0x0], $0xffff;
	v3 =	vadd.f32 v4, v3;
	v4 =	vmul.f32 v38, v9  }
0x210: {  	v43 =	vor.u32 $0x12, v2;
	v8 =	vld.idx.msk [tilespmem:v8+s19+$0x0], $0xffff  }
0x211: {  	v44 =	vld.idx.msk [tilespmem:v40+s20+$0x0], $0xffff;
	v3 =	vadd.f32 v4, v3;
	v4 =	vmul.f32 v39, v7  }
0x212: {  	v10 =	vld.idx.msk [tilespmem:v40+s19+$0x0], $0xffff;
	v7 =	vor.u32 $0x13, v2  }
0x213: {  	v45 =	vld.idx.msk [tilespmem:v6+s20+$0x0], $0xffff;
	v3 =	vadd.f32 v4, v3;
	v4 =	vmul.f32 v41, v5  }
0x214: {  	v6 =	vld.idx.msk [tilespmem:v6+s19+$0x0], $0xffff;
	v5 =	vor.u32 $0x14, v2  }
0x215: {  	v46 =	vld.idx.msk [tilespmem:v43+s20+$0x0], $0xffff;
	v3 =	vadd.f32 v4, v3;
	v4 =	vmul.f32 v42, v8  }
0x216: {  	v9 =	vld.idx.msk [tilespmem:v43+s19+$0x0], $0xffff;
	v8 =	vor.u32 $0x15, v2  }
0x217: {  	v47 =	vld.idx.msk [tilespmem:v7+s20+$0x0], $0xffff;
	v3 =	vadd.f32 v4, v3;
	v4 =	vmul.f32 v44, v10  }
0x218: {  	v48 =	vor.u32 $0x16, v2;
	v7 =	vld.idx.msk [tilespmem:v7+s19+$0x0], $0xffff  }
0x219: {  	v49 =	vld.idx.msk [tilespmem:v5+s20+$0x0], $0xffff;
	v3 =	vadd.f32 v4, v3;
	v4 =	vmul.f32 v45, v6  }
0x21a: {  	v5 =	vld.idx.msk [tilespmem:v5+s19+$0x0], $0xffff;
	v6 =	vor.u32 $0x17, v2  }
0x21b: {  	v50 =	vld.idx.msk [tilespmem:v8+s20+$0x0], $0xffff;
	v3 =	vadd.f32 v4, v3;
	v4 =	vmul.f32 v46, v9  }
0x21c: {  	v51 =	vor.u32 $0x18, v2;
	v8 =	vld.idx.msk [tilespmem:v8+s19+$0x0], $0xffff  }
0x21d: {  	v52 =	vld.idx.msk [tilespmem:v48+s20+$0x0], $0xffff;
	v3 =	vadd.f32 v4, v3;
	v4 =	vmul.f32 v47, v7  }
0x21e: {  	v10 =	vld.idx.msk [tilespmem:v48+s19+$0x0], $0xffff;
	v7 =	vor.u32 $0x19, v2  }
0x21f: {  	v53 =	vld.idx.msk [tilespmem:v6+s20+$0x0], $0xffff;
	v3 =	vadd.f32 v4, v3;
	v4 =	vmul.f32 v49, v5  }
0x220: {  	v6 =	vld.idx.msk [tilespmem:v6+s19+$0x0], $0xffff;
	v5 =	vor.u32 $0x1A, v2  }
0x221: {  	v54 =	vld.idx.msk [tilespmem:v51+s20+$0x0], $0xffff;
	v3 =	vadd.f32 v4, v3;
	v4 =	vmul.f32 v50, v8  }
0x222: {  	v9 =	vld.idx.msk [tilespmem:v51+s19+$0x0], $0xffff;
	v8 =	vor.u32 $0x1B, v2  }
0x223: {  	v55 =	vld.idx.msk [tilespmem:v7+s20+$0x0], $0xffff;
	v3 =	vadd.f32 v4, v3;
	v4 =	vmul.f32 v52, v10  }
0x224: {  	v56 =	vor.u32 $0x1C, v2;
	v7 =	vld.idx.msk [tilespmem:v7+s19+$0x0], $0xffff  }
0x225: {  	v57 =	vld.idx.msk [tilespmem:v5+s20+$0x0], $0xffff;
	v3 =	vadd.f32 v4, v3;
	v4 =	vmul.f32 v53, v6  }
0x226: {  	v5 =	vld.idx.msk [tilespmem:v5+s19+$0x0], $0xffff;
	v6 =	vor.u32 $0x1D, v2  }
0x227: {  	v58 =	vld.idx.msk [tilespmem:v8+s20+$0x0], $0xffff;
	v3 =	vadd.f32 v4, v3;
	v4 =	vmul.f32 v54, v9  }
0x228: {  	v59 =	vor.u32 $0x1E, v2;
	v8 =	vld.idx.msk [tilespmem:v8+s19+$0x0], $0xffff  }
0x229: {  	v60 =	vld.idx.msk [tilespmem:v56+s20+$0x0], $0xffff;
	v3 =	vadd.f32 v4, v3;
	v4 =	vmul.f32 v55, v7  }
0x22a: {  	v2 =	vor.u32 $0x1F, v2;
	v7 =	vld.idx.msk [tilespmem:v56+s19+$0x0], $0xffff  }
0x22b: {  	v61 =	vld.idx.msk [tilespmem:v6+s20+$0x0], $0xffff;
	v3 =	vadd.f32 v4, v3;
	v4 =	vmul.f32 v57, v5  }
0x22c: {  	v5 =	vld.idx.msk [tilespmem:v6+s19+$0x0], $0xffff  }
0x22d: {  	v6 =	vld.idx.msk [tilespmem:v59+s20+$0x0], $0xffff;
	v3 =	vadd.f32 v4, v3;
	v4 =	vmul.f32 v58, v8  }
0x22e: {  	v8 =	vld.idx.msk [tilespmem:v59+s19+$0x0], $0xffff  }
0x22f: {  	v62 =	vld.idx.msk [tilespmem:v2+s20+$0x0], $0xffff;
	v3 =	vadd.f32 v4, v3;
	v4 =	vmul.f32 v60, v7  }
0x230: {  	v2 =	vld.idx.msk [tilespmem:v2+s19+$0x0], $0xffff  }
0x231: {  	v3 =	vadd.f32 v4, v3;
	v4 =	vmul.f32 v61, v5;
	_ =	sdelay $0x1  }
0x232: {  	v3 =	vadd.f32 v4, v3;
	v4 =	vmul.f32 v6, v8  }
0x233: {  	s31 =	simm.s32 $0x10  }
0x234: {  	v2 =	vmul.f32 v62, v2;
	v3 =	vadd.f32 v4, v3;
	v4 =	vmov s31  }
0x235: {  	v4 =	vshll.u32 v4, $0x7  }
0x236: {  	v3 =	vadd.f32 v2, v3;
	v2 =	vor.u32 v0, v4  }
0x237: {  	s29 =	simm.s32 $0x10990  }
0x238: {  	[tilespmem:s29+$0xFFFFFFF0] =	vst v3;
	v3 =	vor.u32 $0x1, v2  }
0x239: {  	v4 =	vld [tilespmem:s25+$0x0]  }
0x23a: {  	v6 =	vor.u32 $0x2, v2;
	v5 =	vld [tilespmem:s24+$0x0]  }
0x23b: {  	v7 =	vld.idx.msk [tilespmem:v2+s20+$0x0], $0xffff  }
0x23c: {  	v63 =	vor.u32 $0x3, v2;
	v8 =	vld.idx.msk [tilespmem:v2+s19+$0x0], $0xffff  }
0x23d: {  	v16 =	vld.idx.msk [tilespmem:v3+s20+$0x0], $0xffff  }
0x23e: {  	v17 =	vor.u32 $0x4, v2;
	v3 =	vld.idx.msk [tilespmem:v3+s19+$0x0], $0xffff  }
0x23f: {  	v4 =	vadd.f32 v5, v4;
	v5 =	vld.idx.msk [tilespmem:v6+s20+$0x0], $0xffff  }
0x240: {  	v18 =	vor.u32 $0x5, v2;
	v6 =	vld.idx.msk [tilespmem:v6+s19+$0x0], $0xffff  }
0x241: {  	v19 =	vld.idx.msk [tilespmem:v63+s20+$0x0], $0xffff;
	v4 =	vadd.f32 v4, v1;
	v7 =	vmul.f32 v7, v8  }
0x242: {  	v20 =	vor.u32 $0x6, v2;
	v8 =	vld.idx.msk [tilespmem:v63+s19+$0x0], $0xffff  }
0x243: {  	v21 =	vld.idx.msk [tilespmem:v17+s20+$0x0], $0xffff;
	v4 =	vadd.f32 v7, v4;
	v3 =	vmul.f32 v16, v3  }
0x244: {  	v22 =	vor.u32 $0x7, v2;
	v7 =	vld.idx.msk [tilespmem:v17+s19+$0x0], $0xffff  }
0x245: {  	v23 =	vld.idx.msk [tilespmem:v18+s20+$0x0], $0xffff;
	v3 =	vadd.f32 v3, v4;
	v4 =	vmul.f32 v5, v6  }
0x246: {  	v5 =	vld.idx.msk [tilespmem:v18+s19+$0x0], $0xffff;
	v6 =	vor.u32 $0x8, v2  }
0x247: {  	v24 =	vld.idx.msk [tilespmem:v20+s20+$0x0], $0xffff;
	v3 =	vadd.f32 v4, v3;
	v4 =	vmul.f32 v19, v8  }
0x248: {  	v25 =	vor.u32 $0x9, v2;
	v8 =	vld.idx.msk [tilespmem:v20+s19+$0x0], $0xffff  }
0x249: {  	v26 =	vld.idx.msk [tilespmem:v22+s20+$0x0], $0xffff;
	v3 =	vadd.f32 v4, v3;
	v4 =	vmul.f32 v21, v7  }
0x24a: {  	v27 =	vor.u32 $0xA, v2;
	v7 =	vld.idx.msk [tilespmem:v22+s19+$0x0], $0xffff  }
0x24b: {  	v28 =	vld.idx.msk [tilespmem:v6+s20+$0x0], $0xffff;
	v3 =	vadd.f32 v4, v3;
	v4 =	vmul.f32 v23, v5  }
0x24c: {  	v5 =	vld.idx.msk [tilespmem:v6+s19+$0x0], $0xffff;
	v6 =	vor.u32 $0xB, v2  }
0x24d: {  	v29 =	vld.idx.msk [tilespmem:v25+s20+$0x0], $0xffff;
	v3 =	vadd.f32 v4, v3;
	v4 =	vmul.f32 v24, v8  }
0x24e: {  	v30 =	vor.u32 $0xC, v2;
	v8 =	vld.idx.msk [tilespmem:v25+s19+$0x0], $0xffff  }
0x24f: {  	v31 =	vld.idx.msk [tilespmem:v27+s20+$0x0], $0xffff;
	v3 =	vadd.f32 v4, v3;
	v4 =	vmul.f32 v26, v7  }
0x250: {  	v32 =	vor.u32 $0xD, v2;
	v7 =	vld.idx.msk [tilespmem:v27+s19+$0x0], $0xffff  }
0x251: {  	v33 =	vld.idx.msk [tilespmem:v6+s20+$0x0], $0xffff;
	v3 =	vadd.f32 v4, v3;
	v4 =	vmul.f32 v28, v5  }
0x252: {  	v5 =	vld.idx.msk [tilespmem:v6+s19+$0x0], $0xffff;
	v6 =	vor.u32 $0xE, v2  }
0x253: {  	v34 =	vld.idx.msk [tilespmem:v30+s20+$0x0], $0xffff;
	v3 =	vadd.f32 v4, v3;
	v4 =	vmul.f32 v29, v8  }
0x254: {  	v35 =	vor.u32 $0xF, v2;
	v8 =	vld.idx.msk [tilespmem:v30+s19+$0x0], $0xffff  }
0x255: {  	v36 =	vld.idx.msk [tilespmem:v32+s20+$0x0], $0xffff;
	v3 =	vadd.f32 v4, v3;
	v4 =	vmul.f32 v31, v7  }
0x256: {  	v37 =	vor.u32 $0x10, v2;
	v7 =	vld.idx.msk [tilespmem:v32+s19+$0x0], $0xffff  }
0x257: {  	v38 =	vld.idx.msk [tilespmem:v6+s20+$0x0], $0xffff;
	v3 =	vadd.f32 v4, v3;
	v4 =	vmul.f32 v33, v5  }
0x258: {  	v5 =	vld.idx.msk [tilespmem:v6+s19+$0x0], $0xffff;
	v6 =	vor.u32 $0x11, v2  }
0x259: {  	v39 =	vld.idx.msk [tilespmem:v35+s20+$0x0], $0xffff;
	v3 =	vadd.f32 v4, v3;
	v4 =	vmul.f32 v34, v8  }
0x25a: {  	v40 =	vor.u32 $0x12, v2;
	v8 =	vld.idx.msk [tilespmem:v35+s19+$0x0], $0xffff  }
0x25b: {  	v41 =	vld.idx.msk [tilespmem:v37+s20+$0x0], $0xffff;
	v3 =	vadd.f32 v4, v3;
	v4 =	vmul.f32 v36, v7  }
0x25c: {  	v42 =	vor.u32 $0x13, v2;
	v7 =	vld.idx.msk [tilespmem:v37+s19+$0x0], $0xffff  }
0x25d: {  	v43 =	vld.idx.msk [tilespmem:v6+s20+$0x0], $0xffff;
	v3 =	vadd.f32 v4, v3;
	v4 =	vmul.f32 v38, v5  }
0x25e: {  	v5 =	vld.idx.msk [tilespmem:v6+s19+$0x0], $0xffff;
	v6 =	vor.u32 $0x14, v2  }
0x25f: {  	v44 =	vld.idx.msk [tilespmem:v40+s20+$0x0], $0xffff;
	v3 =	vadd.f32 v4, v3;
	v4 =	vmul.f32 v39, v8  }
0x260: {  	v45 =	vor.u32 $0x15, v2;
	v8 =	vld.idx.msk [tilespmem:v40+s19+$0x0], $0xffff  }
0x261: {  	v46 =	vld.idx.msk [tilespmem:v42+s20+$0x0], $0xffff;
	v3 =	vadd.f32 v4, v3;
	v4 =	vmul.f32 v41, v7  }
0x262: {  	v47 =	vor.u32 $0x16, v2;
	v7 =	vld.idx.msk [tilespmem:v42+s19+$0x0], $0xffff  }
0x263: {  	v48 =	vld.idx.msk [tilespmem:v6+s20+$0x0], $0xffff;
	v3 =	vadd.f32 v4, v3;
	v4 =	vmul.f32 v43, v5  }
0x264: {  	v5 =	vld.idx.msk [tilespmem:v6+s19+$0x0], $0xffff;
	v6 =	vor.u32 $0x17, v2  }
0x265: {  	v49 =	vld.idx.msk [tilespmem:v45+s20+$0x0], $0xffff;
	v3 =	vadd.f32 v4, v3;
	v4 =	vmul.f32 v44, v8  }
0x266: {  	v50 =	vor.u32 $0x18, v2;
	v8 =	vld.idx.msk [tilespmem:v45+s19+$0x0], $0xffff  }
0x267: {  	v51 =	vld.idx.msk [tilespmem:v47+s20+$0x0], $0xffff;
	v3 =	vadd.f32 v4, v3;
	v4 =	vmul.f32 v46, v7  }
0x268: {  	v52 =	vor.u32 $0x19, v2;
	v7 =	vld.idx.msk [tilespmem:v47+s19+$0x0], $0xffff  }
0x269: {  	v53 =	vld.idx.msk [tilespmem:v6+s20+$0x0], $0xffff;
	v3 =	vadd.f32 v4, v3;
	v4 =	vmul.f32 v48, v5  }
0x26a: {  	v5 =	vld.idx.msk [tilespmem:v6+s19+$0x0], $0xffff;
	v6 =	vor.u32 $0x1A, v2  }
0x26b: {  	v54 =	vld.idx.msk [tilespmem:v50+s20+$0x0], $0xffff;
	v3 =	vadd.f32 v4, v3;
	v4 =	vmul.f32 v49, v8  }
0x26c: {  	v55 =	vor.u32 $0x1B, v2;
	v8 =	vld.idx.msk [tilespmem:v50+s19+$0x0], $0xffff  }
0x26d: {  	v56 =	vld.idx.msk [tilespmem:v52+s20+$0x0], $0xffff;
	v3 =	vadd.f32 v4, v3;
	v4 =	vmul.f32 v51, v7  }
0x26e: {  	v57 =	vor.u32 $0x1C, v2;
	v7 =	vld.idx.msk [tilespmem:v52+s19+$0x0], $0xffff  }
0x26f: {  	v58 =	vld.idx.msk [tilespmem:v6+s20+$0x0], $0xffff;
	v3 =	vadd.f32 v4, v3;
	v4 =	vmul.f32 v53, v5  }
0x270: {  	v5 =	vld.idx.msk [tilespmem:v6+s19+$0x0], $0xffff;
	v6 =	vor.u32 $0x1D, v2  }
0x271: {  	v59 =	vld.idx.msk [tilespmem:v55+s20+$0x0], $0xffff;
	v3 =	vadd.f32 v4, v3;
	v4 =	vmul.f32 v54, v8  }
0x272: {  	v8 =	vld.idx.msk [tilespmem:v55+s19+$0x0], $0xffff  }
0x273: {  	v61 =	vld.idx.msk [tilespmem:v57+s20+$0x0], $0xffff;
	v3 =	vadd.f32 v4, v3;
	v4 =	vmul.f32 v56, v7  }
0x274: {  	v60 =	vor.u32 $0x1E, v2;
	v7 =	vld.idx.msk [tilespmem:v57+s19+$0x0], $0xffff  }
0x275: {  	v62 =	vld.idx.msk [tilespmem:v6+s20+$0x0], $0xffff;
	v3 =	vadd.f32 v4, v3;
	v4 =	vmul.f32 v58, v5  }
0x276: {  	v5 =	vld.idx.msk [tilespmem:v6+s19+$0x0], $0xffff;
	v6 =	vor.u32 $0x1F, v2  }
0x277: {  	v2 =	vadd.f32 v4, v3;
	v3 =	vmul.f32 v59, v8;
	_ =	sdelay $0x1  }
0x278: {  	v63 =	vld.idx.msk [tilespmem:v60+s20+$0x0], $0xffff;
	v2 =	vadd.f32 v3, v2;
	v3 =	vmul.f32 v61, v7  }
0x279: {  	v8 =	vld.idx.msk [tilespmem:v60+s19+$0x0], $0xffff  }
0x27a: {  	v4 =	vadd.f32 v3, v2;
	v2 =	vld.idx.msk [tilespmem:v6+s20+$0x0], $0xffff  }
0x27b: {  	v3 =	vld.idx.msk [tilespmem:v6+s19+$0x0], $0xffff  }
0x27c: {  	v7 =	vmul.f32 v62, v5  }
0x27d: {  	s31 =	simm.s32 $0x20  }
0x27e: {  	s30 =	simm.s32 $0x2;
	s28 =	simm.s32 $0x30;
	s26 =	simm.s32 $0x109B0;
	v5 =	vmov s31;
	v6 =	vmul.f32 v63, v8;
	v4 =	vadd.f32 v7, v4  }
.LBB2_4:
0x27f: {  	s30 =	sadd.s32 $0x2, s30;
	v5 =	vshll.u32 v5, $0x7;
	s24 =	sadd.s32 $0x20, s24;
	s25 =	sadd.s32 $0x20, s25  }
0x280: {  	v2 =	vmul.f32 v2, v3;
	p0 =	slt.u32 s30, $0xE;
	v14 =	vor.u32 v0, v5;
	v4 =	vadd.f32 v6, v4  }
0x281: {  	v3 =	vor.u32 $0x1, v14;
	v15 =	vor.u32 $0x2, v14;
	v16 =	vor.u32 $0x3, v14  }
0x282: {  	v17 =	vor.u32 $0x4, v14;
	v18 =	vor.u32 $0x5, v14;
	v2 =	vadd.f32 v2, v4  }
0x283: {  	v19 =	vor.u32 $0x6, v14;
	v20 =	vor.u32 $0x7, v14;
	v21 =	vor.u32 $0x8, v14  }
0x284: {  	v22 =	vor.u32 $0x9, v14;
	v23 =	vor.u32 $0xA, v14;
	v24 =	vor.u32 $0xB, v14;
	[tilespmem:s29+$0x0] =	vst v2;
	s29 =	smov.u32 s26  }
0x285: {  	v26 =	vor.u32 $0xC, v14;
	v27 =	vor.u32 $0xD, v14;
	v28 =	vor.u32 $0xE, v14;
	v25 =	vld.idx.msk [tilespmem:v14+s19+$0x0], $0xffff  }
0x286: {  	v30 =	vor.u32 $0xF, v14;
	v31 =	vor.u32 $0x10, v14;
	v32 =	vor.u32 $0x11, v14;
	v29 =	vld [tilespmem:s25+$0xFFFFFFF0]  }
0x287: {  	v34 =	vor.u32 $0x12, v14;
	v35 =	vor.u32 $0x13, v14;
	v13 =	vor.u32 $0x14, v14;
	v33 =	vld [tilespmem:s24+$0xFFFFFFF0]  }
0x288: {  	v12 =	vor.u32 $0x15, v14;
	v11 =	vor.u32 $0x16, v14;
	v10 =	vor.u32 $0x17, v14;
	v36 =	vld.idx.msk [tilespmem:v14+s20+$0x0], $0xffff  }
0x289: {  	v9 =	vor.u32 $0x18, v14;
	v8 =	vor.u32 $0x19, v14;
	v7 =	vor.u32 $0x1A, v14;
	v37 =	vld.idx.msk [tilespmem:v3+s20+$0x0], $0xffff  }
0x28a: {  	v6 =	vor.u32 $0x1B, v14;
	v5 =	vor.u32 $0x1C, v14;
	v4 =	vor.u32 $0x1D, v14;
	v38 =	vld.idx.msk [tilespmem:v3+s19+$0x0], $0xffff  }
0x28b: {  	v2 =	vor.u32 $0x1F, v14;
	v3 =	vor.u32 $0x1E, v14;
	v39 =	vld.idx.msk [tilespmem:v15+s20+$0x0], $0xffff  }
0x28c: {  	v14 =	vadd.f32 v33, v29;
	v15 =	vld.idx.msk [tilespmem:v15+s19+$0x0], $0xffff  }
0x28d: {  	v29 =	vld.idx.msk [tilespmem:v16+s20+$0x0], $0xffff  }
0x28e: {  	v25 =	vmul.f32 v36, v25;
	v14 =	vadd.f32 v14, v1;
	v16 =	vld.idx.msk [tilespmem:v16+s19+$0x0], $0xffff  }
0x28f: {  	v33 =	vld.idx.msk [tilespmem:v17+s20+$0x0], $0xffff  }
0x290: {  	v14 =	vadd.f32 v25, v14;
	v25 =	vmul.f32 v37, v38;
	v17 =	vld.idx.msk [tilespmem:v17+s19+$0x0], $0xffff  }
0x291: {  	v36 =	vld.idx.msk [tilespmem:v18+s20+$0x0], $0xffff  }
0x292: {  	v15 =	vmul.f32 v39, v15;
	v14 =	vadd.f32 v25, v14;
	v18 =	vld.idx.msk [tilespmem:v18+s19+$0x0], $0xffff  }
0x293: {  	v25 =	vld.idx.msk [tilespmem:v19+s20+$0x0], $0xffff  }
0x294: {  	v14 =	vadd.f32 v15, v14;
	v15 =	vmul.f32 v29, v16;
	v16 =	vld.idx.msk [tilespmem:v19+s19+$0x0], $0xffff  }
0x295: {  	v19 =	vld.idx.msk [tilespmem:v20+s20+$0x0], $0xffff  }
0x296: {  	v14 =	vadd.f32 v15, v14;
	v15 =	vmul.f32 v33, v17;
	v17 =	vld.idx.msk [tilespmem:v20+s19+$0x0], $0xffff  }
0x297: {  	v20 =	vld.idx.msk [tilespmem:v21+s20+$0x0], $0xffff  }
0x298: {  	v14 =	vadd.f32 v15, v14;
	v15 =	vmul.f32 v36, v18;
	v18 =	vld.idx.msk [tilespmem:v21+s19+$0x0], $0xffff  }
0x299: {  	v21 =	vld.idx.msk [tilespmem:v22+s20+$0x0], $0xffff  }
0x29a: {  	v14 =	vadd.f32 v15, v14;
	v15 =	vmul.f32 v25, v16;
	v16 =	vld.idx.msk [tilespmem:v22+s19+$0x0], $0xffff  }
0x29b: {  	v22 =	vld.idx.msk [tilespmem:v23+s20+$0x0], $0xffff  }
0x29c: {  	v14 =	vadd.f32 v15, v14;
	v15 =	vmul.f32 v19, v17;
	v17 =	vld.idx.msk [tilespmem:v23+s19+$0x0], $0xffff  }
0x29d: {  	v19 =	vld.idx.msk [tilespmem:v24+s20+$0x0], $0xffff  }
0x29e: {  	v14 =	vadd.f32 v15, v14;
	v15 =	vmul.f32 v20, v18;
	v18 =	vld.idx.msk [tilespmem:v24+s19+$0x0], $0xffff  }
0x29f: {  	v20 =	vld.idx.msk [tilespmem:v26+s20+$0x0], $0xffff  }
0x2a0: {  	v14 =	vadd.f32 v15, v14;
	v15 =	vmul.f32 v21, v16;
	v16 =	vld.idx.msk [tilespmem:v26+s19+$0x0], $0xffff  }
0x2a1: {  	v21 =	vld.idx.msk [tilespmem:v27+s20+$0x0], $0xffff  }
0x2a2: {  	v14 =	vadd.f32 v15, v14;
	v15 =	vmul.f32 v22, v17;
	v17 =	vld.idx.msk [tilespmem:v27+s19+$0x0], $0xffff  }
0x2a3: {  	v22 =	vld.idx.msk [tilespmem:v28+s20+$0x0], $0xffff  }
0x2a4: {  	v14 =	vadd.f32 v15, v14;
	v15 =	vmul.f32 v19, v18;
	v18 =	vld.idx.msk [tilespmem:v28+s19+$0x0], $0xffff  }
0x2a5: {  	v19 =	vld.idx.msk [tilespmem:v30+s20+$0x0], $0xffff  }
0x2a6: {  	v14 =	vadd.f32 v15, v14;
	v15 =	vmul.f32 v20, v16;
	v16 =	vld.idx.msk [tilespmem:v30+s19+$0x0], $0xffff  }
0x2a7: {  	v20 =	vld.idx.msk [tilespmem:v31+s20+$0x0], $0xffff  }
0x2a8: {  	v14 =	vadd.f32 v15, v14;
	v15 =	vmul.f32 v21, v17;
	v17 =	vld.idx.msk [tilespmem:v31+s19+$0x0], $0xffff  }
0x2a9: {  	v21 =	vld.idx.msk [tilespmem:v32+s20+$0x0], $0xffff  }
0x2aa: {  	v14 =	vadd.f32 v15, v14;
	v15 =	vmul.f32 v22, v18;
	v18 =	vld.idx.msk [tilespmem:v32+s19+$0x0], $0xffff  }
0x2ab: {  	v22 =	vld.idx.msk [tilespmem:v34+s20+$0x0], $0xffff  }
0x2ac: {  	v14 =	vadd.f32 v15, v14;
	v15 =	vmul.f32 v19, v16;
	v16 =	vld.idx.msk [tilespmem:v34+s19+$0x0], $0xffff  }
0x2ad: {  	v19 =	vld.idx.msk [tilespmem:v35+s20+$0x0], $0xffff  }
0x2ae: {  	v14 =	vadd.f32 v15, v14;
	v15 =	vmul.f32 v20, v17;
	v17 =	vld.idx.msk [tilespmem:v35+s19+$0x0], $0xffff  }
0x2af: {  	v20 =	vld.idx.msk [tilespmem:v13+s20+$0x0], $0xffff  }
0x2b0: {  	v14 =	vadd.f32 v15, v14;
	v15 =	vmul.f32 v21, v18;
	v13 =	vld.idx.msk [tilespmem:v13+s19+$0x0], $0xffff  }
0x2b1: {  	v18 =	vld.idx.msk [tilespmem:v12+s20+$0x0], $0xffff  }
0x2b2: {  	v14 =	vadd.f32 v15, v14;
	v15 =	vmul.f32 v22, v16;
	v12 =	vld.idx.msk [tilespmem:v12+s19+$0x0], $0xffff  }
0x2b3: {  	v16 =	vld.idx.msk [tilespmem:v11+s20+$0x0], $0xffff  }
0x2b4: {  	v14 =	vadd.f32 v15, v14;
	v15 =	vmul.f32 v19, v17;
	v11 =	vld.idx.msk [tilespmem:v11+s19+$0x0], $0xffff  }
0x2b5: {  	v17 =	vld.idx.msk [tilespmem:v10+s20+$0x0], $0xffff  }
0x2b6: {  	v13 =	vmul.f32 v20, v13;
	v14 =	vadd.f32 v15, v14;
	v10 =	vld.idx.msk [tilespmem:v10+s19+$0x0], $0xffff  }
0x2b7: {  	v15 =	vld.idx.msk [tilespmem:v9+s20+$0x0], $0xffff  }
0x2b8: {  	v12 =	vmul.f32 v18, v12;
	v13 =	vadd.f32 v13, v14;
	v9 =	vld.idx.msk [tilespmem:v9+s19+$0x0], $0xffff  }
0x2b9: {  	v14 =	vld.idx.msk [tilespmem:v8+s20+$0x0], $0xffff  }
0x2ba: {  	v11 =	vmul.f32 v16, v11;
	v12 =	vadd.f32 v12, v13;
	v8 =	vld.idx.msk [tilespmem:v8+s19+$0x0], $0xffff  }
0x2bb: {  	v13 =	vld.idx.msk [tilespmem:v7+s20+$0x0], $0xffff  }
0x2bc: {  	v10 =	vmul.f32 v17, v10;
	v11 =	vadd.f32 v11, v12;
	v7 =	vld.idx.msk [tilespmem:v7+s19+$0x0], $0xffff  }
0x2bd: {  	v12 =	vld.idx.msk [tilespmem:v6+s20+$0x0], $0xffff  }
0x2be: {  	v9 =	vmul.f32 v15, v9;
	v10 =	vadd.f32 v10, v11;
	v6 =	vld.idx.msk [tilespmem:v6+s19+$0x0], $0xffff  }
0x2bf: {  	v11 =	vld.idx.msk [tilespmem:v5+s20+$0x0], $0xffff  }
0x2c0: {  	v8 =	vmul.f32 v14, v8;
	v9 =	vadd.f32 v9, v10;
	v5 =	vld.idx.msk [tilespmem:v5+s19+$0x0], $0xffff  }
0x2c1: {  	v10 =	vld.idx.msk [tilespmem:v4+s20+$0x0], $0xffff  }
0x2c2: {  	v7 =	vmul.f32 v13, v7;
	v8 =	vadd.f32 v8, v9;
	v4 =	vld.idx.msk [tilespmem:v4+s19+$0x0], $0xffff  }
0x2c3: {  	v9 =	vld.idx.msk [tilespmem:v3+s20+$0x0], $0xffff  }
0x2c4: {  	v6 =	vmul.f32 v12, v6;
	v7 =	vadd.f32 v7, v8;
	v3 =	vld.idx.msk [tilespmem:v3+s19+$0x0], $0xffff  }
0x2c5: {  	v8 =	vld.idx.msk [tilespmem:v2+s20+$0x0], $0xffff  }
0x2c6: {  	v5 =	vmul.f32 v11, v5;
	v6 =	vadd.f32 v6, v7;
	v2 =	vld.idx.msk [tilespmem:v2+s19+$0x0], $0xffff;
	_ =	sdelay $0x1  }
0x2c7: {  	v4 =	vmul.f32 v10, v4;
	v5 =	vadd.f32 v5, v6;
	_ =	sdelay $0x1  }
0x2c8: {  	v3 =	vmul.f32 v9, v3;
	v4 =	vadd.f32 v4, v5;
	_ =	sdelay $0x1  }
0x2c9: {  	v2 =	vmul.f32 v8, v2;
	v3 =	vadd.f32 v3, v4;
	v4 =	vmov s28  }
0x2ca: {  	v4 =	vshll.u32 v4, $0x7  }
0x2cb: {  	v3 =	vadd.f32 v2, v3;
	v2 =	vor.u32 v0, v4;
	_ =	sdelay $0x1  }
0x2cc: {  	[tilespmem:s26+$0xFFFFFFF0] =	vst v3;
	v3 =	vor.u32 $0x1, v2  }
0x2cd: {  	v4 =	vld [tilespmem:s25+$0x0]  }
0x2ce: {  	v6 =	vor.u32 $0x2, v2;
	v5 =	vld [tilespmem:s24+$0x0]  }
0x2cf: {  	v7 =	vld.idx.msk [tilespmem:v2+s20+$0x0], $0xffff  }
0x2d0: {  	v9 =	vor.u32 $0x3, v2;
	v8 =	vld.idx.msk [tilespmem:v2+s19+$0x0], $0xffff  }
0x2d1: {  	v10 =	vld.idx.msk [tilespmem:v3+s20+$0x0], $0xffff  }
0x2d2: {  	v11 =	vor.u32 $0x4, v2;
	v3 =	vld.idx.msk [tilespmem:v3+s19+$0x0], $0xffff  }
0x2d3: {  	v4 =	vadd.f32 v5, v4;
	v5 =	vld.idx.msk [tilespmem:v6+s20+$0x0], $0xffff  }
0x2d4: {  	v12 =	vor.u32 $0x5, v2;
	v6 =	vld.idx.msk [tilespmem:v6+s19+$0x0], $0xffff  }
0x2d5: {  	v13 =	vld.idx.msk [tilespmem:v9+s20+$0x0], $0xffff  }
0x2d6: {  	v4 =	vadd.f32 v4, v1;
	v7 =	vmul.f32 v7, v8;
	v8 =	vld.idx.msk [tilespmem:v9+s19+$0x0], $0xffff;
	v9 =	vor.u32 $0x6, v2  }
0x2d7: {  	v14 =	vld.idx.msk [tilespmem:v11+s20+$0x0], $0xffff  }
0x2d8: {  	v4 =	vadd.f32 v7, v4;
	v3 =	vmul.f32 v10, v3;
	v10 =	vor.u32 $0x7, v2;
	v7 =	vld.idx.msk [tilespmem:v11+s19+$0x0], $0xffff  }
0x2d9: {  	v11 =	vld.idx.msk [tilespmem:v12+s20+$0x0], $0xffff  }
0x2da: {  	v3 =	vadd.f32 v3, v4;
	v4 =	vmul.f32 v5, v6;
	v6 =	vor.u32 $0x8, v2;
	v5 =	vld.idx.msk [tilespmem:v12+s19+$0x0], $0xffff  }
0x2db: {  	v12 =	vld.idx.msk [tilespmem:v9+s20+$0x0], $0xffff  }
0x2dc: {  	v3 =	vadd.f32 v4, v3;
	v4 =	vmul.f32 v13, v8;
	v8 =	vld.idx.msk [tilespmem:v9+s19+$0x0], $0xffff;
	v9 =	vor.u32 $0x9, v2  }
0x2dd: {  	v13 =	vld.idx.msk [tilespmem:v10+s20+$0x0], $0xffff  }
0x2de: {  	v3 =	vadd.f32 v4, v3;
	v4 =	vmul.f32 v14, v7;
	v7 =	vld.idx.msk [tilespmem:v10+s19+$0x0], $0xffff;
	v10 =	vor.u32 $0xA, v2  }
0x2df: {  	v14 =	vld.idx.msk [tilespmem:v6+s20+$0x0], $0xffff  }
0x2e0: {  	v3 =	vadd.f32 v4, v3;
	v4 =	vmul.f32 v11, v5;
	v5 =	vld.idx.msk [tilespmem:v6+s19+$0x0], $0xffff;
	v6 =	vor.u32 $0xB, v2  }
0x2e1: {  	v11 =	vld.idx.msk [tilespmem:v9+s20+$0x0], $0xffff  }
0x2e2: {  	v3 =	vadd.f32 v4, v3;
	v4 =	vmul.f32 v12, v8;
	v8 =	vld.idx.msk [tilespmem:v9+s19+$0x0], $0xffff;
	v9 =	vor.u32 $0xC, v2  }
0x2e3: {  	v12 =	vld.idx.msk [tilespmem:v10+s20+$0x0], $0xffff  }
0x2e4: {  	v3 =	vadd.f32 v4, v3;
	v4 =	vmul.f32 v13, v7;
	v7 =	vld.idx.msk [tilespmem:v10+s19+$0x0], $0xffff;
	v10 =	vor.u32 $0xD, v2  }
0x2e5: {  	v13 =	vld.idx.msk [tilespmem:v6+s20+$0x0], $0xffff  }
0x2e6: {  	v3 =	vadd.f32 v4, v3;
	v4 =	vmul.f32 v14, v5;
	v5 =	vld.idx.msk [tilespmem:v6+s19+$0x0], $0xffff;
	v6 =	vor.u32 $0xE, v2  }
0x2e7: {  	v14 =	vld.idx.msk [tilespmem:v9+s20+$0x0], $0xffff  }
0x2e8: {  	v3 =	vadd.f32 v4, v3;
	v4 =	vmul.f32 v11, v8;
	v8 =	vld.idx.msk [tilespmem:v9+s19+$0x0], $0xffff;
	v9 =	vor.u32 $0xF, v2  }
0x2e9: {  	v11 =	vld.idx.msk [tilespmem:v10+s20+$0x0], $0xffff  }
0x2ea: {  	v3 =	vadd.f32 v4, v3;
	v4 =	vmul.f32 v12, v7;
	v7 =	vld.idx.msk [tilespmem:v10+s19+$0x0], $0xffff;
	v10 =	vor.u32 $0x10, v2  }
0x2eb: {  	v12 =	vld.idx.msk [tilespmem:v6+s20+$0x0], $0xffff  }
0x2ec: {  	v3 =	vadd.f32 v4, v3;
	v4 =	vmul.f32 v13, v5;
	v5 =	vld.idx.msk [tilespmem:v6+s19+$0x0], $0xffff;
	v6 =	vor.u32 $0x11, v2  }
0x2ed: {  	v13 =	vld.idx.msk [tilespmem:v9+s20+$0x0], $0xffff  }
0x2ee: {  	v3 =	vadd.f32 v4, v3;
	v4 =	vmul.f32 v14, v8;
	v8 =	vld.idx.msk [tilespmem:v9+s19+$0x0], $0xffff;
	v9 =	vor.u32 $0x12, v2  }
0x2ef: {  	v14 =	vld.idx.msk [tilespmem:v10+s20+$0x0], $0xffff  }
0x2f0: {  	v3 =	vadd.f32 v4, v3;
	v4 =	vmul.f32 v11, v7;
	v7 =	vld.idx.msk [tilespmem:v10+s19+$0x0], $0xffff;
	v10 =	vor.u32 $0x13, v2  }
0x2f1: {  	v11 =	vld.idx.msk [tilespmem:v6+s20+$0x0], $0xffff  }
0x2f2: {  	v3 =	vadd.f32 v4, v3;
	v4 =	vmul.f32 v12, v5;
	v5 =	vld.idx.msk [tilespmem:v6+s19+$0x0], $0xffff;
	v6 =	vor.u32 $0x14, v2  }
0x2f3: {  	v12 =	vld.idx.msk [tilespmem:v9+s20+$0x0], $0xffff  }
0x2f4: {  	v3 =	vadd.f32 v4, v3;
	v4 =	vmul.f32 v13, v8;
	v8 =	vld.idx.msk [tilespmem:v9+s19+$0x0], $0xffff;
	v9 =	vor.u32 $0x15, v2  }
0x2f5: {  	v13 =	vld.idx.msk [tilespmem:v10+s20+$0x0], $0xffff  }
0x2f6: {  	v3 =	vadd.f32 v4, v3;
	v4 =	vmul.f32 v14, v7;
	v7 =	vld.idx.msk [tilespmem:v10+s19+$0x0], $0xffff;
	v10 =	vor.u32 $0x16, v2  }
0x2f7: {  	v14 =	vld.idx.msk [tilespmem:v6+s20+$0x0], $0xffff  }
0x2f8: {  	v3 =	vadd.f32 v4, v3;
	v4 =	vmul.f32 v11, v5;
	v5 =	vld.idx.msk [tilespmem:v6+s19+$0x0], $0xffff;
	v6 =	vor.u32 $0x17, v2  }
0x2f9: {  	v11 =	vld.idx.msk [tilespmem:v9+s20+$0x0], $0xffff  }
0x2fa: {  	v3 =	vadd.f32 v4, v3;
	v4 =	vmul.f32 v12, v8;
	v8 =	vld.idx.msk [tilespmem:v9+s19+$0x0], $0xffff;
	v9 =	vor.u32 $0x18, v2  }
0x2fb: {  	v12 =	vld.idx.msk [tilespmem:v10+s20+$0x0], $0xffff  }
0x2fc: {  	v3 =	vadd.f32 v4, v3;
	v4 =	vmul.f32 v13, v7;
	v7 =	vld.idx.msk [tilespmem:v10+s19+$0x0], $0xffff;
	v10 =	vor.u32 $0x19, v2  }
0x2fd: {  	v13 =	vld.idx.msk [tilespmem:v6+s20+$0x0], $0xffff  }
0x2fe: {  	v3 =	vadd.f32 v4, v3;
	v4 =	vmul.f32 v14, v5;
	v5 =	vld.idx.msk [tilespmem:v6+s19+$0x0], $0xffff;
	v6 =	vor.u32 $0x1A, v2  }
0x2ff: {  	v14 =	vld.idx.msk [tilespmem:v9+s20+$0x0], $0xffff  }
0x300: {  	v3 =	vadd.f32 v4, v3;
	v4 =	vmul.f32 v11, v8;
	v8 =	vld.idx.msk [tilespmem:v9+s19+$0x0], $0xffff;
	v9 =	vor.u32 $0x1B, v2  }
0x301: {  	v11 =	vld.idx.msk [tilespmem:v10+s20+$0x0], $0xffff  }
0x302: {  	v3 =	vadd.f32 v4, v3;
	v4 =	vmul.f32 v12, v7;
	v7 =	vld.idx.msk [tilespmem:v10+s19+$0x0], $0xffff;
	v10 =	vor.u32 $0x1C, v2  }
0x303: {  	v12 =	vld.idx.msk [tilespmem:v6+s20+$0x0], $0xffff  }
0x304: {  	v3 =	vadd.f32 v4, v3;
	v4 =	vmul.f32 v13, v5;
	v5 =	vld.idx.msk [tilespmem:v6+s19+$0x0], $0xffff;
	v6 =	vor.u32 $0x1D, v2  }
0x305: {  	v13 =	vld.idx.msk [tilespmem:v9+s20+$0x0], $0xffff  }
0x306: {  	v3 =	vadd.f32 v4, v3;
	v4 =	vmul.f32 v14, v8;
	v8 =	vld.idx.msk [tilespmem:v9+s19+$0x0], $0xffff;
	v9 =	vor.u32 $0x1E, v2  }
0x307: {  	v14 =	vld.idx.msk [tilespmem:v10+s20+$0x0], $0xffff  }
0x308: {  	v3 =	vadd.f32 v4, v3;
	v4 =	vmul.f32 v11, v7;
	v7 =	vld.idx.msk [tilespmem:v10+s19+$0x0], $0xffff;
	v10 =	vor.u32 $0x1F, v2  }
0x309: {  	v11 =	vld.idx.msk [tilespmem:v6+s20+$0x0], $0xffff  }
0x30a: {  	v2 =	vadd.f32 v4, v3;
	v3 =	vmul.f32 v12, v5;
	v4 =	vld.idx.msk [tilespmem:v6+s19+$0x0], $0xffff  }
0x30b: {  	v6 =	vld.idx.msk [tilespmem:v9+s20+$0x0], $0xffff  }
0x30c: {  	v3 =	vadd.f32 v3, v2;
	v5 =	vmul.f32 v13, v8;
	v8 =	vld.idx.msk [tilespmem:v9+s19+$0x0], $0xffff  }
0x30d: {  	v2 =	vld.idx.msk [tilespmem:v10+s20+$0x0], $0xffff  }
.Ltmp1:
0x30e: {  	v5 =	vadd.f32 v5, v3;
	v7 =	vmul.f32 v14, v7;
	v3 =	vld.idx.msk [tilespmem:v10+s19+$0x0], $0xffff;
	(pc) =	sbr.rel @p0 .LBB2_4-.Ltmp1, $4  }
0x30f: {  	_ = 	snop  }
0x310: {  	s28 =	sadd.s32 $0x20, s28;
	v7 =	vadd.f32 v7, v5;
	v4 =	vmul.f32 v11, v4  }
0x311: {  	s31 =	sadd.s32 $0xFFFFFFF0, s28  }
0x312: {  	s26 =	sadd.s32 $0x20, s26;
	v5 =	vmov s31;
	v4 =	vadd.f32 v4, v7;
	v6 =	vmul.f32 v6, v8  }
0x313: {  	_ = 	snop  }
0x314: {  	v3 =	vmul.f32 v2, v3;
	v4 =	vadd.f32 v6, v4  }
0x315: {  	v2 =	vshll.u32 v5, $0x7  }
0x316: {  	v2 =	vor.u32 v0, v2;
	v3 =	vadd.f32 v3, v4;
	_ =	sdelay $0x1  }
0x317: {  	s25 =	sadd.s32 $0x20, s25;
	v28 =	vor.u32 $0x1, v2;
	[tilespmem:s29+$0x0] =	vst v3  }
0x318: {  	s24 =	sadd.s32 $0x20, s24;
	v3 =	vld [tilespmem:s25+$0xFFFFFFF0]  }
0x319: {  	v29 =	vor.u32 $0x2, v2;
	v30 =	vld [tilespmem:s24+$0xFFFFFFF0]  }
0x31a: {  	v7 =	vld.idx.msk [tilespmem:v2+s19+$0x0], $0xffff  }
0x31b: {  	v8 =	vor.u32 $0x3, v2;
	v9 =	vld.idx.msk [tilespmem:v2+s20+$0x0], $0xffff  }
0x31c: {  	v10 =	vld.idx.msk [tilespmem:v28+s20+$0x0], $0xffff  }
0x31d: {  	v11 =	vor.u32 $0x4, v2;
	v4 =	vld.idx.msk [tilespmem:v28+s19+$0x0], $0xffff  }
0x31e: {  	v12 =	vld.idx.msk [tilespmem:v29+s20+$0x0], $0xffff;
	v3 =	vadd.f32 v30, v3  }
0x31f: {  	v31 =	vor.u32 $0x5, v2;
	v5 =	vld.idx.msk [tilespmem:v29+s19+$0x0], $0xffff  }
0x320: {  	v13 =	vld.idx.msk [tilespmem:v8+s20+$0x0], $0xffff;
	v7 =	vmul.f32 v9, v7;
	v3 =	vadd.f32 v3, v1  }
0x321: {  	v32 =	vor.u32 $0x6, v2;
	v8 =	vld.idx.msk [tilespmem:v8+s19+$0x0], $0xffff  }
0x322: {  	v14 =	vld.idx.msk [tilespmem:v11+s20+$0x0], $0xffff;
	v4 =	vmul.f32 v10, v4;
	v3 =	vadd.f32 v7, v3  }
0x323: {  	v33 =	vor.u32 $0x7, v2;
	v34 =	vld.idx.msk [tilespmem:v11+s19+$0x0], $0xffff  }
0x324: {  	v35 =	vld.idx.msk [tilespmem:v31+s20+$0x0], $0xffff;
	v36 =	vmul.f32 v12, v5;
	v3 =	vadd.f32 v4, v3  }
0x325: {  	v37 =	vor.u32 $0x8, v2;
	v6 =	vld.idx.msk [tilespmem:v31+s19+$0x0], $0xffff  }
0x326: {  	v38 =	vld.idx.msk [tilespmem:v32+s20+$0x0], $0xffff;
	v39 =	vmul.f32 v13, v8;
	v3 =	vadd.f32 v36, v3  }
0x327: {  	v40 =	vor.u32 $0x9, v2;
	v9 =	vld.idx.msk [tilespmem:v32+s19+$0x0], $0xffff  }
0x328: {  	v41 =	vld.idx.msk [tilespmem:v33+s20+$0x0], $0xffff;
	v42 =	vmul.f32 v14, v34;
	v3 =	vadd.f32 v39, v3  }
0x329: {  	v43 =	vor.u32 $0xA, v2;
	v7 =	vld.idx.msk [tilespmem:v33+s19+$0x0], $0xffff  }
0x32a: {  	v44 =	vld.idx.msk [tilespmem:v37+s20+$0x0], $0xffff;
	v45 =	vmul.f32 v35, v6;
	v3 =	vadd.f32 v42, v3  }
0x32b: {  	v46 =	vor.u32 $0xB, v2;
	v5 =	vld.idx.msk [tilespmem:v37+s19+$0x0], $0xffff  }
0x32c: {  	v47 =	vld.idx.msk [tilespmem:v40+s20+$0x0], $0xffff;
	v48 =	vmul.f32 v38, v9;
	v3 =	vadd.f32 v45, v3  }
0x32d: {  	v49 =	vor.u32 $0xC, v2;
	v8 =	vld.idx.msk [tilespmem:v40+s19+$0x0], $0xffff  }
0x32e: {  	v50 =	vld.idx.msk [tilespmem:v43+s20+$0x0], $0xffff;
	v51 =	vmul.f32 v41, v7;
	v3 =	vadd.f32 v48, v3  }
0x32f: {  	v52 =	vor.u32 $0xD, v2;
	v10 =	vld.idx.msk [tilespmem:v43+s19+$0x0], $0xffff  }
0x330: {  	v53 =	vld.idx.msk [tilespmem:v46+s20+$0x0], $0xffff;
	v54 =	vmul.f32 v44, v5;
	v3 =	vadd.f32 v51, v3  }
0x331: {  	v55 =	vor.u32 $0xE, v2;
	v6 =	vld.idx.msk [tilespmem:v46+s19+$0x0], $0xffff  }
0x332: {  	v56 =	vld.idx.msk [tilespmem:v49+s20+$0x0], $0xffff;
	v57 =	vmul.f32 v47, v8;
	v3 =	vadd.f32 v54, v3  }
0x333: {  	v58 =	vor.u32 $0xF, v2;
	v9 =	vld.idx.msk [tilespmem:v49+s19+$0x0], $0xffff  }
0x334: {  	v59 =	vld.idx.msk [tilespmem:v52+s20+$0x0], $0xffff;
	v60 =	vmul.f32 v50, v10;
	v3 =	vadd.f32 v57, v3  }
0x335: {  	v61 =	vor.u32 $0x10, v2;
	v7 =	vld.idx.msk [tilespmem:v52+s19+$0x0], $0xffff  }
0x336: {  	v62 =	vld.idx.msk [tilespmem:v55+s20+$0x0], $0xffff;
	v63 =	vmul.f32 v53, v6;
	v3 =	vadd.f32 v60, v3  }
0x337: {  	v16 =	vor.u32 $0x11, v2;
	v5 =	vld.idx.msk [tilespmem:v55+s19+$0x0], $0xffff  }
0x338: {  	v17 =	vld.idx.msk [tilespmem:v58+s20+$0x0], $0xffff;
	v18 =	vmul.f32 v56, v9;
	v3 =	vadd.f32 v63, v3  }
0x339: {  	v19 =	vor.u32 $0x12, v2;
	v8 =	vld.idx.msk [tilespmem:v58+s19+$0x0], $0xffff  }
0x33a: {  	v20 =	vld.idx.msk [tilespmem:v61+s20+$0x0], $0xffff;
	v21 =	vmul.f32 v59, v7;
	v3 =	vadd.f32 v18, v3  }
0x33b: {  	v22 =	vor.u32 $0x13, v2;
	v10 =	vld.idx.msk [tilespmem:v61+s19+$0x0], $0xffff  }
0x33c: {  	v23 =	vld.idx.msk [tilespmem:v16+s20+$0x0], $0xffff;
	v24 =	vmul.f32 v62, v5;
	v3 =	vadd.f32 v21, v3  }
0x33d: {  	v25 =	vor.u32 $0x14, v2;
	v6 =	vld.idx.msk [tilespmem:v16+s19+$0x0], $0xffff  }
0x33e: {  	v26 =	vld.idx.msk [tilespmem:v19+s20+$0x0], $0xffff;
	v27 =	vmul.f32 v17, v8;
	v3 =	vadd.f32 v24, v3  }
0x33f: {  	v28 =	vor.u32 $0x15, v2;
	v9 =	vld.idx.msk [tilespmem:v19+s19+$0x0], $0xffff  }
0x340: {  	v29 =	vld.idx.msk [tilespmem:v22+s20+$0x0], $0xffff;
	v30 =	vmul.f32 v20, v10;
	v3 =	vadd.f32 v27, v3  }
0x341: {  	v31 =	vor.u32 $0x16, v2;
	v7 =	vld.idx.msk [tilespmem:v22+s19+$0x0], $0xffff  }
0x342: {  	v32 =	vld.idx.msk [tilespmem:v25+s20+$0x0], $0xffff;
	v33 =	vmul.f32 v23, v6;
	v3 =	vadd.f32 v30, v3  }
0x343: {  	v34 =	vor.u32 $0x17, v2;
	v5 =	vld.idx.msk [tilespmem:v25+s19+$0x0], $0xffff  }
0x344: {  	v35 =	vld.idx.msk [tilespmem:v28+s20+$0x0], $0xffff;
	v36 =	vmul.f32 v26, v9;
	v3 =	vadd.f32 v33, v3  }
0x345: {  	v37 =	vor.u32 $0x18, v2;
	v8 =	vld.idx.msk [tilespmem:v28+s19+$0x0], $0xffff  }
0x346: {  	v38 =	vld.idx.msk [tilespmem:v31+s20+$0x0], $0xffff;
	v39 =	vmul.f32 v29, v7;
	v3 =	vadd.f32 v36, v3  }
0x347: {  	v40 =	vor.u32 $0x19, v2;
	v10 =	vld.idx.msk [tilespmem:v31+s19+$0x0], $0xffff  }
0x348: {  	v41 =	vld.idx.msk [tilespmem:v34+s20+$0x0], $0xffff;
	v42 =	vmul.f32 v32, v5;
	v3 =	vadd.f32 v39, v3  }
0x349: {  	v43 =	vor.u32 $0x1A, v2;
	v6 =	vld.idx.msk [tilespmem:v34+s19+$0x0], $0xffff  }
0x34a: {  	v44 =	vld.idx.msk [tilespmem:v37+s20+$0x0], $0xffff;
	v45 =	vmul.f32 v35, v8;
	v3 =	vadd.f32 v42, v3  }
0x34b: {  	v46 =	vor.u32 $0x1B, v2;
	v9 =	vld.idx.msk [tilespmem:v37+s19+$0x0], $0xffff  }
0x34c: {  	v47 =	vld.idx.msk [tilespmem:v40+s20+$0x0], $0xffff;
	v48 =	vmul.f32 v38, v10;
	v3 =	vadd.f32 v45, v3  }
0x34d: {  	v49 =	vor.u32 $0x1C, v2;
	v7 =	vld.idx.msk [tilespmem:v40+s19+$0x0], $0xffff  }
0x34e: {  	v50 =	vld.idx.msk [tilespmem:v43+s20+$0x0], $0xffff;
	v51 =	vmul.f32 v41, v6;
	v3 =	vadd.f32 v48, v3  }
0x34f: {  	v52 =	vor.u32 $0x1D, v2;
	v5 =	vld.idx.msk [tilespmem:v43+s19+$0x0], $0xffff  }
0x350: {  	v53 =	vld.idx.msk [tilespmem:v46+s20+$0x0], $0xffff;
	v54 =	vmul.f32 v44, v9;
	v3 =	vadd.f32 v51, v3  }
0x351: {  	v55 =	vor.u32 $0x1E, v2;
	v8 =	vld.idx.msk [tilespmem:v46+s19+$0x0], $0xffff  }
0x352: {  	v56 =	vld.idx.msk [tilespmem:v49+s20+$0x0], $0xffff;
	v57 =	vmul.f32 v47, v7;
	v3 =	vadd.f32 v54, v3  }
0x353: {  	v2 =	vor.u32 $0x1F, v2;
	v58 =	vld.idx.msk [tilespmem:v49+s19+$0x0], $0xffff  }
0x354: {  	v59 =	vld.idx.msk [tilespmem:v52+s20+$0x0], $0xffff;
	v60 =	vmul.f32 v50, v5;
	v3 =	vadd.f32 v57, v3  }
0x355: {  	v61 =	vld.idx.msk [tilespmem:v52+s19+$0x0], $0xffff  }
0x356: {  	v62 =	vld.idx.msk [tilespmem:v55+s20+$0x0], $0xffff;
	v63 =	vmul.f32 v53, v8;
	v3 =	vadd.f32 v60, v3  }
0x357: {  	v12 =	vld.idx.msk [tilespmem:v55+s19+$0x0], $0xffff  }
0x358: {  	v13 =	vld.idx.msk [tilespmem:v2+s20+$0x0], $0xffff;
	v15 =	vmul.f32 v56, v58;
	v3 =	vadd.f32 v63, v3  }
0x359: {  	v2 =	vld.idx.msk [tilespmem:v2+s19+$0x0], $0xffff  }
0x35a: {  	v16 =	vmul.f32 v59, v61;
	v3 =	vadd.f32 v15, v3;
	_ =	sdelay $0x1  }
0x35b: {  	v17 =	vmul.f32 v62, v12;
	v3 =	vadd.f32 v16, v3;
	_ =	sdelay $0x1  }
0x35c: {  	v2 =	vmul.f32 v13, v2;
	v18 =	vmov s28;
	v3 =	vadd.f32 v17, v3  }
0x35d: {  	v4 =	vshll.u32 v18, $0x7  }
0x35e: {  	v3 =	vadd.f32 v2, v3;
	v2 =	vor.u32 v0, v4;
	_ =	sdelay $0x1  }
0x35f: {  	[tilespmem:s26+$0xFFFFFFF0] =	vst v3;
	v3 =	vor.u32 $0x1, v2  }
0x360: {  	v19 =	vld [tilespmem:s25+$0x0]  }
0x361: {  	v21 =	vor.u32 $0x2, v2;
	v20 =	vld [tilespmem:s24+$0x0]  }
0x362: {  	v22 =	vld.idx.msk [tilespmem:v2+s20+$0x0], $0xffff  }
0x363: {  	v24 =	vor.u32 $0x3, v2;
	v23 =	vld.idx.msk [tilespmem:v2+s19+$0x0], $0xffff  }
0x364: {  	v25 =	vld.idx.msk [tilespmem:v3+s20+$0x0], $0xffff  }
0x365: {  	v26 =	vor.u32 $0x4, v2;
	v3 =	vld.idx.msk [tilespmem:v3+s19+$0x0], $0xffff  }
0x366: {  	v27 =	vld.idx.msk [tilespmem:v21+s20+$0x0], $0xffff;
	v4 =	vadd.f32 v20, v19  }
0x367: {  	v28 =	vor.u32 $0x5, v2;
	v6 =	vld.idx.msk [tilespmem:v21+s19+$0x0], $0xffff  }
0x368: {  	v29 =	vld.idx.msk [tilespmem:v24+s20+$0x0], $0xffff;
	v1 =	vadd.f32 v4, v1;
	v30 =	vmul.f32 v22, v23  }
0x369: {  	v32 =	vor.u32 $0x6, v2;
	v31 =	vld.idx.msk [tilespmem:v24+s19+$0x0], $0xffff  }
0x36a: {  	v33 =	vld.idx.msk [tilespmem:v26+s20+$0x0], $0xffff;
	v1 =	vadd.f32 v30, v1;
	v3 =	vmul.f32 v25, v3  }
0x36b: {  	v35 =	vor.u32 $0x7, v2;
	v34 =	vld.idx.msk [tilespmem:v26+s19+$0x0], $0xffff  }
0x36c: {  	v36 =	vld.idx.msk [tilespmem:v28+s20+$0x0], $0xffff;
	v1 =	vadd.f32 v3, v1;
	v3 =	vmul.f32 v27, v6  }
0x36d: {  	v38 =	vor.u32 $0x8, v2;
	v37 =	vld.idx.msk [tilespmem:v28+s19+$0x0], $0xffff  }
0x36e: {  	v39 =	vld.idx.msk [tilespmem:v32+s20+$0x0], $0xffff;
	v1 =	vadd.f32 v3, v1;
	v3 =	vmul.f32 v29, v31  }
0x36f: {  	v41 =	vor.u32 $0x9, v2;
	v40 =	vld.idx.msk [tilespmem:v32+s19+$0x0], $0xffff  }
0x370: {  	v42 =	vld.idx.msk [tilespmem:v35+s20+$0x0], $0xffff;
	v1 =	vadd.f32 v3, v1;
	v3 =	vmul.f32 v33, v34  }
0x371: {  	v44 =	vor.u32 $0xA, v2;
	v43 =	vld.idx.msk [tilespmem:v35+s19+$0x0], $0xffff  }
0x372: {  	v45 =	vld.idx.msk [tilespmem:v38+s20+$0x0], $0xffff;
	v1 =	vadd.f32 v3, v1;
	v3 =	vmul.f32 v36, v37  }
0x373: {  	v47 =	vor.u32 $0xB, v2;
	v46 =	vld.idx.msk [tilespmem:v38+s19+$0x0], $0xffff  }
0x374: {  	v48 =	vld.idx.msk [tilespmem:v41+s20+$0x0], $0xffff;
	v1 =	vadd.f32 v3, v1;
	v3 =	vmul.f32 v39, v40  }
0x375: {  	v50 =	vor.u32 $0xC, v2;
	v49 =	vld.idx.msk [tilespmem:v41+s19+$0x0], $0xffff  }
0x376: {  	v51 =	vld.idx.msk [tilespmem:v44+s20+$0x0], $0xffff;
	v1 =	vadd.f32 v3, v1;
	v3 =	vmul.f32 v42, v43  }
0x377: {  	v53 =	vor.u32 $0xD, v2;
	v52 =	vld.idx.msk [tilespmem:v44+s19+$0x0], $0xffff  }
0x378: {  	v54 =	vld.idx.msk [tilespmem:v47+s20+$0x0], $0xffff;
	v1 =	vadd.f32 v3, v1;
	v3 =	vmul.f32 v45, v46  }
0x379: {  	v56 =	vor.u32 $0xE, v2;
	v55 =	vld.idx.msk [tilespmem:v47+s19+$0x0], $0xffff  }
0x37a: {  	v57 =	vld.idx.msk [tilespmem:v50+s20+$0x0], $0xffff;
	v1 =	vadd.f32 v3, v1;
	v3 =	vmul.f32 v48, v49  }
0x37b: {  	v59 =	vor.u32 $0xF, v2;
	v58 =	vld.idx.msk [tilespmem:v50+s19+$0x0], $0xffff  }
0x37c: {  	v60 =	vld.idx.msk [tilespmem:v53+s20+$0x0], $0xffff;
	v1 =	vadd.f32 v3, v1;
	v3 =	vmul.f32 v51, v52  }
0x37d: {  	v62 =	vor.u32 $0x10, v2;
	v61 =	vld.idx.msk [tilespmem:v53+s19+$0x0], $0xffff  }
0x37e: {  	v63 =	vld.idx.msk [tilespmem:v56+s20+$0x0], $0xffff;
	v1 =	vadd.f32 v3, v1;
	v3 =	vmul.f32 v54, v55  }
0x37f: {  	v17 =	vor.u32 $0x11, v2;
	v16 =	vld.idx.msk [tilespmem:v56+s19+$0x0], $0xffff  }
0x380: {  	v18 =	vld.idx.msk [tilespmem:v59+s20+$0x0], $0xffff;
	v1 =	vadd.f32 v3, v1;
	v3 =	vmul.f32 v57, v58  }
0x381: {  	v19 =	vld.idx.msk [tilespmem:v59+s19+$0x0], $0xffff;
	v20 =	vor.u32 $0x12, v2  }
0x382: {  	v21 =	vld.idx.msk [tilespmem:v62+s20+$0x0], $0xffff;
	v1 =	vadd.f32 v3, v1;
	v3 =	vmul.f32 v60, v61  }
0x383: {  	v22 =	vld.idx.msk [tilespmem:v62+s19+$0x0], $0xffff;
	v23 =	vor.u32 $0x13, v2  }
0x384: {  	v24 =	vld.idx.msk [tilespmem:v17+s20+$0x0], $0xffff;
	v1 =	vadd.f32 v3, v1;
	v3 =	vmul.f32 v63, v16  }
0x385: {  	v26 =	vor.u32 $0x14, v2;
	v25 =	vld.idx.msk [tilespmem:v17+s19+$0x0], $0xffff  }
0x386: {  	v28 =	vld.idx.msk [tilespmem:v20+s19+$0x0], $0xffff;
	v1 =	vadd.f32 v3, v1;
	v3 =	vmul.f32 v18, v19  }
0x387: {  	v27 =	vld.idx.msk [tilespmem:v20+s20+$0x0], $0xffff;
	v29 =	vor.u32 $0x15, v2  }
0x388: {  	v30 =	vld.idx.msk [tilespmem:v23+s20+$0x0], $0xffff;
	v1 =	vadd.f32 v3, v1;
	v3 =	vmul.f32 v21, v22  }
0x389: {  	v32 =	vor.u32 $0x16, v2;
	v31 =	vld.idx.msk [tilespmem:v23+s19+$0x0], $0xffff  }
0x38a: {  	v33 =	vld.idx.msk [tilespmem:v26+s20+$0x0], $0xffff;
	v1 =	vadd.f32 v3, v1;
	v3 =	vmul.f32 v24, v25  }
0x38b: {  	v35 =	vor.u32 $0x17, v2;
	v34 =	vld.idx.msk [tilespmem:v26+s19+$0x0], $0xffff  }
0x38c: {  	v36 =	vld.idx.msk [tilespmem:v29+s20+$0x0], $0xffff;
	v1 =	vadd.f32 v3, v1;
	v3 =	vmul.f32 v27, v28  }
0x38d: {  	v38 =	vor.u32 $0x18, v2;
	v37 =	vld.idx.msk [tilespmem:v29+s19+$0x0], $0xffff  }
0x38e: {  	v39 =	vld.idx.msk [tilespmem:v32+s20+$0x0], $0xffff;
	v1 =	vadd.f32 v3, v1;
	v3 =	vmul.f32 v30, v31  }
0x38f: {  	v41 =	vor.u32 $0x19, v2;
	v40 =	vld.idx.msk [tilespmem:v32+s19+$0x0], $0xffff  }
0x390: {  	v42 =	vld.idx.msk [tilespmem:v35+s20+$0x0], $0xffff;
	v1 =	vadd.f32 v3, v1;
	v3 =	vmul.f32 v33, v34  }
0x391: {  	v44 =	vor.u32 $0x1A, v2;
	v43 =	vld.idx.msk [tilespmem:v35+s19+$0x0], $0xffff  }
0x392: {  	v45 =	vld.idx.msk [tilespmem:v38+s20+$0x0], $0xffff;
	v1 =	vadd.f32 v3, v1;
	v3 =	vmul.f32 v36, v37  }
0x393: {  	v47 =	vor.u32 $0x1B, v2;
	v46 =	vld.idx.msk [tilespmem:v38+s19+$0x0], $0xffff  }
0x394: {  	v48 =	vld.idx.msk [tilespmem:v41+s20+$0x0], $0xffff;
	v1 =	vadd.f32 v3, v1;
	v3 =	vmul.f32 v39, v40  }
0x395: {  	v50 =	vor.u32 $0x1C, v2;
	v49 =	vld.idx.msk [tilespmem:v41+s19+$0x0], $0xffff  }
0x396: {  	v51 =	vld.idx.msk [tilespmem:v44+s20+$0x0], $0xffff;
	v1 =	vadd.f32 v3, v1;
	v3 =	vmul.f32 v42, v43  }
0x397: {  	v53 =	vor.u32 $0x1D, v2;
	v52 =	vld.idx.msk [tilespmem:v44+s19+$0x0], $0xffff  }
0x398: {  	v54 =	vld.idx.msk [tilespmem:v47+s20+$0x0], $0xffff;
	v1 =	vadd.f32 v3, v1;
	v3 =	vmul.f32 v45, v46  }
0x399: {  	v56 =	vor.u32 $0x1E, v2;
	v55 =	vld.idx.msk [tilespmem:v47+s19+$0x0], $0xffff  }
0x39a: {  	v57 =	vld.idx.msk [tilespmem:v50+s20+$0x0], $0xffff;
	v1 =	vadd.f32 v3, v1;
	v3 =	vmul.f32 v48, v49  }
0x39b: {  	v2 =	vor.u32 $0x1F, v2;
	v58 =	vld.idx.msk [tilespmem:v50+s19+$0x0], $0xffff  }
0x39c: {  	v59 =	vld.idx.msk [tilespmem:v53+s20+$0x0], $0xffff;
	v1 =	vadd.f32 v3, v1;
	v3 =	vmul.f32 v51, v52  }
0x39d: {  	v60 =	vld.idx.msk [tilespmem:v53+s19+$0x0], $0xffff  }
0x39e: {  	v62 =	vld.idx.msk [tilespmem:v56+s19+$0x0], $0xffff;
	v1 =	vadd.f32 v3, v1;
	v3 =	vmul.f32 v54, v55  }
0x39f: {  	v61 =	vld.idx.msk [tilespmem:v56+s20+$0x0], $0xffff  }
0x3a0: {  	v63 =	vld.idx.msk [tilespmem:v2+s20+$0x0], $0xffff;
	v1 =	vadd.f32 v3, v1;
	v3 =	vmul.f32 v57, v58  }
0x3a1: {  	v2 =	vld.idx.msk [tilespmem:v2+s19+$0x0], $0xffff  }
0x3a2: {  	v1 =	vadd.f32 v3, v1;
	v3 =	vmul.f32 v59, v60;
	_ =	sdelay $0x1  }
0x3a3: {  	v1 =	vadd.f32 v3, v1;
	v3 =	vmul.f32 v61, v62;
	_ =	sdelay $0x1  }
0x3a4: {  	v2 =	vmul.f32 v63, v2;
	v1 =	vadd.f32 v3, v1;
	_ =	sdelay $0x1  }
0x3a5: {  	s23 =	sadd.s32 $0x1, s23;
	v1 =	vadd.f32 v2, v1  }
0x3a6: {  	p0 =	sne.s32 s23, s11  }
.Ltmp2:
0x3a7: {  	[tilespmem:s26+$0x0] =	vst v1;
	(pc) =	sbr.rel @p0 .LBB2_1-.Ltmp2, $4  }
0x3a8: {  	[hbm4b:s10+s2] =	stream.linear.scatter [tilespmem:s22], [sflag:$0x2], $0x200, $0x38;
	[tilespmem:$0x10A80] =	vst v63  }
0x3a9: {  	_ =	swait.ge [sflag:s12], $0x200  }
0x3aa: {  	[sflag:s12] =	ssyncset.done $0x0  }
0x3ab: {  	[sflag:s12] =	ssyncadd.s32 $0xFFFFFE00  }
0x3ac: {  	_ =	sfence.sel $0x180000  }
0x3ad: {  	[bflag:$0x0] =	sbarrier.arrive $0xFFFF  }
0x3ae: {  	p0 =	sne.s32 s3, $0x0;
	_ =	strace $0x90000047  }
0x3af: {  	s0 =	sadd.s32 @!p0 $0x100000, s0;
	[bflag:$0x2] =	sbarrier.arrive $0xFFFF  }
0x3b0: {  	[sflag:s0] =	ssyncadd.tile.s32 @!p0 $0x1;
	_ =	shalt  }
.Lfunc_end2:
_tile_overlayer_lowered:
.L_overlay_start_2:
0x3b1: {  	(tag) =	ssettag $0x2  }
0x3b2: {  	s0 =	rddreg [dreg:$0x0];
	s2 =	stileid.u32  }
0x3b3: {  	s1 =	rddreg [dreg:$0x1];
	p0 =	sne.s32 s2, $0x0  }
0x3b4: {  	s3 =	rddreg [dreg:$0x2];
	[bflag:$0x3] =	sbarrier.arrive $0xFFFF;
	s2 =	simm.s32 @!p0 $0x1C02  }
0x3b5: {  	[timem:s3], [sflag:s2] =	dma.local @!p0 [hbm:s0], s1  }
0x3b6: {  	s0 =	simm.s32 @!p0 $0x2  }
0x3b7: {  	_ =	swait.ge @!p0 [sflag:s0], s1  }
0x3b8: {  	s1 =	ssub.s32 @!p0 $0x0, s1;
	[sflag:s0] =	ssyncset.done @!p0 $0x0  }
0x3b9: {  	[sflag:s0] =	ssyncadd.s32 @!p0 s1  }
0x3ba: {  	[bflag:$0x3] =	sbarrier.arrive $0xFFFF  }
0x3bb: {  	_ =	shalt  }

</sc_bundles>
